<compile_context>
chip_gen: v7x
topology: tpu7x:2x2x1
jax: 0.10.2.dev20260603
libtpu: 0.0.44.dev20260713+nightly
codegen_flags: <defaults>
</compile_context>

<pallas_src>
import jax
import jax.numpy as jnp
from jax import lax
from jax.experimental import pallas as pl
from jax.experimental.pallas import tpu as pltpu
from jax.experimental.pallas import tpu_sc as plsc

K = 32
B = 16384

NC = 2
NS = 16
NW = NC * NS
BPW = B // NW
NCHUNK = BPW // 128
NGROUP = BPW // 16


def _gmf_body(x_hbm, wb_hbm, user_hbm, item_hbm, out_hbm,
              xv, uidx_lo, uidx_hi, iidx_lo, iidx_hi,
              ulo, uhi, ilo, ihi, wbv, outv, sem):
    wid = lax.axis_index("s") * NC + lax.axis_index("c")
    base = wid * BPW

    pltpu.sync_copy(x_hbm.at[pl.ds(base * 2, 2 * BPW)], xv)
    pltpu.sync_copy(wb_hbm, wbv)

    iota16 = lax.iota(jnp.int32, 16)

    for j in range(NGROUP):
        chunk, off = (j * 16) // 128, (j * 16) % 128
        ucol = plsc.load_gather(xv, [iota16 * 2 + (j * 32)])
        icol = plsc.load_gather(xv, [iota16 * 2 + (j * 32 + 1)])
        uidx_lo[chunk, pl.ds(off, 16)] = ucol * 2
        uidx_hi[chunk, pl.ds(off, 16)] = ucol * 2 + 1
        iidx_lo[chunk, pl.ds(off, 16)] = icol * 2
        iidx_hi[chunk, pl.ds(off, 16)] = icol * 2 + 1

    copies = []
    for c in range(NCHUNK):
        for idxref, table, dst in ((uidx_lo, user_hbm, ulo),
                                   (uidx_hi, user_hbm, uhi),
                                   (iidx_lo, item_hbm, ilo),
                                   (iidx_hi, item_hbm, ihi)):
            copies.append(pltpu.async_copy(
                table.at[idxref.at[c]], dst.at[pl.ds(c * 128, 128)], sem))
    for cp in copies:
        cp.wait()

    w0 = wbv[pl.ds(0, 16)]
    w1 = wbv[pl.ds(16, 16)]
    bias = wbv[pl.ds(24, 16)][8]

    def group(g, carry):
        rows = iota16 + g * 16
        acc = jnp.zeros((16,), jnp.float32)
        for k in range(K):
            uref = ulo if k < 16 else uhi
            iref = ilo if k < 16 else ihi
            kvec = jnp.full((16,), k % 16, jnp.int32)
            ucol = plsc.load_gather(uref, [rows, kvec])
            icol = plsc.load_gather(iref, [rows, kvec])
            wk = w0[k] if k < 16 else w1[k - 16]
            acc = acc + ucol * icol * wk
        z = acc + bias
        outv[pl.ds(g * 16, 16)] = 1.0 / (1.0 + jnp.exp(-z))
        return carry

    lax.fori_loop(0, NGROUP, group, None)

    pltpu.sync_copy(outv, out_hbm.at[pl.ds(base, BPW)])


@jax.jit
def kernel(x, user_table, item_table, W, b):
    wb = jnp.concatenate([W.reshape(K), jnp.pad(b, (0, 7))]).astype(jnp.float32)
    mesh = plsc.VectorSubcoreMesh(core_axis_name="c", subcore_axis_name="s")
    out = pl.kernel(
        _gmf_body,
        out_type=jax.ShapeDtypeStruct((B,), jnp.float32),
        mesh=mesh,
        compiler_params=pltpu.CompilerParams(
            needs_layout_passes=False, use_tc_tiling_on_sc=False),
        scratch_types=[
            pltpu.VMEM((2 * BPW,), jnp.int32),
            pltpu.VMEM((NCHUNK, 128), jnp.int32),
            pltpu.VMEM((NCHUNK, 128), jnp.int32),
            pltpu.VMEM((NCHUNK, 128), jnp.int32),
            pltpu.VMEM((NCHUNK, 128), jnp.int32),
            pltpu.VMEM((BPW, 16), jnp.float32),
            pltpu.VMEM((BPW, 16), jnp.float32),
            pltpu.VMEM((BPW, 16), jnp.float32),
            pltpu.VMEM((BPW, 16), jnp.float32),
            pltpu.VMEM((40,), jnp.float32),
            pltpu.VMEM((BPW,), jnp.float32),
            pltpu.SemaphoreType.DMA,
        ],
    )(x.astype(jnp.int32).reshape(2 * B),
      wb,
      user_table.reshape(-1, 16),
      item_table.reshape(-1, 16))
    return out.reshape(B, 1, 1)

# --- scband reference (transcript-rebuilt; emitter-appended) ---
"""Pipeline reference for scband-gmf-54065048323062 (READ-ONLY COPY).

The authoritative reference and input builder live on the scoring server;
editing this copy changes nothing except your own understanding.
"""

import jax, jax.numpy as jnp
import numpy as np

M = 1000000
N = 1000000
K = 32
B = 16384

def setup_inputs(seed: int = 0) -> dict:
    key = jax.random.key(seed)
    k1, k2, k3, k4, k5 = jax.random.split(key, 5)
    x = jax.random.randint(k1, (B, 2), 0, N, dtype=jnp.int64) if jax.config.jax_enable_x64 else jax.random.randint(k1, (B, 2), 0, N, dtype=jnp.int32)
    user_table = jax.random.normal(k2, (M, K), dtype=jnp.float32)
    item_table = jax.random.normal(k3, (N, K), dtype=jnp.float32)
    W = jax.random.normal(k4, (K, 1), dtype=jnp.float32) * (1.0 / np.sqrt(K))
    b = jax.random.normal(k5, (1,), dtype=jnp.float32) * 0.01
    return {"x": x, "user_table": user_table, "item_table": item_table, "W": W, "b": b}

def reference(x, user_table, item_table, W, b):
    user = x[..., 0:1]  # [B, 1]
    item = x[..., 1:2]  # [B, 1]
    user_embedding = jnp.take(user_table, user, axis=0)  # [B, 1, K]
    item_embedding = jnp.take(item_table, item, axis=0)  # [B, 1, K]
    h = user_embedding * item_embedding                  # [B, 1, K]
    logits = h @ W + b                                   # [B, 1, 1]
    out = jax.nn.sigmoid(logits)
    return out

if __name__ == "__main__":
    import jax
    _d = setup_inputs()
    print(jax.jit(kernel)(*tuple(_d.values())))

</pallas_src>

<mosaic_0001>
#map = affine_map<(d0, d1) -> (0)>
#map1 = affine_map<(d0, d1) -> (0, 0)>
module attributes {stable_mosaic.version = 14 : i64} {
  func.func @_gmf_body(%arg0: i32, %arg1: i32, %arg2: memref<32768xi32, #tpu.memory_space<hbm>>, %arg3: memref<40xf32, #tpu.memory_space<hbm>>, %arg4: memref<2000000x16xf32, #tpu.memory_space<hbm>>, %arg5: memref<2000000x16xf32, #tpu.memory_space<hbm>>, %arg6: memref<16384xf32, #tpu.memory_space<hbm>>, %arg7: memref<1024xi32, #tpu.memory_space<vmem>>, %arg8: memref<4x128xi32, #tpu.memory_space<vmem>>, %arg9: memref<4x128xi32, #tpu.memory_space<vmem>>, %arg10: memref<4x128xi32, #tpu.memory_space<vmem>>, %arg11: memref<4x128xi32, #tpu.memory_space<vmem>>, %arg12: memref<512x16xf32, #tpu.memory_space<vmem>>, %arg13: memref<512x16xf32, #tpu.memory_space<vmem>>, %arg14: memref<512x16xf32, #tpu.memory_space<vmem>>, %arg15: memref<512x16xf32, #tpu.memory_space<vmem>>, %arg16: memref<40xf32, #tpu.memory_space<vmem>>, %arg17: memref<512xf32, #tpu.memory_space<vmem>>, %arg18: memref<!tpu.dma_semaphore, #tpu.memory_space<semaphore_mem>>) attributes {dimension_semantics = [#tpu.dimension_semantics<core_parallel>, #tpu.dimension_semantics<subcore_parallel>], iteration_bounds = array<i64: 2, 16>, scalar_prefetch = 0 : i64, scratch_operands = 12 : i64, tpu.core_type = #tpu.core_type<sc_vector_subcore>, window_params = [{transform_indices = #map}, {transform_indices = #map}, {transform_indices = #map1}, {transform_indices = #map1}, {transform_indices = #map}]} {
    %mul3A = arith.constant 2 : i32
    %mul3A_0 = arith.muli %arg1, %mul3A : i32
    %add3A = arith.addi %mul3A_0, %arg0 : i32
    %mul3A_1 = arith.constant 512 : i32
    %mul3A_2 = arith.muli %add3A, %mul3A_1 : i32
    %mul3A_3 = arith.constant 2 : i32
    %mul3A_4 = arith.muli %mul3A_2, %mul3A_3 : i32
    "tpu.region"() ({
      %run_scoped3A = tpu.sem_alloc : memref<!tpu.dma_semaphore, #tpu.memory_space<semaphore_mem>>
      %dma_start3A_1866 = tpu.memref_slice %arg2[%mul3A_4] : memref<32768xi32, #tpu.memory_space<hbm>> -> memref<1024xi32, #tpu.memory_space<hbm>>
      %dma_start3A_1867 = tpu.memref_slice %arg2[%mul3A_4] : memref<32768xi32, #tpu.memory_space<hbm>> -> memref<1024xi32, #tpu.memory_space<hbm>>
      tpu.enqueue_dma source(%dma_start3A_1867 : memref<1024xi32, #tpu.memory_space<hbm>>) target(%arg7 : memref<1024xi32, #tpu.memory_space<vmem>>) target_semaphore(%run_scoped3A : memref<!tpu.dma_semaphore, #tpu.memory_space<semaphore_mem>>)
      %dma_wait3A_1868 = tpu.memref_slice %arg2[%mul3A_4] : memref<32768xi32, #tpu.memory_space<hbm>> -> memref<1024xi32, #tpu.memory_space<hbm>>
      %dma_wait3A_1869 = tpu.memref_slice %arg2[%mul3A_4] : memref<32768xi32, #tpu.memory_space<hbm>> -> memref<1024xi32, #tpu.memory_space<hbm>>
      tpu.wait_dma2 semaphore(%run_scoped3A : memref<!tpu.dma_semaphore, #tpu.memory_space<semaphore_mem>>) src(%dma_wait3A_1869 : memref<1024xi32, #tpu.memory_space<hbm>>) dst(%arg7 : memref<1024xi32, #tpu.memory_space<vmem>>)
      tpu.yield
    }) : () -> ()
    "tpu.region"() ({
      %run_scoped3A = tpu.sem_alloc : memref<!tpu.dma_semaphore, #tpu.memory_space<semaphore_mem>>
      tpu.enqueue_dma source(%arg3 : memref<40xf32, #tpu.memory_space<hbm>>) target(%arg16 : memref<40xf32, #tpu.memory_space<vmem>>) target_semaphore(%run_scoped3A : memref<!tpu.dma_semaphore, #tpu.memory_space<semaphore_mem>>)
      tpu.wait_dma2 semaphore(%run_scoped3A : memref<!tpu.dma_semaphore, #tpu.memory_space<semaphore_mem>>) src(%arg3 : memref<40xf32, #tpu.memory_space<hbm>>) dst(%arg16 : memref<40xf32, #tpu.memory_space<vmem>>)
      tpu.yield
    }) : () -> ()
    %iota3A = tpu.iota {dimensions = array<i32: 0>} : vector<16xi32>
    %mul3A_5 = arith.constant 2 : i32
    %mul3A_6 = vector.broadcast %mul3A_5 : i32 to vector<16xi32>
    %mul3A_7 = arith.muli %iota3A, %mul3A_6 : vector<16xi32>
    %add3A_8 = arith.constant 0 : i32
    %add3A_9 = vector.broadcast %add3A_8 : i32 to vector<16xi32>
    %add3A_10 = arith.addi %mul3A_7, %add3A_9 : vector<16xi32>
    %gather3A = tpu.vector_load_idx %arg7[%add3A_10] : memref<1024xi32, #tpu.memory_space<vmem>>[vector<16xi32>], vector<16xi32>,
    %mul3A_11 = arith.constant 2 : i32
    %mul3A_12 = vector.broadcast %mul3A_11 : i32 to vector<16xi32>
    %mul3A_13 = arith.muli %iota3A, %mul3A_12 : vector<16xi32>
    %add3A_14 = arith.constant 1 : i32
    %add3A_15 = vector.broadcast %add3A_14 : i32 to vector<16xi32>
    %add3A_16 = arith.addi %mul3A_13, %add3A_15 : vector<16xi32>
    %gather3A_17 = tpu.vector_load_idx %arg7[%add3A_16] : memref<1024xi32, #tpu.memory_space<vmem>>[vector<16xi32>], vector<16xi32>,
    %mul3A_18 = arith.constant 2 : i32
    %mul3A_19 = vector.broadcast %mul3A_18 : i32 to vector<16xi32>
    %mul3A_20 = arith.muli %gather3A, %mul3A_19 : vector<16xi32>
    %swap3A = arith.constant 0 : i32
    %swap3A_21 = arith.index_cast %swap3A : i32 to index
    %swap3A_22 = arith.constant 0 : index
    %swap3A_23 = tpu.vector_load %arg8[%swap3A_21, %swap3A_22] {strides = array<i32>} : memref<4x128xi32, #tpu.memory_space<vmem>>, vector<16xi32>,
    tpu.vector_store %arg8[%swap3A_21, %swap3A_22], %mul3A_20 {strides = array<i32>} : memref<4x128xi32, #tpu.memory_space<vmem>>, vector<16xi32>,
    %mul3A_24 = arith.constant 2 : i32
    %mul3A_25 = vector.broadcast %mul3A_24 : i32 to vector<16xi32>
    %mul3A_26 = arith.muli %gather3A, %mul3A_25 : vector<16xi32>
    %add3A_27 = arith.constant 1 : i32
    %add3A_28 = vector.broadcast %add3A_27 : i32 to vector<16xi32>
    %add3A_29 = arith.addi %mul3A_26, %add3A_28 : vector<16xi32>
    %swap3A_30 = arith.constant 0 : i32
    %swap3A_31 = arith.index_cast %swap3A_30 : i32 to index
    %swap3A_32 = arith.constant 0 : index
    %swap3A_33 = tpu.vector_load %arg9[%swap3A_31, %swap3A_32] {strides = array<i32>} : memref<4x128xi32, #tpu.memory_space<vmem>>, vector<16xi32>,
    tpu.vector_store %arg9[%swap3A_31, %swap3A_32], %add3A_29 {strides = array<i32>} : memref<4x128xi32, #tpu.memory_space<vmem>>, vector<16xi32>,
    %mul3A_34 = arith.constant 2 : i32
    %mul3A_35 = vector.broadcast %mul3A_34 : i32 to vector<16xi32>
    %mul3A_36 = arith.muli %gather3A_17, %mul3A_35 : vector<16xi32>
    %swap3A_37 = arith.constant 0 : i32
    %swap3A_38 = arith.index_cast %swap3A_37 : i32 to index
    %swap3A_39 = arith.constant 0 : index
    %swap3A_40 = tpu.vector_load %arg10[%swap3A_38, %swap3A_39] {strides = array<i32>} : memref<4x128xi32, #tpu.memory_space<vmem>>, vector<16xi32>,
    tpu.vector_store %arg10[%swap3A_38, %swap3A_39], %mul3A_36 {strides = array<i32>} : memref<4x128xi32, #tpu.memory_space<vmem>>, vector<16xi32>,
    %mul3A_41 = arith.constant 2 : i32
    %mul3A_42 = vector.broadcast %mul3A_41 : i32 to vector<16xi32>
    %mul3A_43 = arith.muli %gather3A_17, %mul3A_42 : vector<16xi32>
    %add3A_44 = arith.constant 1 : i32
    %add3A_45 = vector.broadcast %add3A_44 : i32 to vector<16xi32>
    %add3A_46 = arith.addi %mul3A_43, %add3A_45 : vector<16xi32>
    %swap3A_47 = arith.constant 0 : i32
    %swap3A_48 = arith.index_cast %swap3A_47 : i32 to index
    %swap3A_49 = arith.constant 0 : index
    %swap3A_50 = tpu.vector_load %arg11[%swap3A_48, %swap3A_49] {strides = array<i32>} : memref<4x128xi32, #tpu.memory_space<vmem>>, vector<16xi32>,
    tpu.vector_store %arg11[%swap3A_48, %swap3A_49], %add3A_46 {strides = array<i32>} : memref<4x128xi32, #tpu.memory_space<vmem>>, vector<16xi32>,
    %mul3A_51 = arith.constant 2 : i32
    %mul3A_52 = vector.broadcast %mul3A_51 : i32 to vector<16xi32>
    %mul3A_53 = arith.muli %iota3A, %mul3A_52 : vector<16xi32>
    %add3A_54 = arith.constant 32 : i32
    %add3A_55 = vector.broadcast %add3A_54 : i32 to vector<16xi32>
    %add3A_56 = arith.addi %mul3A_53, %add3A_55 : vector<16xi32>
    %gather3A_57 = tpu.vector_load_idx %arg7[%add3A_56] : memref<1024xi32, #tpu.memory_space<vmem>>[vector<16xi32>], vector<16xi32>,
    %mul3A_58 = arith.constant 2 : i32
    %mul3A_59 = vector.broadcast %mul3A_58 : i32 to vector<16xi32>
    %mul3A_60 = arith.muli %iota3A, %mul3A_59 : vector<16xi32>
    %add3A_61 = arith.constant 33 : i32
    %add3A_62 = vector.broadcast %add3A_61 : i32 to vector<16xi32>
    %add3A_63 = arith.addi %mul3A_60, %add3A_62 : vector<16xi32>
    %gather3A_64 = tpu.vector_load_idx %arg7[%add3A_63] : memref<1024xi32, #tpu.memory_space<vmem>>[vector<16xi32>], vector<16xi32>,
    %mul3A_65 = arith.constant 2 : i32
    %mul3A_66 = vector.broadcast %mul3A_65 : i32 to vector<16xi32>
    %mul3A_67 = arith.muli %gather3A_57, %mul3A_66 : vector<16xi32>
    %swap3A_68 = arith.constant 0 : i32
    %swap3A_69 = arith.index_cast %swap3A_68 : i32 to index
    %swap3A_70 = arith.constant 16 : index
    %swap3A_71 = tpu.vector_load %arg8[%swap3A_69, %swap3A_70] {strides = array<i32>} : memref<4x128xi32, #tpu.memory_space<vmem>>, vector<16xi32>,
    tpu.vector_store %arg8[%swap3A_69, %swap3A_70], %mul3A_67 {strides = array<i32>} : memref<4x128xi32, #tpu.memory_space<vmem>>, vector<16xi32>,
    %mul3A_72 = arith.constant 2 : i32
    %mul3A_73 = vector.broadcast %mul3A_72 : i32 to vector<16xi32>
    %mul3A_74 = arith.muli %gather3A_57, %mul3A_73 : vector<16xi32>
    %add3A_75 = arith.constant 1 : i32
    %add3A_76 = vector.broadcast %add3A_75 : i32 to vector<16xi32>
    %add3A_77 = arith.addi %mul3A_74, %add3A_76 : vector<16xi32>
    %swap3A_78 = arith.constant 0 : i32
    %swap3A_79 = arith.index_cast %swap3A_78 : i32 to index
    %swap3A_80 = arith.constant 16 : index
    %swap3A_81 = tpu.vector_load %arg9[%swap3A_79, %swap3A_80] {strides = array<i32>} : memref<4x128xi32, #tpu.memory_space<vmem>>, vector<16xi32>,
    tpu.vector_store %arg9[%swap3A_79, %swap3A_80], %add3A_77 {strides = array<i32>} : memref<4x128xi32, #tpu.memory_space<vmem>>, vector<16xi32>,
    %mul3A_82 = arith.constant 2 : i32
    %mul3A_83 = vector.broadcast %mul3A_82 : i32 to vector<16xi32>
    %mul3A_84 = arith.muli %gather3A_64, %mul3A_83 : vector<16xi32>
    %swap3A_85 = arith.constant 0 : i32
    %swap3A_86 = arith.index_cast %swap3A_85 : i32 to index
    %swap3A_87 = arith.constant 16 : index
    %swap3A_88 = tpu.vector_load %arg10[%swap3A_86, %swap3A_87] {strides = array<i32>} : memref<4x128xi32, #tpu.memory_space<vmem>>, vector<16xi32>,
    tpu.vector_store %arg10[%swap3A_86, %swap3A_87], %mul3A_84 {strides = array<i32>} : memref<4x128xi32, #tpu.memory_space<vmem>>, vector<16xi32>,
    %mul3A_89 = arith.constant 2 : i32
    %mul3A_90 = vector.broadcast %mul3A_89 : i32 to vector<16xi32>
    %mul3A_91 = arith.muli %gather3A_64, %mul3A_90 : vector<16xi32>
    %add3A_92 = arith.constant 1 : i32
    %add3A_93 = vector.broadcast %add3A_92 : i32 to vector<16xi32>
    %add3A_94 = arith.addi %mul3A_91, %add3A_93 : vector<16xi32>
    %swap3A_95 = arith.constant 0 : i32
    %swap3A_96 = arith.index_cast %swap3A_95 : i32 to index
    %swap3A_97 = arith.constant 16 : index
    %swap3A_98 = tpu.vector_load %arg11[%swap3A_96, %swap3A_97] {strides = array<i32>} : memref<4x128xi32, #tpu.memory_space<vmem>>, vector<16xi32>,
    tpu.vector_store %arg11[%swap3A_96, %swap3A_97], %add3A_94 {strides = array<i32>} : memref<4x128xi32, #tpu.memory_space<vmem>>, vector<16xi32>,
    %mul3A_99 = arith.constant 2 : i32
    %mul3A_100 = vector.broadcast %mul3A_99 : i32 to vector<16xi32>
    %mul3A_101 = arith.muli %iota3A, %mul3A_100 : vector<16xi32>
    %add3A_102 = arith.constant 64 : i32
    %add3A_103 = vector.broadcast %add3A_102 : i32 to vector<16xi32>
    %add3A_104 = arith.addi %mul3A_101, %add3A_103 : vector<16xi32>
    %gather3A_105 = tpu.vector_load_idx %arg7[%add3A_104] : memref<1024xi32, #tpu.memory_space<vmem>>[vector<16xi32>], vector<16xi32>,
    %mul3A_106 = arith.constant 2 : i32
    %mul3A_107 = vector.broadcast %mul3A_106 : i32 to vector<16xi32>
    %mul3A_108 = arith.muli %iota3A, %mul3A_107 : vector<16xi32>
    %add3A_109 = arith.constant 65 : i32
    %add3A_110 = vector.broadcast %add3A_109 : i32 to vector<16xi32>
    %add3A_111 = arith.addi %mul3A_108, %add3A_110 : vector<16xi32>
    %gather3A_112 = tpu.vector_load_idx %arg7[%add3A_111] : memref<1024xi32, #tpu.memory_space<vmem>>[vector<16xi32>], vector<16xi32>,
    %mul3A_113 = arith.constant 2 : i32
    %mul3A_114 = vector.broadcast %mul3A_113 : i32 to vector<16xi32>
    %mul3A_115 = arith.muli %gather3A_105, %mul3A_114 : vector<16xi32>
    %swap3A_116 = arith.constant 0 : i32
    %swap3A_117 = arith.index_cast %swap3A_116 : i32 to index
    %swap3A_118 = arith.constant 32 : index
    %swap3A_119 = tpu.vector_load %arg8[%swap3A_117, %swap3A_118] {strides = array<i32>} : memref<4x128xi32, #tpu.memory_space<vmem>>, vector<16xi32>,
    tpu.vector_store %arg8[%swap3A_117, %swap3A_118], %mul3A_115 {strides = array<i32>} : memref<4x128xi32, #tpu.memory_space<vmem>>, vector<16xi32>,
    %mul3A_120 = arith.constant 2 : i32
    %mul3A_121 = vector.broadcast %mul3A_120 : i32 to vector<16xi32>
    %mul3A_122 = arith.muli %gather3A_105, %mul3A_121 : vector<16xi32>
    %add3A_123 = arith.constant 1 : i32
    %add3A_124 = vector.broadcast %add3A_123 : i32 to vector<16xi32>
    %add3A_125 = arith.addi %mul3A_122, %add3A_124 : vector<16xi32>
    %swap3A_126 = arith.constant 0 : i32
    %swap3A_127 = arith.index_cast %swap3A_126 : i32 to index
    %swap3A_128 = arith.constant 32 : index
    %swap3A_129 = tpu.vector_load %arg9[%swap3A_127, %swap3A_128] {strides = array<i32>} : memref<4x128xi32, #tpu.memory_space<vmem>>, vector<16xi32>,
    tpu.vector_store %arg9[%swap3A_127, %swap3A_128], %add3A_125 {strides = array<i32>} : memref<4x128xi32, #tpu.memory_space<vmem>>, vector<16xi32>,
    %mul3A_130 = arith.constant 2 : i32
    %mul3A_131 = vector.broadcast %mul3A_130 : i32 to vector<16xi32>
    %mul3A_132 = arith.muli %gather3A_112, %mul3A_131 : vector<16xi32>
    %swap3A_133 = arith.constant 0 : i32
    %swap3A_134 = arith.index_cast %swap3A_133 : i32 to index
    %swap3A_135 = arith.constant 32 : index
    %swap3A_136 = tpu.vector_load %arg10[%swap3A_134, %swap3A_135] {strides = array<i32>} : memref<4x128xi32, #tpu.memory_space<vmem>>, vector<16xi32>,
    tpu.vector_store %arg10[%swap3A_134, %swap3A_135], %mul3A_132 {strides = array<i32>} : memref<4x128xi32, #tpu.memory_space<vmem>>, vector<16xi32>,
    %mul3A_137 = arith.constant 2 : i32
    %mul3A_138 = vector.broadcast %mul3A_137 : i32 to vector<16xi32>
    %mul3A_139 = arith.muli %gather3A_112, %mul3A_138 : vector<16xi32>
    %add3A_140 = arith.constant 1 : i32
    %add3A_141 = vector.broadcast %add3A_140 : i32 to vector<16xi32>
    %add3A_142 = arith.addi %mul3A_139, %add3A_141 : vector<16xi32>
    %swap3A_143 = arith.constant 0 : i32
    %swap3A_144 = arith.index_cast %swap3A_143 : i32 to index
    %swap3A_145 = arith.constant 32 : index
    %swap3A_146 = tpu.vector_load %arg11[%swap3A_144, %swap3A_145] {strides = array<i32>} : memref<4x128xi32, #tpu.memory_space<vmem>>, vector<16xi32>,
    tpu.vector_store %arg11[%swap3A_144, %swap3A_145], %add3A_142 {strides = array<i32>} : memref<4x128xi32, #tpu.memory_space<vmem>>, vector<16xi32>,
    %mul3A_147 = arith.constant 2 : i32
    %mul3A_148 = vector.broadcast %mul3A_147 : i32 to vector<16xi32>
    %mul3A_149 = arith.muli %iota3A, %mul3A_148 : vector<16xi32>
    %add3A_150 = arith.constant 96 : i32
    %add3A_151 = vector.broadcast %add3A_150 : i32 to vector<16xi32>
    %add3A_152 = arith.addi %mul3A_149, %add3A_151 : vector<16xi32>
    %gather3A_153 = tpu.vector_load_idx %arg7[%add3A_152] : memref<1024xi32, #tpu.memory_space<vmem>>[vector<16xi32>], vector<16xi32>,
    %mul3A_154 = arith.constant 2 : i32
    %mul3A_155 = vector.broadcast %mul3A_154 : i32 to vector<16xi32>
    %mul3A_156 = arith.muli %iota3A, %mul3A_155 : vector<16xi32>
    %add3A_157 = arith.constant 97 : i32
    %add3A_158 = vector.broadcast %add3A_157 : i32 to vector<16xi32>
    %add3A_159 = arith.addi %mul3A_156, %add3A_158 : vector<16xi32>
    %gather3A_160 = tpu.vector_load_idx %arg7[%add3A_159] : memref<1024xi32, #tpu.memory_space<vmem>>[vector<16xi32>], vector<16xi32>,
    %mul3A_161 = arith.constant 2 : i32
    %mul3A_162 = vector.broadcast %mul3A_161 : i32 to vector<16xi32>
    %mul3A_163 = arith.muli %gather3A_153, %mul3A_162 : vector<16xi32>
    %swap3A_164 = arith.constant 0 : i32
    %swap3A_165 = arith.index_cast %swap3A_164 : i32 to index
    %swap3A_166 = arith.constant 48 : index
    %swap3A_167 = tpu.vector_load %arg8[%swap3A_165, %swap3A_166] {strides = array<i32>} : memref<4x128xi32, #tpu.memory_space<vmem>>, vector<16xi32>,
    tpu.vector_store %arg8[%swap3A_165, %swap3A_166], %mul3A_163 {strides = array<i32>} : memref<4x128xi32, #tpu.memory_space<vmem>>, vector<16xi32>,
    %mul3A_168 = arith.constant 2 : i32
    %mul3A_169 = vector.broadcast %mul3A_168 : i32 to vector<16xi32>
    %mul3A_170 = arith.muli %gather3A_153, %mul3A_169 : vector<16xi32>
    %add3A_171 = arith.constant 1 : i32
    %add3A_172 = vector.broadcast %add3A_171 : i32 to vector<16xi32>
    %add3A_173 = arith.addi %mul3A_170, %add3A_172 : vector<16xi32>
    %swap3A_174 = arith.constant 0 : i32
    %swap3A_175 = arith.index_cast %swap3A_174 : i32 to index
    %swap3A_176 = arith.constant 48 : index
    %swap3A_177 = tpu.vector_load %arg9[%swap3A_175, %swap3A_176] {strides = array<i32>} : memref<4x128xi32, #tpu.memory_space<vmem>>, vector<16xi32>,
    tpu.vector_store %arg9[%swap3A_175, %swap3A_176], %add3A_173 {strides = array<i32>} : memref<4x128xi32, #tpu.memory_space<vmem>>, vector<16xi32>,
    %mul3A_178 = arith.constant 2 : i32
    %mul3A_179 = vector.broadcast %mul3A_178 : i32 to vector<16xi32>
    %mul3A_180 = arith.muli %gather3A_160, %mul3A_179 : vector<16xi32>
    %swap3A_181 = arith.constant 0 : i32
    %swap3A_182 = arith.index_cast %swap3A_181 : i32 to index
    %swap3A_183 = arith.constant 48 : index
    %swap3A_184 = tpu.vector_load %arg10[%swap3A_182, %swap3A_183] {strides = array<i32>} : memref<4x128xi32, #tpu.memory_space<vmem>>, vector<16xi32>,
    tpu.vector_store %arg10[%swap3A_182, %swap3A_183], %mul3A_180 {strides = array<i32>} : memref<4x128xi32, #tpu.memory_space<vmem>>, vector<16xi32>,
    %mul3A_185 = arith.constant 2 : i32
    %mul3A_186 = vector.broadcast %mul3A_185 : i32 to vector<16xi32>
    %mul3A_187 = arith.muli %gather3A_160, %mul3A_186 : vector<16xi32>
    %add3A_188 = arith.constant 1 : i32
    %add3A_189 = vector.broadcast %add3A_188 : i32 to vector<16xi32>
    %add3A_190 = arith.addi %mul3A_187, %add3A_189 : vector<16xi32>
    %swap3A_191 = arith.constant 0 : i32
    %swap3A_192 = arith.index_cast %swap3A_191 : i32 to index
    %swap3A_193 = arith.constant 48 : index
    %swap3A_194 = tpu.vector_load %arg11[%swap3A_192, %swap3A_193] {strides = array<i32>} : memref<4x128xi32, #tpu.memory_space<vmem>>, vector<16xi32>,
    tpu.vector_store %arg11[%swap3A_192, %swap3A_193], %add3A_190 {strides = array<i32>} : memref<4x128xi32, #tpu.memory_space<vmem>>, vector<16xi32>,
    %mul3A_195 = arith.constant 2 : i32
    %mul3A_196 = vector.broadcast %mul3A_195 : i32 to vector<16xi32>
    %mul3A_197 = arith.muli %iota3A, %mul3A_196 : vector<16xi32>
    %add3A_198 = arith.constant 128 : i32
    %add3A_199 = vector.broadcast %add3A_198 : i32 to vector<16xi32>
    %add3A_200 = arith.addi %mul3A_197, %add3A_199 : vector<16xi32>
    %gather3A_201 = tpu.vector_load_idx %arg7[%add3A_200] : memref<1024xi32, #tpu.memory_space<vmem>>[vector<16xi32>], vector<16xi32>,
    %mul3A_202 = arith.constant 2 : i32
    %mul3A_203 = vector.broadcast %mul3A_202 : i32 to vector<16xi32>
    %mul3A_204 = arith.muli %iota3A, %mul3A_203 : vector<16xi32>
    %add3A_205 = arith.constant 129 : i32
    %add3A_206 = vector.broadcast %add3A_205 : i32 to vector<16xi32>
    %add3A_207 = arith.addi %mul3A_204, %add3A_206 : vector<16xi32>
    %gather3A_208 = tpu.vector_load_idx %arg7[%add3A_207] : memref<1024xi32, #tpu.memory_space<vmem>>[vector<16xi32>], vector<16xi32>,
    %mul3A_209 = arith.constant 2 : i32
    %mul3A_210 = vector.broadcast %mul3A_209 : i32 to vector<16xi32>
    %mul3A_211 = arith.muli %gather3A_201, %mul3A_210 : vector<16xi32>
    %swap3A_212 = arith.constant 0 : i32
    %swap3A_213 = arith.index_cast %swap3A_212 : i32 to index
    %swap3A_214 = arith.constant 64 : index
    %swap3A_215 = tpu.vector_load %arg8[%swap3A_213, %swap3A_214] {strides = array<i32>} : memref<4x128xi32, #tpu.memory_space<vmem>>, vector<16xi32>,
    tpu.vector_store %arg8[%swap3A_213, %swap3A_214], %mul3A_211 {strides = array<i32>} : memref<4x128xi32, #tpu.memory_space<vmem>>, vector<16xi32>,
    %mul3A_216 = arith.constant 2 : i32
    %mul3A_217 = vector.broadcast %mul3A_216 : i32 to vector<16xi32>
    %mul3A_218 = arith.muli %gather3A_201, %mul3A_217 : vector<16xi32>
    %add3A_219 = arith.constant 1 : i32
    %add3A_220 = vector.broadcast %add3A_219 : i32 to vector<16xi32>
    %add3A_221 = arith.addi %mul3A_218, %add3A_220 : vector<16xi32>
    %swap3A_222 = arith.constant 0 : i32
    %swap3A_223 = arith.index_cast %swap3A_222 : i32 to index
    %swap3A_224 = arith.constant 64 : index
    %swap3A_225 = tpu.vector_load %arg9[%swap3A_223, %swap3A_224] {strides = array<i32>} : memref<4x128xi32, #tpu.memory_space<vmem>>, vector<16xi32>,
    tpu.vector_store %arg9[%swap3A_223, %swap3A_224], %add3A_221 {strides = array<i32>} : memref<4x128xi32, #tpu.memory_space<vmem>>, vector<16xi32>,
    %mul3A_226 = arith.constant 2 : i32
    %mul3A_227 = vector.broadcast %mul3A_226 : i32 to vector<16xi32>
    %mul3A_228 = arith.muli %gather3A_208, %mul3A_227 : vector<16xi32>
    %swap3A_229 = arith.constant 0 : i32
    %swap3A_230 = arith.index_cast %swap3A_229 : i32 to index
    %swap3A_231 = arith.constant 64 : index
    %swap3A_232 = tpu.vector_load %arg10[%swap3A_230, %swap3A_231] {strides = array<i32>} : memref<4x128xi32, #tpu.memory_space<vmem>>, vector<16xi32>,
    tpu.vector_store %arg10[%swap3A_230, %swap3A_231], %mul3A_228 {strides = array<i32>} : memref<4x128xi32, #tpu.memory_space<vmem>>, vector<16xi32>,
    %mul3A_233 = arith.constant 2 : i32
    %mul3A_234 = vector.broadcast %mul3A_233 : i32 to vector<16xi32>
    %mul3A_235 = arith.muli %gather3A_208, %mul3A_234 : vector<16xi32>
    %add3A_236 = arith.constant 1 : i32
    %add3A_237 = vector.broadcast %add3A_236 : i32 to vector<16xi32>
    %add3A_238 = arith.addi %mul3A_235, %add3A_237 : vector<16xi32>
    %swap3A_239 = arith.constant 0 : i32
    %swap3A_240 = arith.index_cast %swap3A_239 : i32 to index
    %swap3A_241 = arith.constant 64 : index
    %swap3A_242 = tpu.vector_load %arg11[%swap3A_240, %swap3A_241] {strides = array<i32>} : memref<4x128xi32, #tpu.memory_space<vmem>>, vector<16xi32>,
    tpu.vector_store %arg11[%swap3A_240, %swap3A_241], %add3A_238 {strides = array<i32>} : memref<4x128xi32, #tpu.memory_space<vmem>>, vector<16xi32>,
    %mul3A_243 = arith.constant 2 : i32
    %mul3A_244 = vector.broadcast %mul3A_243 : i32 to vector<16xi32>
    %mul3A_245 = arith.muli %iota3A, %mul3A_244 : vector<16xi32>
    %add3A_246 = arith.constant 160 : i32
    %add3A_247 = vector.broadcast %add3A_246 : i32 to vector<16xi32>
    %add3A_248 = arith.addi %mul3A_245, %add3A_247 : vector<16xi32>
    %gather3A_249 = tpu.vector_load_idx %arg7[%add3A_248] : memref<1024xi32, #tpu.memory_space<vmem>>[vector<16xi32>], vector<16xi32>,
    %mul3A_250 = arith.constant 2 : i32
    %mul3A_251 = vector.broadcast %mul3A_250 : i32 to vector<16xi32>
    %mul3A_252 = arith.muli %iota3A, %mul3A_251 : vector<16xi32>
    %add3A_253 = arith.constant 161 : i32
    %add3A_254 = vector.broadcast %add3A_253 : i32 to vector<16xi32>
    %add3A_255 = arith.addi %mul3A_252, %add3A_254 : vector<16xi32>
    %gather3A_256 = tpu.vector_load_idx %arg7[%add3A_255] : memref<1024xi32, #tpu.memory_space<vmem>>[vector<16xi32>], vector<16xi32>,
    %mul3A_257 = arith.constant 2 : i32
    %mul3A_258 = vector.broadcast %mul3A_257 : i32 to vector<16xi32>
    %mul3A_259 = arith.muli %gather3A_249, %mul3A_258 : vector<16xi32>
    %swap3A_260 = arith.constant 0 : i32
    %swap3A_261 = arith.index_cast %swap3A_260 : i32 to index
    %swap3A_262 = arith.constant 80 : index
    %swap3A_263 = tpu.vector_load %arg8[%swap3A_261, %swap3A_262] {strides = array<i32>} : memref<4x128xi32, #tpu.memory_space<vmem>>, vector<16xi32>,
    tpu.vector_store %arg8[%swap3A_261, %swap3A_262], %mul3A_259 {strides = array<i32>} : memref<4x128xi32, #tpu.memory_space<vmem>>, vector<16xi32>,
    %mul3A_264 = arith.constant 2 : i32
    %mul3A_265 = vector.broadcast %mul3A_264 : i32 to vector<16xi32>
    %mul3A_266 = arith.muli %gather3A_249, %mul3A_265 : vector<16xi32>
    %add3A_267 = arith.constant 1 : i32
    %add3A_268 = vector.broadcast %add3A_267 : i32 to vector<16xi32>
    %add3A_269 = arith.addi %mul3A_266, %add3A_268 : vector<16xi32>
    %swap3A_270 = arith.constant 0 : i32
    %swap3A_271 = arith.index_cast %swap3A_270 : i32 to index
    %swap3A_272 = arith.constant 80 : index
    %swap3A_273 = tpu.vector_load %arg9[%swap3A_271, %swap3A_272] {strides = array<i32>} : memref<4x128xi32, #tpu.memory_space<vmem>>, vector<16xi32>,
    tpu.vector_store %arg9[%swap3A_271, %swap3A_272], %add3A_269 {strides = array<i32>} : memref<4x128xi32, #tpu.memory_space<vmem>>, vector<16xi32>,
    %mul3A_274 = arith.constant 2 : i32
    %mul3A_275 = vector.broadcast %mul3A_274 : i32 to vector<16xi32>
    %mul3A_276 = arith.muli %gather3A_256, %mul3A_275 : vector<16xi32>
    %swap3A_277 = arith.constant 0 : i32
    %swap3A_278 = arith.index_cast %swap3A_277 : i32 to index
    %swap3A_279 = arith.constant 80 : index
    %swap3A_280 = tpu.vector_load %arg10[%swap3A_278, %swap3A_279] {strides = array<i32>} : memref<4x128xi32, #tpu.memory_space<vmem>>, vector<16xi32>,
    tpu.vector_store %arg10[%swap3A_278, %swap3A_279], %mul3A_276 {strides = array<i32>} : memref<4x128xi32, #tpu.memory_space<vmem>>, vector<16xi32>,
    %mul3A_281 = arith.constant 2 : i32
    %mul3A_282 = vector.broadcast %mul3A_281 : i32 to vector<16xi32>
    %mul3A_283 = arith.muli %gather3A_256, %mul3A_282 : vector<16xi32>
    %add3A_284 = arith.constant 1 : i32
    %add3A_285 = vector.broadcast %add3A_284 : i32 to vector<16xi32>
    %add3A_286 = arith.addi %mul3A_283, %add3A_285 : vector<16xi32>
    %swap3A_287 = arith.constant 0 : i32
    %swap3A_288 = arith.index_cast %swap3A_287 : i32 to index
    %swap3A_289 = arith.constant 80 : index
    %swap3A_290 = tpu.vector_load %arg11[%swap3A_288, %swap3A_289] {strides = array<i32>} : memref<4x128xi32, #tpu.memory_space<vmem>>, vector<16xi32>,
    tpu.vector_store %arg11[%swap3A_288, %swap3A_289], %add3A_286 {strides = array<i32>} : memref<4x128xi32, #tpu.memory_space<vmem>>, vector<16xi32>,
    %mul3A_291 = arith.constant 2 : i32
    %mul3A_292 = vector.broadcast %mul3A_291 : i32 to vector<16xi32>
    %mul3A_293 = arith.muli %iota3A, %mul3A_292 : vector<16xi32>
    %add3A_294 = arith.constant 192 : i32
    %add3A_295 = vector.broadcast %add3A_294 : i32 to vector<16xi32>
    %add3A_296 = arith.addi %mul3A_293, %add3A_295 : vector<16xi32>
    %gather3A_297 = tpu.vector_load_idx %arg7[%add3A_296] : memref<1024xi32, #tpu.memory_space<vmem>>[vector<16xi32>], vector<16xi32>,
    %mul3A_298 = arith.constant 2 : i32
    %mul3A_299 = vector.broadcast %mul3A_298 : i32 to vector<16xi32>
    %mul3A_300 = arith.muli %iota3A, %mul3A_299 : vector<16xi32>
    %add3A_301 = arith.constant 193 : i32
    %add3A_302 = vector.broadcast %add3A_301 : i32 to vector<16xi32>
    %add3A_303 = arith.addi %mul3A_300, %add3A_302 : vector<16xi32>
    %gather3A_304 = tpu.vector_load_idx %arg7[%add3A_303] : memref<1024xi32, #tpu.memory_space<vmem>>[vector<16xi32>], vector<16xi32>,
    %mul3A_305 = arith.constant 2 : i32
    %mul3A_306 = vector.broadcast %mul3A_305 : i32 to vector<16xi32>
    %mul3A_307 = arith.muli %gather3A_297, %mul3A_306 : vector<16xi32>
    %swap3A_308 = arith.constant 0 : i32
    %swap3A_309 = arith.index_cast %swap3A_308 : i32 to index
    %swap3A_310 = arith.constant 96 : index
    %swap3A_311 = tpu.vector_load %arg8[%swap3A_309, %swap3A_310] {strides = array<i32>} : memref<4x128xi32, #tpu.memory_space<vmem>>, vector<16xi32>,
    tpu.vector_store %arg8[%swap3A_309, %swap3A_310], %mul3A_307 {strides = array<i32>} : memref<4x128xi32, #tpu.memory_space<vmem>>, vector<16xi32>,
    %mul3A_312 = arith.constant 2 : i32
    %mul3A_313 = vector.broadcast %mul3A_312 : i32 to vector<16xi32>
    %mul3A_314 = arith.muli %gather3A_297, %mul3A_313 : vector<16xi32>
    %add3A_315 = arith.constant 1 : i32
    %add3A_316 = vector.broadcast %add3A_315 : i32 to vector<16xi32>
    %add3A_317 = arith.addi %mul3A_314, %add3A_316 : vector<16xi32>
    %swap3A_318 = arith.constant 0 : i32
    %swap3A_319 = arith.index_cast %swap3A_318 : i32 to index
    %swap3A_320 = arith.constant 96 : index
    %swap3A_321 = tpu.vector_load %arg9[%swap3A_319, %swap3A_320] {strides = array<i32>} : memref<4x128xi32, #tpu.memory_space<vmem>>, vector<16xi32>,
    tpu.vector_store %arg9[%swap3A_319, %swap3A_320], %add3A_317 {strides = array<i32>} : memref<4x128xi32, #tpu.memory_space<vmem>>, vector<16xi32>,
    %mul3A_322 = arith.constant 2 : i32
    %mul3A_323 = vector.broadcast %mul3A_322 : i32 to vector<16xi32>
    %mul3A_324 = arith.muli %gather3A_304, %mul3A_323 : vector<16xi32>
    %swap3A_325 = arith.constant 0 : i32
    %swap3A_326 = arith.index_cast %swap3A_325 : i32 to index
    %swap3A_327 = arith.constant 96 : index
    %swap3A_328 = tpu.vector_load %arg10[%swap3A_326, %swap3A_327] {strides = array<i32>} : memref<4x128xi32, #tpu.memory_space<vmem>>, vector<16xi32>,
    tpu.vector_store %arg10[%swap3A_326, %swap3A_327], %mul3A_324 {strides = array<i32>} : memref<4x128xi32, #tpu.memory_space<vmem>>, vector<16xi32>,
    %mul3A_329 = arith.constant 2 : i32
    %mul3A_330 = vector.broadcast %mul3A_329 : i32 to vector<16xi32>
    %mul3A_331 = arith.muli %gather3A_304, %mul3A_330 : vector<16xi32>
    %add3A_332 = arith.constant 1 : i32
    %add3A_333 = vector.broadcast %add3A_332 : i32 to vector<16xi32>
    %add3A_334 = arith.addi %mul3A_331, %add3A_333 : vector<16xi32>
    %swap3A_335 = arith.constant 0 : i32
    %swap3A_336 = arith.index_cast %swap3A_335 : i32 to index
    %swap3A_337 = arith.constant 96 : index
    %swap3A_338 = tpu.vector_load %arg11[%swap3A_336, %swap3A_337] {strides = array<i32>} : memref<4x128xi32, #tpu.memory_space<vmem>>, vector<16xi32>,
    tpu.vector_store %arg11[%swap3A_336, %swap3A_337], %add3A_334 {strides = array<i32>} : memref<4x128xi32, #tpu.memory_space<vmem>>, vector<16xi32>,
    %mul3A_339 = arith.constant 2 : i32
    %mul3A_340 = vector.broadcast %mul3A_339 : i32 to vector<16xi32>
    %mul3A_341 = arith.muli %iota3A, %mul3A_340 : vector<16xi32>
    %add3A_342 = arith.constant 224 : i32
    %add3A_343 = vector.broadcast %add3A_342 : i32 to vector<16xi32>
    %add3A_344 = arith.addi %mul3A_341, %add3A_343 : vector<16xi32>
    %gather3A_345 = tpu.vector_load_idx %arg7[%add3A_344] : memref<1024xi32, #tpu.memory_space<vmem>>[vector<16xi32>], vector<16xi32>,
    %mul3A_346 = arith.constant 2 : i32
    %mul3A_347 = vector.broadcast %mul3A_346 : i32 to vector<16xi32>
    %mul3A_348 = arith.muli %iota3A, %mul3A_347 : vector<16xi32>
    %add3A_349 = arith.constant 225 : i32
    %add3A_350 = vector.broadcast %add3A_349 : i32 to vector<16xi32>
    %add3A_351 = arith.addi %mul3A_348, %add3A_350 : vector<16xi32>
    %gather3A_352 = tpu.vector_load_idx %arg7[%add3A_351] : memref<1024xi32, #tpu.memory_space<vmem>>[vector<16xi32>], vector<16xi32>,
    %mul3A_353 = arith.constant 2 : i32
    %mul3A_354 = vector.broadcast %mul3A_353 : i32 to vector<16xi32>
    %mul3A_355 = arith.muli %gather3A_345, %mul3A_354 : vector<16xi32>
    %swap3A_356 = arith.constant 0 : i32
    %swap3A_357 = arith.index_cast %swap3A_356 : i32 to index
    %swap3A_358 = arith.constant 112 : index
    %swap3A_359 = tpu.vector_load %arg8[%swap3A_357, %swap3A_358] {strides = array<i32>} : memref<4x128xi32, #tpu.memory_space<vmem>>, vector<16xi32>,
    tpu.vector_store %arg8[%swap3A_357, %swap3A_358], %mul3A_355 {strides = array<i32>} : memref<4x128xi32, #tpu.memory_space<vmem>>, vector<16xi32>,
    %mul3A_360 = arith.constant 2 : i32
    %mul3A_361 = vector.broadcast %mul3A_360 : i32 to vector<16xi32>
    %mul3A_362 = arith.muli %gather3A_345, %mul3A_361 : vector<16xi32>
    %add3A_363 = arith.constant 1 : i32
    %add3A_364 = vector.broadcast %add3A_363 : i32 to vector<16xi32>
    %add3A_365 = arith.addi %mul3A_362, %add3A_364 : vector<16xi32>
    %swap3A_366 = arith.constant 0 : i32
    %swap3A_367 = arith.index_cast %swap3A_366 : i32 to index
    %swap3A_368 = arith.constant 112 : index
    %swap3A_369 = tpu.vector_load %arg9[%swap3A_367, %swap3A_368] {strides = array<i32>} : memref<4x128xi32, #tpu.memory_space<vmem>>, vector<16xi32>,
    tpu.vector_store %arg9[%swap3A_367, %swap3A_368], %add3A_365 {strides = array<i32>} : memref<4x128xi32, #tpu.memory_space<vmem>>, vector<16xi32>,
    %mul3A_370 = arith.constant 2 : i32
    %mul3A_371 = vector.broadcast %mul3A_370 : i32 to vector<16xi32>
    %mul3A_372 = arith.muli %gather3A_352, %mul3A_371 : vector<16xi32>
    %swap3A_373 = arith.constant 0 : i32
    %swap3A_374 = arith.index_cast %swap3A_373 : i32 to index
    %swap3A_375 = arith.constant 112 : index
    %swap3A_376 = tpu.vector_load %arg10[%swap3A_374, %swap3A_375] {strides = array<i32>} : memref<4x128xi32, #tpu.memory_space<vmem>>, vector<16xi32>,
    tpu.vector_store %arg10[%swap3A_374, %swap3A_375], %mul3A_372 {strides = array<i32>} : memref<4x128xi32, #tpu.memory_space<vmem>>, vector<16xi32>,
    %mul3A_377 = arith.constant 2 : i32
    %mul3A_378 = vector.broadcast %mul3A_377 : i32 to vector<16xi32>
    %mul3A_379 = arith.muli %gather3A_352, %mul3A_378 : vector<16xi32>
    %add3A_380 = arith.constant 1 : i32
    %add3A_381 = vector.broadcast %add3A_380 : i32 to vector<16xi32>
    %add3A_382 = arith.addi %mul3A_379, %add3A_381 : vector<16xi32>
    %swap3A_383 = arith.constant 0 : i32
    %swap3A_384 = arith.index_cast %swap3A_383 : i32 to index
    %swap3A_385 = arith.constant 112 : index
    %swap3A_386 = tpu.vector_load %arg11[%swap3A_384, %swap3A_385] {strides = array<i32>} : memref<4x128xi32, #tpu.memory_space<vmem>>, vector<16xi32>,
    tpu.vector_store %arg11[%swap3A_384, %swap3A_385], %add3A_382 {strides = array<i32>} : memref<4x128xi32, #tpu.memory_space<vmem>>, vector<16xi32>,
    %mul3A_387 = arith.constant 2 : i32
    %mul3A_388 = vector.broadcast %mul3A_387 : i32 to vector<16xi32>
    %mul3A_389 = arith.muli %iota3A, %mul3A_388 : vector<16xi32>
    %add3A_390 = arith.constant 256 : i32
    %add3A_391 = vector.broadcast %add3A_390 : i32 to vector<16xi32>
    %add3A_392 = arith.addi %mul3A_389, %add3A_391 : vector<16xi32>
    %gather3A_393 = tpu.vector_load_idx %arg7[%add3A_392] : memref<1024xi32, #tpu.memory_space<vmem>>[vector<16xi32>], vector<16xi32>,
    %mul3A_394 = arith.constant 2 : i32
    %mul3A_395 = vector.broadcast %mul3A_394 : i32 to vector<16xi32>
    %mul3A_396 = arith.muli %iota3A, %mul3A_395 : vector<16xi32>
    %add3A_397 = arith.constant 257 : i32
    %add3A_398 = vector.broadcast %add3A_397 : i32 to vector<16xi32>
    %add3A_399 = arith.addi %mul3A_396, %add3A_398 : vector<16xi32>
    %gather3A_400 = tpu.vector_load_idx %arg7[%add3A_399] : memref<1024xi32, #tpu.memory_space<vmem>>[vector<16xi32>], vector<16xi32>,
    %mul3A_401 = arith.constant 2 : i32
    %mul3A_402 = vector.broadcast %mul3A_401 : i32 to vector<16xi32>
    %mul3A_403 = arith.muli %gather3A_393, %mul3A_402 : vector<16xi32>
    %swap3A_404 = arith.constant 1 : i32
    %swap3A_405 = arith.index_cast %swap3A_404 : i32 to index
    %swap3A_406 = arith.constant 0 : index
    %swap3A_407 = tpu.vector_load %arg8[%swap3A_405, %swap3A_406] {strides = array<i32>} : memref<4x128xi32, #tpu.memory_space<vmem>>, vector<16xi32>,
    tpu.vector_store %arg8[%swap3A_405, %swap3A_406], %mul3A_403 {strides = array<i32>} : memref<4x128xi32, #tpu.memory_space<vmem>>, vector<16xi32>,
    %mul3A_408 = arith.constant 2 : i32
    %mul3A_409 = vector.broadcast %mul3A_408 : i32 to vector<16xi32>
    %mul3A_410 = arith.muli %gather3A_393, %mul3A_409 : vector<16xi32>
    %add3A_411 = arith.constant 1 : i32
    %add3A_412 = vector.broadcast %add3A_411 : i32 to vector<16xi32>
    %add3A_413 = arith.addi %mul3A_410, %add3A_412 : vector<16xi32>
    %swap3A_414 = arith.constant 1 : i32
    %swap3A_415 = arith.index_cast %swap3A_414 : i32 to index
    %swap3A_416 = arith.constant 0 : index
    %swap3A_417 = tpu.vector_load %arg9[%swap3A_415, %swap3A_416] {strides = array<i32>} : memref<4x128xi32, #tpu.memory_space<vmem>>, vector<16xi32>,
    tpu.vector_store %arg9[%swap3A_415, %swap3A_416], %add3A_413 {strides = array<i32>} : memref<4x128xi32, #tpu.memory_space<vmem>>, vector<16xi32>,
    %mul3A_418 = arith.constant 2 : i32
    %mul3A_419 = vector.broadcast %mul3A_418 : i32 to vector<16xi32>
    %mul3A_420 = arith.muli %gather3A_400, %mul3A_419 : vector<16xi32>
    %swap3A_421 = arith.constant 1 : i32
    %swap3A_422 = arith.index_cast %swap3A_421 : i32 to index
    %swap3A_423 = arith.constant 0 : index
    %swap3A_424 = tpu.vector_load %arg10[%swap3A_422, %swap3A_423] {strides = array<i32>} : memref<4x128xi32, #tpu.memory_space<vmem>>, vector<16xi32>,
    tpu.vector_store %arg10[%swap3A_422, %swap3A_423], %mul3A_420 {strides = array<i32>} : memref<4x128xi32, #tpu.memory_space<vmem>>, vector<16xi32>,
    %mul3A_425 = arith.constant 2 : i32
    %mul3A_426 = vector.broadcast %mul3A_425 : i32 to vector<16xi32>
    %mul3A_427 = arith.muli %gather3A_400, %mul3A_426 : vector<16xi32>
    %add3A_428 = arith.constant 1 : i32
    %add3A_429 = vector.broadcast %add3A_428 : i32 to vector<16xi32>
    %add3A_430 = arith.addi %mul3A_427, %add3A_429 : vector<16xi32>
    %swap3A_431 = arith.constant 1 : i32
    %swap3A_432 = arith.index_cast %swap3A_431 : i32 to index
    %swap3A_433 = arith.constant 0 : index
    %swap3A_434 = tpu.vector_load %arg11[%swap3A_432, %swap3A_433] {strides = array<i32>} : memref<4x128xi32, #tpu.memory_space<vmem>>, vector<16xi32>,
    tpu.vector_store %arg11[%swap3A_432, %swap3A_433], %add3A_430 {strides = array<i32>} : memref<4x128xi32, #tpu.memory_space<vmem>>, vector<16xi32>,
    %mul3A_435 = arith.constant 2 : i32
    %mul3A_436 = vector.broadcast %mul3A_435 : i32 to vector<16xi32>
    %mul3A_437 = arith.muli %iota3A, %mul3A_436 : vector<16xi32>
    %add3A_438 = arith.constant 288 : i32
    %add3A_439 = vector.broadcast %add3A_438 : i32 to vector<16xi32>
    %add3A_440 = arith.addi %mul3A_437, %add3A_439 : vector<16xi32>
    %gather3A_441 = tpu.vector_load_idx %arg7[%add3A_440] : memref<1024xi32, #tpu.memory_space<vmem>>[vector<16xi32>], vector<16xi32>,
    %mul3A_442 = arith.constant 2 : i32
    %mul3A_443 = vector.broadcast %mul3A_442 : i32 to vector<16xi32>
    %mul3A_444 = arith.muli %iota3A, %mul3A_443 : vector<16xi32>
    %add3A_445 = arith.constant 289 : i32
    %add3A_446 = vector.broadcast %add3A_445 : i32 to vector<16xi32>
    %add3A_447 = arith.addi %mul3A_444, %add3A_446 : vector<16xi32>
    %gather3A_448 = tpu.vector_load_idx %arg7[%add3A_447] : memref<1024xi32, #tpu.memory_space<vmem>>[vector<16xi32>], vector<16xi32>,
    %mul3A_449 = arith.constant 2 : i32
    %mul3A_450 = vector.broadcast %mul3A_449 : i32 to vector<16xi32>
    %mul3A_451 = arith.muli %gather3A_441, %mul3A_450 : vector<16xi32>
    %swap3A_452 = arith.constant 1 : i32
    %swap3A_453 = arith.index_cast %swap3A_452 : i32 to index
    %swap3A_454 = arith.constant 16 : index
    %swap3A_455 = tpu.vector_load %arg8[%swap3A_453, %swap3A_454] {strides = array<i32>} : memref<4x128xi32, #tpu.memory_space<vmem>>, vector<16xi32>,
    tpu.vector_store %arg8[%swap3A_453, %swap3A_454], %mul3A_451 {strides = array<i32>} : memref<4x128xi32, #tpu.memory_space<vmem>>, vector<16xi32>,
    %mul3A_456 = arith.constant 2 : i32
    %mul3A_457 = vector.broadcast %mul3A_456 : i32 to vector<16xi32>
    %mul3A_458 = arith.muli %gather3A_441, %mul3A_457 : vector<16xi32>
    %add3A_459 = arith.constant 1 : i32
    %add3A_460 = vector.broadcast %add3A_459 : i32 to vector<16xi32>
    %add3A_461 = arith.addi %mul3A_458, %add3A_460 : vector<16xi32>
    %swap3A_462 = arith.constant 1 : i32
    %swap3A_463 = arith.index_cast %swap3A_462 : i32 to index
    %swap3A_464 = arith.constant 16 : index
    %swap3A_465 = tpu.vector_load %arg9[%swap3A_463, %swap3A_464] {strides = array<i32>} : memref<4x128xi32, #tpu.memory_space<vmem>>, vector<16xi32>,
    tpu.vector_store %arg9[%swap3A_463, %swap3A_464], %add3A_461 {strides = array<i32>} : memref<4x128xi32, #tpu.memory_space<vmem>>, vector<16xi32>,
    %mul3A_466 = arith.constant 2 : i32
    %mul3A_467 = vector.broadcast %mul3A_466 : i32 to vector<16xi32>
    %mul3A_468 = arith.muli %gather3A_448, %mul3A_467 : vector<16xi32>
    %swap3A_469 = arith.constant 1 : i32
    %swap3A_470 = arith.index_cast %swap3A_469 : i32 to index
    %swap3A_471 = arith.constant 16 : index
    %swap3A_472 = tpu.vector_load %arg10[%swap3A_470, %swap3A_471] {strides = array<i32>} : memref<4x128xi32, #tpu.memory_space<vmem>>, vector<16xi32>,
    tpu.vector_store %arg10[%swap3A_470, %swap3A_471], %mul3A_468 {strides = array<i32>} : memref<4x128xi32, #tpu.memory_space<vmem>>, vector<16xi32>,
    %mul3A_473 = arith.constant 2 : i32
    %mul3A_474 = vector.broadcast %mul3A_473 : i32 to vector<16xi32>
    %mul3A_475 = arith.muli %gather3A_448, %mul3A_474 : vector<16xi32>
    %add3A_476 = arith.constant 1 : i32
    %add3A_477 = vector.broadcast %add3A_476 : i32 to vector<16xi32>
    %add3A_478 = arith.addi %mul3A_475, %add3A_477 : vector<16xi32>
    %swap3A_479 = arith.constant 1 : i32
    %swap3A_480 = arith.index_cast %swap3A_479 : i32 to index
    %swap3A_481 = arith.constant 16 : index
    %swap3A_482 = tpu.vector_load %arg11[%swap3A_480, %swap3A_481] {strides = array<i32>} : memref<4x128xi32, #tpu.memory_space<vmem>>, vector<16xi32>,
    tpu.vector_store %arg11[%swap3A_480, %swap3A_481], %add3A_478 {strides = array<i32>} : memref<4x128xi32, #tpu.memory_space<vmem>>, vector<16xi32>,
    %mul3A_483 = arith.constant 2 : i32
    %mul3A_484 = vector.broadcast %mul3A_483 : i32 to vector<16xi32>
    %mul3A_485 = arith.muli %iota3A, %mul3A_484 : vector<16xi32>
    %add3A_486 = arith.constant 320 : i32
    %add3A_487 = vector.broadcast %add3A_486 : i32 to vector<16xi32>
    %add3A_488 = arith.addi %mul3A_485, %add3A_487 : vector<16xi32>
    %gather3A_489 = tpu.vector_load_idx %arg7[%add3A_488] : memref<1024xi32, #tpu.memory_space<vmem>>[vector<16xi32>], vector<16xi32>,
    %mul3A_490 = arith.constant 2 : i32
    %mul3A_491 = vector.broadcast %mul3A_490 : i32 to vector<16xi32>
    %mul3A_492 = arith.muli %iota3A, %mul3A_491 : vector<16xi32>
    %add3A_493 = arith.constant 321 : i32
    %add3A_494 = vector.broadcast %add3A_493 : i32 to vector<16xi32>
    %add3A_495 = arith.addi %mul3A_492, %add3A_494 : vector<16xi32>
    %gather3A_496 = tpu.vector_load_idx %arg7[%add3A_495] : memref<1024xi32, #tpu.memory_space<vmem>>[vector<16xi32>], vector<16xi32>,
    %mul3A_497 = arith.constant 2 : i32
    %mul3A_498 = vector.broadcast %mul3A_497 : i32 to vector<16xi32>
    %mul3A_499 = arith.muli %gather3A_489, %mul3A_498 : vector<16xi32>
    %swap3A_500 = arith.constant 1 : i32
    %swap3A_501 = arith.index_cast %swap3A_500 : i32 to index
    %swap3A_502 = arith.constant 32 : index
    %swap3A_503 = tpu.vector_load %arg8[%swap3A_501, %swap3A_502] {strides = array<i32>} : memref<4x128xi32, #tpu.memory_space<vmem>>, vector<16xi32>,
    tpu.vector_store %arg8[%swap3A_501, %swap3A_502], %mul3A_499 {strides = array<i32>} : memref<4x128xi32, #tpu.memory_space<vmem>>, vector<16xi32>,
    %mul3A_504 = arith.constant 2 : i32
    %mul3A_505 = vector.broadcast %mul3A_504 : i32 to vector<16xi32>
    %mul3A_506 = arith.muli %gather3A_489, %mul3A_505 : vector<16xi32>
    %add3A_507 = arith.constant 1 : i32
    %add3A_508 = vector.broadcast %add3A_507 : i32 to vector<16xi32>
    %add3A_509 = arith.addi %mul3A_506, %add3A_508 : vector<16xi32>
    %swap3A_510 = arith.constant 1 : i32
    %swap3A_511 = arith.index_cast %swap3A_510 : i32 to index
    %swap3A_512 = arith.constant 32 : index
    %swap3A_513 = tpu.vector_load %arg9[%swap3A_511, %swap3A_512] {strides = array<i32>} : memref<4x128xi32, #tpu.memory_space<vmem>>, vector<16xi32>,
    tpu.vector_store %arg9[%swap3A_511, %swap3A_512], %add3A_509 {strides = array<i32>} : memref<4x128xi32, #tpu.memory_space<vmem>>, vector<16xi32>,
    %mul3A_514 = arith.constant 2 : i32
    %mul3A_515 = vector.broadcast %mul3A_514 : i32 to vector<16xi32>
    %mul3A_516 = arith.muli %gather3A_496, %mul3A_515 : vector<16xi32>
    %swap3A_517 = arith.constant 1 : i32
    %swap3A_518 = arith.index_cast %swap3A_517 : i32 to index
    %swap3A_519 = arith.constant 32 : index
    %swap3A_520 = tpu.vector_load %arg10[%swap3A_518, %swap3A_519] {strides = array<i32>} : memref<4x128xi32, #tpu.memory_space<vmem>>, vector<16xi32>,
    tpu.vector_store %arg10[%swap3A_518, %swap3A_519], %mul3A_516 {strides = array<i32>} : memref<4x128xi32, #tpu.memory_space<vmem>>, vector<16xi32>,
    %mul3A_521 = arith.constant 2 : i32
    %mul3A_522 = vector.broadcast %mul3A_521 : i32 to vector<16xi32>
    %mul3A_523 = arith.muli %gather3A_496, %mul3A_522 : vector<16xi32>
    %add3A_524 = arith.constant 1 : i32
    %add3A_525 = vector.broadcast %add3A_524 : i32 to vector<16xi32>
    %add3A_526 = arith.addi %mul3A_523, %add3A_525 : vector<16xi32>
    %swap3A_527 = arith.constant 1 : i32
    %swap3A_528 = arith.index_cast %swap3A_527 : i32 to index
    %swap3A_529 = arith.constant 32 : index
    %swap3A_530 = tpu.vector_load %arg11[%swap3A_528, %swap3A_529] {strides = array<i32>} : memref<4x128xi32, #tpu.memory_space<vmem>>, vector<16xi32>,
    tpu.vector_store %arg11[%swap3A_528, %swap3A_529], %add3A_526 {strides = array<i32>} : memref<4x128xi32, #tpu.memory_space<vmem>>, vector<16xi32>,
    %mul3A_531 = arith.constant 2 : i32
    %mul3A_532 = vector.broadcast %mul3A_531 : i32 to vector<16xi32>
    %mul3A_533 = arith.muli %iota3A, %mul3A_532 : vector<16xi32>
    %add3A_534 = arith.constant 352 : i32
    %add3A_535 = vector.broadcast %add3A_534 : i32 to vector<16xi32>
    %add3A_536 = arith.addi %mul3A_533, %add3A_535 : vector<16xi32>
    %gather3A_537 = tpu.vector_load_idx %arg7[%add3A_536] : memref<1024xi32, #tpu.memory_space<vmem>>[vector<16xi32>], vector<16xi32>,
    %mul3A_538 = arith.constant 2 : i32
    %mul3A_539 = vector.broadcast %mul3A_538 : i32 to vector<16xi32>
    %mul3A_540 = arith.muli %iota3A, %mul3A_539 : vector<16xi32>
    %add3A_541 = arith.constant 353 : i32
    %add3A_542 = vector.broadcast %add3A_541 : i32 to vector<16xi32>
    %add3A_543 = arith.addi %mul3A_540, %add3A_542 : vector<16xi32>
    %gather3A_544 = tpu.vector_load_idx %arg7[%add3A_543] : memref<1024xi32, #tpu.memory_space<vmem>>[vector<16xi32>], vector<16xi32>,
    %mul3A_545 = arith.constant 2 : i32
    %mul3A_546 = vector.broadcast %mul3A_545 : i32 to vector<16xi32>
    %mul3A_547 = arith.muli %gather3A_537, %mul3A_546 : vector<16xi32>
    %swap3A_548 = arith.constant 1 : i32
    %swap3A_549 = arith.index_cast %swap3A_548 : i32 to index
    %swap3A_550 = arith.constant 48 : index
    %swap3A_551 = tpu.vector_load %arg8[%swap3A_549, %swap3A_550] {strides = array<i32>} : memref<4x128xi32, #tpu.memory_space<vmem>>, vector<16xi32>,
    tpu.vector_store %arg8[%swap3A_549, %swap3A_550], %mul3A_547 {strides = array<i32>} : memref<4x128xi32, #tpu.memory_space<vmem>>, vector<16xi32>,
    %mul3A_552 = arith.constant 2 : i32
    %mul3A_553 = vector.broadcast %mul3A_552 : i32 to vector<16xi32>
    %mul3A_554 = arith.muli %gather3A_537, %mul3A_553 : vector<16xi32>
    %add3A_555 = arith.constant 1 : i32
    %add3A_556 = vector.broadcast %add3A_555 : i32 to vector<16xi32>
    %add3A_557 = arith.addi %mul3A_554, %add3A_556 : vector<16xi32>
    %swap3A_558 = arith.constant 1 : i32
    %swap3A_559 = arith.index_cast %swap3A_558 : i32 to index
    %swap3A_560 = arith.constant 48 : index
    %swap3A_561 = tpu.vector_load %arg9[%swap3A_559, %swap3A_560] {strides = array<i32>} : memref<4x128xi32, #tpu.memory_space<vmem>>, vector<16xi32>,
    tpu.vector_store %arg9[%swap3A_559, %swap3A_560], %add3A_557 {strides = array<i32>} : memref<4x128xi32, #tpu.memory_space<vmem>>, vector<16xi32>,
    %mul3A_562 = arith.constant 2 : i32
    %mul3A_563 = vector.broadcast %mul3A_562 : i32 to vector<16xi32>
    %mul3A_564 = arith.muli %gather3A_544, %mul3A_563 : vector<16xi32>
    %swap3A_565 = arith.constant 1 : i32
    %swap3A_566 = arith.index_cast %swap3A_565 : i32 to index
    %swap3A_567 = arith.constant 48 : index
    %swap3A_568 = tpu.vector_load %arg10[%swap3A_566, %swap3A_567] {strides = array<i32>} : memref<4x128xi32, #tpu.memory_space<vmem>>, vector<16xi32>,
    tpu.vector_store %arg10[%swap3A_566, %swap3A_567], %mul3A_564 {strides = array<i32>} : memref<4x128xi32, #tpu.memory_space<vmem>>, vector<16xi32>,
    %mul3A_569 = arith.constant 2 : i32
    %mul3A_570 = vector.broadcast %mul3A_569 : i32 to vector<16xi32>
    %mul3A_571 = arith.muli %gather3A_544, %mul3A_570 : vector<16xi32>
    %add3A_572 = arith.constant 1 : i32
    %add3A_573 = vector.broadcast %add3A_572 : i32 to vector<16xi32>
    %add3A_574 = arith.addi %mul3A_571, %add3A_573 : vector<16xi32>
    %swap3A_575 = arith.constant 1 : i32
    %swap3A_576 = arith.index_cast %swap3A_575 : i32 to index
    %swap3A_577 = arith.constant 48 : index
    %swap3A_578 = tpu.vector_load %arg11[%swap3A_576, %swap3A_577] {strides = array<i32>} : memref<4x128xi32, #tpu.memory_space<vmem>>, vector<16xi32>,
    tpu.vector_store %arg11[%swap3A_576, %swap3A_577], %add3A_574 {strides = array<i32>} : memref<4x128xi32, #tpu.memory_space<vmem>>, vector<16xi32>,
    %mul3A_579 = arith.constant 2 : i32
    %mul3A_580 = vector.broadcast %mul3A_579 : i32 to vector<16xi32>
    %mul3A_581 = arith.muli %iota3A, %mul3A_580 : vector<16xi32>
    %add3A_582 = arith.constant 384 : i32
    %add3A_583 = vector.broadcast %add3A_582 : i32 to vector<16xi32>
    %add3A_584 = arith.addi %mul3A_581, %add3A_583 : vector<16xi32>
    %gather3A_585 = tpu.vector_load_idx %arg7[%add3A_584] : memref<1024xi32, #tpu.memory_space<vmem>>[vector<16xi32>], vector<16xi32>,
    %mul3A_586 = arith.constant 2 : i32
    %mul3A_587 = vector.broadcast %mul3A_586 : i32 to vector<16xi32>
    %mul3A_588 = arith.muli %iota3A, %mul3A_587 : vector<16xi32>
    %add3A_589 = arith.constant 385 : i32
    %add3A_590 = vector.broadcast %add3A_589 : i32 to vector<16xi32>
    %add3A_591 = arith.addi %mul3A_588, %add3A_590 : vector<16xi32>
    %gather3A_592 = tpu.vector_load_idx %arg7[%add3A_591] : memref<1024xi32, #tpu.memory_space<vmem>>[vector<16xi32>], vector<16xi32>,
    %mul3A_593 = arith.constant 2 : i32
    %mul3A_594 = vector.broadcast %mul3A_593 : i32 to vector<16xi32>
    %mul3A_595 = arith.muli %gather3A_585, %mul3A_594 : vector<16xi32>
    %swap3A_596 = arith.constant 1 : i32
    %swap3A_597 = arith.index_cast %swap3A_596 : i32 to index
    %swap3A_598 = arith.constant 64 : index
    %swap3A_599 = tpu.vector_load %arg8[%swap3A_597, %swap3A_598] {strides = array<i32>} : memref<4x128xi32, #tpu.memory_space<vmem>>, vector<16xi32>,
    tpu.vector_store %arg8[%swap3A_597, %swap3A_598], %mul3A_595 {strides = array<i32>} : memref<4x128xi32, #tpu.memory_space<vmem>>, vector<16xi32>,
    %mul3A_600 = arith.constant 2 : i32
    %mul3A_601 = vector.broadcast %mul3A_600 : i32 to vector<16xi32>
    %mul3A_602 = arith.muli %gather3A_585, %mul3A_601 : vector<16xi32>
    %add3A_603 = arith.constant 1 : i32
    %add3A_604 = vector.broadcast %add3A_603 : i32 to vector<16xi32>
    %add3A_605 = arith.addi %mul3A_602, %add3A_604 : vector<16xi32>
    %swap3A_606 = arith.constant 1 : i32
    %swap3A_607 = arith.index_cast %swap3A_606 : i32 to index
    %swap3A_608 = arith.constant 64 : index
    %swap3A_609 = tpu.vector_load %arg9[%swap3A_607, %swap3A_608] {strides = array<i32>} : memref<4x128xi32, #tpu.memory_space<vmem>>, vector<16xi32>,
    tpu.vector_store %arg9[%swap3A_607, %swap3A_608], %add3A_605 {strides = array<i32>} : memref<4x128xi32, #tpu.memory_space<vmem>>, vector<16xi32>,
    %mul3A_610 = arith.constant 2 : i32
    %mul3A_611 = vector.broadcast %mul3A_610 : i32 to vector<16xi32>
    %mul3A_612 = arith.muli %gather3A_592, %mul3A_611 : vector<16xi32>
    %swap3A_613 = arith.constant 1 : i32
    %swap3A_614 = arith.index_cast %swap3A_613 : i32 to index
    %swap3A_615 = arith.constant 64 : index
    %swap3A_616 = tpu.vector_load %arg10[%swap3A_614, %swap3A_615] {strides = array<i32>} : memref<4x128xi32, #tpu.memory_space<vmem>>, vector<16xi32>,
    tpu.vector_store %arg10[%swap3A_614, %swap3A_615], %mul3A_612 {strides = array<i32>} : memref<4x128xi32, #tpu.memory_space<vmem>>, vector<16xi32>,
    %mul3A_617 = arith.constant 2 : i32
    %mul3A_618 = vector.broadcast %mul3A_617 : i32 to vector<16xi32>
    %mul3A_619 = arith.muli %gather3A_592, %mul3A_618 : vector<16xi32>
    %add3A_620 = arith.constant 1 : i32
    %add3A_621 = vector.broadcast %add3A_620 : i32 to vector<16xi32>
    %add3A_622 = arith.addi %mul3A_619, %add3A_621 : vector<16xi32>
    %swap3A_623 = arith.constant 1 : i32
    %swap3A_624 = arith.index_cast %swap3A_623 : i32 to index
    %swap3A_625 = arith.constant 64 : index
    %swap3A_626 = tpu.vector_load %arg11[%swap3A_624, %swap3A_625] {strides = array<i32>} : memref<4x128xi32, #tpu.memory_space<vmem>>, vector<16xi32>,
    tpu.vector_store %arg11[%swap3A_624, %swap3A_625], %add3A_622 {strides = array<i32>} : memref<4x128xi32, #tpu.memory_space<vmem>>, vector<16xi32>,
    %mul3A_627 = arith.constant 2 : i32
    %mul3A_628 = vector.broadcast %mul3A_627 : i32 to vector<16xi32>
    %mul3A_629 = arith.muli %iota3A, %mul3A_628 : vector<16xi32>
    %add3A_630 = arith.constant 416 : i32
    %add3A_631 = vector.broadcast %add3A_630 : i32 to vector<16xi32>
    %add3A_632 = arith.addi %mul3A_629, %add3A_631 : vector<16xi32>
    %gather3A_633 = tpu.vector_load_idx %arg7[%add3A_632] : memref<1024xi32, #tpu.memory_space<vmem>>[vector<16xi32>], vector<16xi32>,
    %mul3A_634 = arith.constant 2 : i32
    %mul3A_635 = vector.broadcast %mul3A_634 : i32 to vector<16xi32>
    %mul3A_636 = arith.muli %iota3A, %mul3A_635 : vector<16xi32>
    %add3A_637 = arith.constant 417 : i32
    %add3A_638 = vector.broadcast %add3A_637 : i32 to vector<16xi32>
    %add3A_639 = arith.addi %mul3A_636, %add3A_638 : vector<16xi32>
    %gather3A_640 = tpu.vector_load_idx %arg7[%add3A_639] : memref<1024xi32, #tpu.memory_space<vmem>>[vector<16xi32>], vector<16xi32>,
    %mul3A_641 = arith.constant 2 : i32
    %mul3A_642 = vector.broadcast %mul3A_641 : i32 to vector<16xi32>
    %mul3A_643 = arith.muli %gather3A_633, %mul3A_642 : vector<16xi32>
    %swap3A_644 = arith.constant 1 : i32
    %swap3A_645 = arith.index_cast %swap3A_644 : i32 to index
    %swap3A_646 = arith.constant 80 : index
    %swap3A_647 = tpu.vector_load %arg8[%swap3A_645, %swap3A_646] {strides = array<i32>} : memref<4x128xi32, #tpu.memory_space<vmem>>, vector<16xi32>,
    tpu.vector_store %arg8[%swap3A_645, %swap3A_646], %mul3A_643 {strides = array<i32>} : memref<4x128xi32, #tpu.memory_space<vmem>>, vector<16xi32>,
    %mul3A_648 = arith.constant 2 : i32
    %mul3A_649 = vector.broadcast %mul3A_648 : i32 to vector<16xi32>
    %mul3A_650 = arith.muli %gather3A_633, %mul3A_649 : vector<16xi32>
    %add3A_651 = arith.constant 1 : i32
    %add3A_652 = vector.broadcast %add3A_651 : i32 to vector<16xi32>
    %add3A_653 = arith.addi %mul3A_650, %add3A_652 : vector<16xi32>
    %swap3A_654 = arith.constant 1 : i32
    %swap3A_655 = arith.index_cast %swap3A_654 : i32 to index
    %swap3A_656 = arith.constant 80 : index
    %swap3A_657 = tpu.vector_load %arg9[%swap3A_655, %swap3A_656] {strides = array<i32>} : memref<4x128xi32, #tpu.memory_space<vmem>>, vector<16xi32>,
    tpu.vector_store %arg9[%swap3A_655, %swap3A_656], %add3A_653 {strides = array<i32>} : memref<4x128xi32, #tpu.memory_space<vmem>>, vector<16xi32>,
    %mul3A_658 = arith.constant 2 : i32
    %mul3A_659 = vector.broadcast %mul3A_658 : i32 to vector<16xi32>
    %mul3A_660 = arith.muli %gather3A_640, %mul3A_659 : vector<16xi32>
    %swap3A_661 = arith.constant 1 : i32
    %swap3A_662 = arith.index_cast %swap3A_661 : i32 to index
    %swap3A_663 = arith.constant 80 : index
    %swap3A_664 = tpu.vector_load %arg10[%swap3A_662, %swap3A_663] {strides = array<i32>} : memref<4x128xi32, #tpu.memory_space<vmem>>, vector<16xi32>,
    tpu.vector_store %arg10[%swap3A_662, %swap3A_663], %mul3A_660 {strides = array<i32>} : memref<4x128xi32, #tpu.memory_space<vmem>>, vector<16xi32>,
    %mul3A_665 = arith.constant 2 : i32
    %mul3A_666 = vector.broadcast %mul3A_665 : i32 to vector<16xi32>
    %mul3A_667 = arith.muli %gather3A_640, %mul3A_666 : vector<16xi32>
    %add3A_668 = arith.constant 1 : i32
    %add3A_669 = vector.broadcast %add3A_668 : i32 to vector<16xi32>
    %add3A_670 = arith.addi %mul3A_667, %add3A_669 : vector<16xi32>
    %swap3A_671 = arith.constant 1 : i32
    %swap3A_672 = arith.index_cast %swap3A_671 : i32 to index
    %swap3A_673 = arith.constant 80 : index
    %swap3A_674 = tpu.vector_load %arg11[%swap3A_672, %swap3A_673] {strides = array<i32>} : memref<4x128xi32, #tpu.memory_space<vmem>>, vector<16xi32>,
    tpu.vector_store %arg11[%swap3A_672, %swap3A_673], %add3A_670 {strides = array<i32>} : memref<4x128xi32, #tpu.memory_space<vmem>>, vector<16xi32>,
    %mul3A_675 = arith.constant 2 : i32
    %mul3A_676 = vector.broadcast %mul3A_675 : i32 to vector<16xi32>
    %mul3A_677 = arith.muli %iota3A, %mul3A_676 : vector<16xi32>
    %add3A_678 = arith.constant 448 : i32
    %add3A_679 = vector.broadcast %add3A_678 : i32 to vector<16xi32>
    %add3A_680 = arith.addi %mul3A_677, %add3A_679 : vector<16xi32>
    %gather3A_681 = tpu.vector_load_idx %arg7[%add3A_680] : memref<1024xi32, #tpu.memory_space<vmem>>[vector<16xi32>], vector<16xi32>,
    %mul3A_682 = arith.constant 2 : i32
    %mul3A_683 = vector.broadcast %mul3A_682 : i32 to vector<16xi32>
    %mul3A_684 = arith.muli %iota3A, %mul3A_683 : vector<16xi32>
    %add3A_685 = arith.constant 449 : i32
    %add3A_686 = vector.broadcast %add3A_685 : i32 to vector<16xi32>
    %add3A_687 = arith.addi %mul3A_684, %add3A_686 : vector<16xi32>
    %gather3A_688 = tpu.vector_load_idx %arg7[%add3A_687] : memref<1024xi32, #tpu.memory_space<vmem>>[vector<16xi32>], vector<16xi32>,
    %mul3A_689 = arith.constant 2 : i32
    %mul3A_690 = vector.broadcast %mul3A_689 : i32 to vector<16xi32>
    %mul3A_691 = arith.muli %gather3A_681, %mul3A_690 : vector<16xi32>
    %swap3A_692 = arith.constant 1 : i32
    %swap3A_693 = arith.index_cast %swap3A_692 : i32 to index
    %swap3A_694 = arith.constant 96 : index
    %swap3A_695 = tpu.vector_load %arg8[%swap3A_693, %swap3A_694] {strides = array<i32>} : memref<4x128xi32, #tpu.memory_space<vmem>>, vector<16xi32>,
    tpu.vector_store %arg8[%swap3A_693, %swap3A_694], %mul3A_691 {strides = array<i32>} : memref<4x128xi32, #tpu.memory_space<vmem>>, vector<16xi32>,
    %mul3A_696 = arith.constant 2 : i32
    %mul3A_697 = vector.broadcast %mul3A_696 : i32 to vector<16xi32>
    %mul3A_698 = arith.muli %gather3A_681, %mul3A_697 : vector<16xi32>
    %add3A_699 = arith.constant 1 : i32
    %add3A_700 = vector.broadcast %add3A_699 : i32 to vector<16xi32>
    %add3A_701 = arith.addi %mul3A_698, %add3A_700 : vector<16xi32>
    %swap3A_702 = arith.constant 1 : i32
    %swap3A_703 = arith.index_cast %swap3A_702 : i32 to index
    %swap3A_704 = arith.constant 96 : index
    %swap3A_705 = tpu.vector_load %arg9[%swap3A_703, %swap3A_704] {strides = array<i32>} : memref<4x128xi32, #tpu.memory_space<vmem>>, vector<16xi32>,
    tpu.vector_store %arg9[%swap3A_703, %swap3A_704], %add3A_701 {strides = array<i32>} : memref<4x128xi32, #tpu.memory_space<vmem>>, vector<16xi32>,
    %mul3A_706 = arith.constant 2 : i32
    %mul3A_707 = vector.broadcast %mul3A_706 : i32 to vector<16xi32>
    %mul3A_708 = arith.muli %gather3A_688, %mul3A_707 : vector<16xi32>
    %swap3A_709 = arith.constant 1 : i32
    %swap3A_710 = arith.index_cast %swap3A_709 : i32 to index
    %swap3A_711 = arith.constant 96 : index
    %swap3A_712 = tpu.vector_load %arg10[%swap3A_710, %swap3A_711] {strides = array<i32>} : memref<4x128xi32, #tpu.memory_space<vmem>>, vector<16xi32>,
    tpu.vector_store %arg10[%swap3A_710, %swap3A_711], %mul3A_708 {strides = array<i32>} : memref<4x128xi32, #tpu.memory_space<vmem>>, vector<16xi32>,
    %mul3A_713 = arith.constant 2 : i32
    %mul3A_714 = vector.broadcast %mul3A_713 : i32 to vector<16xi32>
    %mul3A_715 = arith.muli %gather3A_688, %mul3A_714 : vector<16xi32>
    %add3A_716 = arith.constant 1 : i32
    %add3A_717 = vector.broadcast %add3A_716 : i32 to vector<16xi32>
    %add3A_718 = arith.addi %mul3A_715, %add3A_717 : vector<16xi32>
    %swap3A_719 = arith.constant 1 : i32
    %swap3A_720 = arith.index_cast %swap3A_719 : i32 to index
    %swap3A_721 = arith.constant 96 : index
    %swap3A_722 = tpu.vector_load %arg11[%swap3A_720, %swap3A_721] {strides = array<i32>} : memref<4x128xi32, #tpu.memory_space<vmem>>, vector<16xi32>,
    tpu.vector_store %arg11[%swap3A_720, %swap3A_721], %add3A_718 {strides = array<i32>} : memref<4x128xi32, #tpu.memory_space<vmem>>, vector<16xi32>,
    %mul3A_723 = arith.constant 2 : i32
    %mul3A_724 = vector.broadcast %mul3A_723 : i32 to vector<16xi32>
    %mul3A_725 = arith.muli %iota3A, %mul3A_724 : vector<16xi32>
    %add3A_726 = arith.constant 480 : i32
    %add3A_727 = vector.broadcast %add3A_726 : i32 to vector<16xi32>
    %add3A_728 = arith.addi %mul3A_725, %add3A_727 : vector<16xi32>
    %gather3A_729 = tpu.vector_load_idx %arg7[%add3A_728] : memref<1024xi32, #tpu.memory_space<vmem>>[vector<16xi32>], vector<16xi32>,
    %mul3A_730 = arith.constant 2 : i32
    %mul3A_731 = vector.broadcast %mul3A_730 : i32 to vector<16xi32>
    %mul3A_732 = arith.muli %iota3A, %mul3A_731 : vector<16xi32>
    %add3A_733 = arith.constant 481 : i32
    %add3A_734 = vector.broadcast %add3A_733 : i32 to vector<16xi32>
    %add3A_735 = arith.addi %mul3A_732, %add3A_734 : vector<16xi32>
    %gather3A_736 = tpu.vector_load_idx %arg7[%add3A_735] : memref<1024xi32, #tpu.memory_space<vmem>>[vector<16xi32>], vector<16xi32>,
    %mul3A_737 = arith.constant 2 : i32
    %mul3A_738 = vector.broadcast %mul3A_737 : i32 to vector<16xi32>
    %mul3A_739 = arith.muli %gather3A_729, %mul3A_738 : vector<16xi32>
    %swap3A_740 = arith.constant 1 : i32
    %swap3A_741 = arith.index_cast %swap3A_740 : i32 to index
    %swap3A_742 = arith.constant 112 : index
    %swap3A_743 = tpu.vector_load %arg8[%swap3A_741, %swap3A_742] {strides = array<i32>} : memref<4x128xi32, #tpu.memory_space<vmem>>, vector<16xi32>,
    tpu.vector_store %arg8[%swap3A_741, %swap3A_742], %mul3A_739 {strides = array<i32>} : memref<4x128xi32, #tpu.memory_space<vmem>>, vector<16xi32>,
    %mul3A_744 = arith.constant 2 : i32
    %mul3A_745 = vector.broadcast %mul3A_744 : i32 to vector<16xi32>
    %mul3A_746 = arith.muli %gather3A_729, %mul3A_745 : vector<16xi32>
    %add3A_747 = arith.constant 1 : i32
    %add3A_748 = vector.broadcast %add3A_747 : i32 to vector<16xi32>
    %add3A_749 = arith.addi %mul3A_746, %add3A_748 : vector<16xi32>
    %swap3A_750 = arith.constant 1 : i32
    %swap3A_751 = arith.index_cast %swap3A_750 : i32 to index
    %swap3A_752 = arith.constant 112 : index
    %swap3A_753 = tpu.vector_load %arg9[%swap3A_751, %swap3A_752] {strides = array<i32>} : memref<4x128xi32, #tpu.memory_space<vmem>>, vector<16xi32>,
    tpu.vector_store %arg9[%swap3A_751, %swap3A_752], %add3A_749 {strides = array<i32>} : memref<4x128xi32, #tpu.memory_space<vmem>>, vector<16xi32>,
    %mul3A_754 = arith.constant 2 : i32
    %mul3A_755 = vector.broadcast %mul3A_754 : i32 to vector<16xi32>
    %mul3A_756 = arith.muli %gather3A_736, %mul3A_755 : vector<16xi32>
    %swap3A_757 = arith.constant 1 : i32
    %swap3A_758 = arith.index_cast %swap3A_757 : i32 to index
    %swap3A_759 = arith.constant 112 : index
    %swap3A_760 = tpu.vector_load %arg10[%swap3A_758, %swap3A_759] {strides = array<i32>} : memref<4x128xi32, #tpu.memory_space<vmem>>, vector<16xi32>,
    tpu.vector_store %arg10[%swap3A_758, %swap3A_759], %mul3A_756 {strides = array<i32>} : memref<4x128xi32, #tpu.memory_space<vmem>>, vector<16xi32>,
    %mul3A_761 = arith.constant 2 : i32
    %mul3A_762 = vector.broadcast %mul3A_761 : i32 to vector<16xi32>
    %mul3A_763 = arith.muli %gather3A_736, %mul3A_762 : vector<16xi32>
    %add3A_764 = arith.constant 1 : i32
    %add3A_765 = vector.broadcast %add3A_764 : i32 to vector<16xi32>
    %add3A_766 = arith.addi %mul3A_763, %add3A_765 : vector<16xi32>
    %swap3A_767 = arith.constant 1 : i32
    %swap3A_768 = arith.index_cast %swap3A_767 : i32 to index
    %swap3A_769 = arith.constant 112 : index
    %swap3A_770 = tpu.vector_load %arg11[%swap3A_768, %swap3A_769] {strides = array<i32>} : memref<4x128xi32, #tpu.memory_space<vmem>>, vector<16xi32>,
    tpu.vector_store %arg11[%swap3A_768, %swap3A_769], %add3A_766 {strides = array<i32>} : memref<4x128xi32, #tpu.memory_space<vmem>>, vector<16xi32>,
    %mul3A_771 = arith.constant 2 : i32
    %mul3A_772 = vector.broadcast %mul3A_771 : i32 to vector<16xi32>
    %mul3A_773 = arith.muli %iota3A, %mul3A_772 : vector<16xi32>
    %add3A_774 = arith.constant 512 : i32
    %add3A_775 = vector.broadcast %add3A_774 : i32 to vector<16xi32>
    %add3A_776 = arith.addi %mul3A_773, %add3A_775 : vector<16xi32>
    %gather3A_777 = tpu.vector_load_idx %arg7[%add3A_776] : memref<1024xi32, #tpu.memory_space<vmem>>[vector<16xi32>], vector<16xi32>,
    %mul3A_778 = arith.constant 2 : i32
    %mul3A_779 = vector.broadcast %mul3A_778 : i32 to vector<16xi32>
    %mul3A_780 = arith.muli %iota3A, %mul3A_779 : vector<16xi32>
    %add3A_781 = arith.constant 513 : i32
    %add3A_782 = vector.broadcast %add3A_781 : i32 to vector<16xi32>
    %add3A_783 = arith.addi %mul3A_780, %add3A_782 : vector<16xi32>
    %gather3A_784 = tpu.vector_load_idx %arg7[%add3A_783] : memref<1024xi32, #tpu.memory_space<vmem>>[vector<16xi32>], vector<16xi32>,
    %mul3A_785 = arith.constant 2 : i32
    %mul3A_786 = vector.broadcast %mul3A_785 : i32 to vector<16xi32>
    %mul3A_787 = arith.muli %gather3A_777, %mul3A_786 : vector<16xi32>
    %swap3A_788 = arith.constant 2 : i32
    %swap3A_789 = arith.index_cast %swap3A_788 : i32 to index
    %swap3A_790 = arith.constant 0 : index
    %swap3A_791 = tpu.vector_load %arg8[%swap3A_789, %swap3A_790] {strides = array<i32>} : memref<4x128xi32, #tpu.memory_space<vmem>>, vector<16xi32>,
    tpu.vector_store %arg8[%swap3A_789, %swap3A_790], %mul3A_787 {strides = array<i32>} : memref<4x128xi32, #tpu.memory_space<vmem>>, vector<16xi32>,
    %mul3A_792 = arith.constant 2 : i32
    %mul3A_793 = vector.broadcast %mul3A_792 : i32 to vector<16xi32>
    %mul3A_794 = arith.muli %gather3A_777, %mul3A_793 : vector<16xi32>
    %add3A_795 = arith.constant 1 : i32
    %add3A_796 = vector.broadcast %add3A_795 : i32 to vector<16xi32>
    %add3A_797 = arith.addi %mul3A_794, %add3A_796 : vector<16xi32>
    %swap3A_798 = arith.constant 2 : i32
    %swap3A_799 = arith.index_cast %swap3A_798 : i32 to index
    %swap3A_800 = arith.constant 0 : index
    %swap3A_801 = tpu.vector_load %arg9[%swap3A_799, %swap3A_800] {strides = array<i32>} : memref<4x128xi32, #tpu.memory_space<vmem>>, vector<16xi32>,
    tpu.vector_store %arg9[%swap3A_799, %swap3A_800], %add3A_797 {strides = array<i32>} : memref<4x128xi32, #tpu.memory_space<vmem>>, vector<16xi32>,
    %mul3A_802 = arith.constant 2 : i32
    %mul3A_803 = vector.broadcast %mul3A_802 : i32 to vector<16xi32>
    %mul3A_804 = arith.muli %gather3A_784, %mul3A_803 : vector<16xi32>
    %swap3A_805 = arith.constant 2 : i32
    %swap3A_806 = arith.index_cast %swap3A_805 : i32 to index
    %swap3A_807 = arith.constant 0 : index
    %swap3A_808 = tpu.vector_load %arg10[%swap3A_806, %swap3A_807] {strides = array<i32>} : memref<4x128xi32, #tpu.memory_space<vmem>>, vector<16xi32>,
    tpu.vector_store %arg10[%swap3A_806, %swap3A_807], %mul3A_804 {strides = array<i32>} : memref<4x128xi32, #tpu.memory_space<vmem>>, vector<16xi32>,
    %mul3A_809 = arith.constant 2 : i32
    %mul3A_810 = vector.broadcast %mul3A_809 : i32 to vector<16xi32>
    %mul3A_811 = arith.muli %gather3A_784, %mul3A_810 : vector<16xi32>
    %add3A_812 = arith.constant 1 : i32
    %add3A_813 = vector.broadcast %add3A_812 : i32 to vector<16xi32>
    %add3A_814 = arith.addi %mul3A_811, %add3A_813 : vector<16xi32>
    %swap3A_815 = arith.constant 2 : i32
    %swap3A_816 = arith.index_cast %swap3A_815 : i32 to index
    %swap3A_817 = arith.constant 0 : index
    %swap3A_818 = tpu.vector_load %arg11[%swap3A_816, %swap3A_817] {strides = array<i32>} : memref<4x128xi32, #tpu.memory_space<vmem>>, vector<16xi32>,
    tpu.vector_store %arg11[%swap3A_816, %swap3A_817], %add3A_814 {strides = array<i32>} : memref<4x128xi32, #tpu.memory_space<vmem>>, vector<16xi32>,
    %mul3A_819 = arith.constant 2 : i32
    %mul3A_820 = vector.broadcast %mul3A_819 : i32 to vector<16xi32>
    %mul3A_821 = arith.muli %iota3A, %mul3A_820 : vector<16xi32>
    %add3A_822 = arith.constant 544 : i32
    %add3A_823 = vector.broadcast %add3A_822 : i32 to vector<16xi32>
    %add3A_824 = arith.addi %mul3A_821, %add3A_823 : vector<16xi32>
    %gather3A_825 = tpu.vector_load_idx %arg7[%add3A_824] : memref<1024xi32, #tpu.memory_space<vmem>>[vector<16xi32>], vector<16xi32>,
    %mul3A_826 = arith.constant 2 : i32
    %mul3A_827 = vector.broadcast %mul3A_826 : i32 to vector<16xi32>
    %mul3A_828 = arith.muli %iota3A, %mul3A_827 : vector<16xi32>
    %add3A_829 = arith.constant 545 : i32
    %add3A_830 = vector.broadcast %add3A_829 : i32 to vector<16xi32>
    %add3A_831 = arith.addi %mul3A_828, %add3A_830 : vector<16xi32>
    %gather3A_832 = tpu.vector_load_idx %arg7[%add3A_831] : memref<1024xi32, #tpu.memory_space<vmem>>[vector<16xi32>], vector<16xi32>,
    %mul3A_833 = arith.constant 2 : i32
    %mul3A_834 = vector.broadcast %mul3A_833 : i32 to vector<16xi32>
    %mul3A_835 = arith.muli %gather3A_825, %mul3A_834 : vector<16xi32>
    %swap3A_836 = arith.constant 2 : i32
    %swap3A_837 = arith.index_cast %swap3A_836 : i32 to index
    %swap3A_838 = arith.constant 16 : index
    %swap3A_839 = tpu.vector_load %arg8[%swap3A_837, %swap3A_838] {strides = array<i32>} : memref<4x128xi32, #tpu.memory_space<vmem>>, vector<16xi32>,
    tpu.vector_store %arg8[%swap3A_837, %swap3A_838], %mul3A_835 {strides = array<i32>} : memref<4x128xi32, #tpu.memory_space<vmem>>, vector<16xi32>,
    %mul3A_840 = arith.constant 2 : i32
    %mul3A_841 = vector.broadcast %mul3A_840 : i32 to vector<16xi32>
    %mul3A_842 = arith.muli %gather3A_825, %mul3A_841 : vector<16xi32>
    %add3A_843 = arith.constant 1 : i32
    %add3A_844 = vector.broadcast %add3A_843 : i32 to vector<16xi32>
    %add3A_845 = arith.addi %mul3A_842, %add3A_844 : vector<16xi32>
    %swap3A_846 = arith.constant 2 : i32
    %swap3A_847 = arith.index_cast %swap3A_846 : i32 to index
    %swap3A_848 = arith.constant 16 : index
    %swap3A_849 = tpu.vector_load %arg9[%swap3A_847, %swap3A_848] {strides = array<i32>} : memref<4x128xi32, #tpu.memory_space<vmem>>, vector<16xi32>,
    tpu.vector_store %arg9[%swap3A_847, %swap3A_848], %add3A_845 {strides = array<i32>} : memref<4x128xi32, #tpu.memory_space<vmem>>, vector<16xi32>,
    %mul3A_850 = arith.constant 2 : i32
    %mul3A_851 = vector.broadcast %mul3A_850 : i32 to vector<16xi32>
    %mul3A_852 = arith.muli %gather3A_832, %mul3A_851 : vector<16xi32>
    %swap3A_853 = arith.constant 2 : i32
    %swap3A_854 = arith.index_cast %swap3A_853 : i32 to index
    %swap3A_855 = arith.constant 16 : index
    %swap3A_856 = tpu.vector_load %arg10[%swap3A_854, %swap3A_855] {strides = array<i32>} : memref<4x128xi32, #tpu.memory_space<vmem>>, vector<16xi32>,
    tpu.vector_store %arg10[%swap3A_854, %swap3A_855], %mul3A_852 {strides = array<i32>} : memref<4x128xi32, #tpu.memory_space<vmem>>, vector<16xi32>,
    %mul3A_857 = arith.constant 2 : i32
    %mul3A_858 = vector.broadcast %mul3A_857 : i32 to vector<16xi32>
    %mul3A_859 = arith.muli %gather3A_832, %mul3A_858 : vector<16xi32>
    %add3A_860 = arith.constant 1 : i32
    %add3A_861 = vector.broadcast %add3A_860 : i32 to vector<16xi32>
    %add3A_862 = arith.addi %mul3A_859, %add3A_861 : vector<16xi32>
    %swap3A_863 = arith.constant 2 : i32
    %swap3A_864 = arith.index_cast %swap3A_863 : i32 to index
    %swap3A_865 = arith.constant 16 : index
    %swap3A_866 = tpu.vector_load %arg11[%swap3A_864, %swap3A_865] {strides = array<i32>} : memref<4x128xi32, #tpu.memory_space<vmem>>, vector<16xi32>,
    tpu.vector_store %arg11[%swap3A_864, %swap3A_865], %add3A_862 {strides = array<i32>} : memref<4x128xi32, #tpu.memory_space<vmem>>, vector<16xi32>,
    %mul3A_867 = arith.constant 2 : i32
    %mul3A_868 = vector.broadcast %mul3A_867 : i32 to vector<16xi32>
    %mul3A_869 = arith.muli %iota3A, %mul3A_868 : vector<16xi32>
    %add3A_870 = arith.constant 576 : i32
    %add3A_871 = vector.broadcast %add3A_870 : i32 to vector<16xi32>
    %add3A_872 = arith.addi %mul3A_869, %add3A_871 : vector<16xi32>
    %gather3A_873 = tpu.vector_load_idx %arg7[%add3A_872] : memref<1024xi32, #tpu.memory_space<vmem>>[vector<16xi32>], vector<16xi32>,
    %mul3A_874 = arith.constant 2 : i32
    %mul3A_875 = vector.broadcast %mul3A_874 : i32 to vector<16xi32>
    %mul3A_876 = arith.muli %iota3A, %mul3A_875 : vector<16xi32>
    %add3A_877 = arith.constant 577 : i32
    %add3A_878 = vector.broadcast %add3A_877 : i32 to vector<16xi32>
    %add3A_879 = arith.addi %mul3A_876, %add3A_878 : vector<16xi32>
    %gather3A_880 = tpu.vector_load_idx %arg7[%add3A_879] : memref<1024xi32, #tpu.memory_space<vmem>>[vector<16xi32>], vector<16xi32>,
    %mul3A_881 = arith.constant 2 : i32
    %mul3A_882 = vector.broadcast %mul3A_881 : i32 to vector<16xi32>
    %mul3A_883 = arith.muli %gather3A_873, %mul3A_882 : vector<16xi32>
    %swap3A_884 = arith.constant 2 : i32
    %swap3A_885 = arith.index_cast %swap3A_884 : i32 to index
    %swap3A_886 = arith.constant 32 : index
    %swap3A_887 = tpu.vector_load %arg8[%swap3A_885, %swap3A_886] {strides = array<i32>} : memref<4x128xi32, #tpu.memory_space<vmem>>, vector<16xi32>,
    tpu.vector_store %arg8[%swap3A_885, %swap3A_886], %mul3A_883 {strides = array<i32>} : memref<4x128xi32, #tpu.memory_space<vmem>>, vector<16xi32>,
    %mul3A_888 = arith.constant 2 : i32
    %mul3A_889 = vector.broadcast %mul3A_888 : i32 to vector<16xi32>
    %mul3A_890 = arith.muli %gather3A_873, %mul3A_889 : vector<16xi32>
    %add3A_891 = arith.constant 1 : i32
    %add3A_892 = vector.broadcast %add3A_891 : i32 to vector<16xi32>
    %add3A_893 = arith.addi %mul3A_890, %add3A_892 : vector<16xi32>
    %swap3A_894 = arith.constant 2 : i32
    %swap3A_895 = arith.index_cast %swap3A_894 : i32 to index
    %swap3A_896 = arith.constant 32 : index
    %swap3A_897 = tpu.vector_load %arg9[%swap3A_895, %swap3A_896] {strides = array<i32>} : memref<4x128xi32, #tpu.memory_space<vmem>>, vector<16xi32>,
    tpu.vector_store %arg9[%swap3A_895, %swap3A_896], %add3A_893 {strides = array<i32>} : memref<4x128xi32, #tpu.memory_space<vmem>>, vector<16xi32>,
    %mul3A_898 = arith.constant 2 : i32
    %mul3A_899 = vector.broadcast %mul3A_898 : i32 to vector<16xi32>
    %mul3A_900 = arith.muli %gather3A_880, %mul3A_899 : vector<16xi32>
    %swap3A_901 = arith.constant 2 : i32
    %swap3A_902 = arith.index_cast %swap3A_901 : i32 to index
    %swap3A_903 = arith.constant 32 : index
    %swap3A_904 = tpu.vector_load %arg10[%swap3A_902, %swap3A_903] {strides = array<i32>} : memref<4x128xi32, #tpu.memory_space<vmem>>, vector<16xi32>,
    tpu.vector_store %arg10[%swap3A_902, %swap3A_903], %mul3A_900 {strides = array<i32>} : memref<4x128xi32, #tpu.memory_space<vmem>>, vector<16xi32>,
    %mul3A_905 = arith.constant 2 : i32
    %mul3A_906 = vector.broadcast %mul3A_905 : i32 to vector<16xi32>
    %mul3A_907 = arith.muli %gather3A_880, %mul3A_906 : vector<16xi32>
    %add3A_908 = arith.constant 1 : i32
    %add3A_909 = vector.broadcast %add3A_908 : i32 to vector<16xi32>
    %add3A_910 = arith.addi %mul3A_907, %add3A_909 : vector<16xi32>
    %swap3A_911 = arith.constant 2 : i32
    %swap3A_912 = arith.index_cast %swap3A_911 : i32 to index
    %swap3A_913 = arith.constant 32 : index
    %swap3A_914 = tpu.vector_load %arg11[%swap3A_912, %swap3A_913] {strides = array<i32>} : memref<4x128xi32, #tpu.memory_space<vmem>>, vector<16xi32>,
    tpu.vector_store %arg11[%swap3A_912, %swap3A_913], %add3A_910 {strides = array<i32>} : memref<4x128xi32, #tpu.memory_space<vmem>>, vector<16xi32>,
    %mul3A_915 = arith.constant 2 : i32
    %mul3A_916 = vector.broadcast %mul3A_915 : i32 to vector<16xi32>
    %mul3A_917 = arith.muli %iota3A, %mul3A_916 : vector<16xi32>
    %add3A_918 = arith.constant 608 : i32
    %add3A_919 = vector.broadcast %add3A_918 : i32 to vector<16xi32>
    %add3A_920 = arith.addi %mul3A_917, %add3A_919 : vector<16xi32>
    %gather3A_921 = tpu.vector_load_idx %arg7[%add3A_920] : memref<1024xi32, #tpu.memory_space<vmem>>[vector<16xi32>], vector<16xi32>,
    %mul3A_922 = arith.constant 2 : i32
    %mul3A_923 = vector.broadcast %mul3A_922 : i32 to vector<16xi32>
    %mul3A_924 = arith.muli %iota3A, %mul3A_923 : vector<16xi32>
    %add3A_925 = arith.constant 609 : i32
    %add3A_926 = vector.broadcast %add3A_925 : i32 to vector<16xi32>
    %add3A_927 = arith.addi %mul3A_924, %add3A_926 : vector<16xi32>
    %gather3A_928 = tpu.vector_load_idx %arg7[%add3A_927] : memref<1024xi32, #tpu.memory_space<vmem>>[vector<16xi32>], vector<16xi32>,
    %mul3A_929 = arith.constant 2 : i32
    %mul3A_930 = vector.broadcast %mul3A_929 : i32 to vector<16xi32>
    %mul3A_931 = arith.muli %gather3A_921, %mul3A_930 : vector<16xi32>
    %swap3A_932 = arith.constant 2 : i32
    %swap3A_933 = arith.index_cast %swap3A_932 : i32 to index
    %swap3A_934 = arith.constant 48 : index
    %swap3A_935 = tpu.vector_load %arg8[%swap3A_933, %swap3A_934] {strides = array<i32>} : memref<4x128xi32, #tpu.memory_space<vmem>>, vector<16xi32>,
    tpu.vector_store %arg8[%swap3A_933, %swap3A_934], %mul3A_931 {strides = array<i32>} : memref<4x128xi32, #tpu.memory_space<vmem>>, vector<16xi32>,
    %mul3A_936 = arith.constant 2 : i32
    %mul3A_937 = vector.broadcast %mul3A_936 : i32 to vector<16xi32>
    %mul3A_938 = arith.muli %gather3A_921, %mul3A_937 : vector<16xi32>
    %add3A_939 = arith.constant 1 : i32
    %add3A_940 = vector.broadcast %add3A_939 : i32 to vector<16xi32>
    %add3A_941 = arith.addi %mul3A_938, %add3A_940 : vector<16xi32>
    %swap3A_942 = arith.constant 2 : i32
    %swap3A_943 = arith.index_cast %swap3A_942 : i32 to index
    %swap3A_944 = arith.constant 48 : index
    %swap3A_945 = tpu.vector_load %arg9[%swap3A_943, %swap3A_944] {strides = array<i32>} : memref<4x128xi32, #tpu.memory_space<vmem>>, vector<16xi32>,
    tpu.vector_store %arg9[%swap3A_943, %swap3A_944], %add3A_941 {strides = array<i32>} : memref<4x128xi32, #tpu.memory_space<vmem>>, vector<16xi32>,
    %mul3A_946 = arith.constant 2 : i32
    %mul3A_947 = vector.broadcast %mul3A_946 : i32 to vector<16xi32>
    %mul3A_948 = arith.muli %gather3A_928, %mul3A_947 : vector<16xi32>
    %swap3A_949 = arith.constant 2 : i32
    %swap3A_950 = arith.index_cast %swap3A_949 : i32 to index
    %swap3A_951 = arith.constant 48 : index
    %swap3A_952 = tpu.vector_load %arg10[%swap3A_950, %swap3A_951] {strides = array<i32>} : memref<4x128xi32, #tpu.memory_space<vmem>>, vector<16xi32>,
    tpu.vector_store %arg10[%swap3A_950, %swap3A_951], %mul3A_948 {strides = array<i32>} : memref<4x128xi32, #tpu.memory_space<vmem>>, vector<16xi32>,
    %mul3A_953 = arith.constant 2 : i32
    %mul3A_954 = vector.broadcast %mul3A_953 : i32 to vector<16xi32>
    %mul3A_955 = arith.muli %gather3A_928, %mul3A_954 : vector<16xi32>
    %add3A_956 = arith.constant 1 : i32
    %add3A_957 = vector.broadcast %add3A_956 : i32 to vector<16xi32>
    %add3A_958 = arith.addi %mul3A_955, %add3A_957 : vector<16xi32>
    %swap3A_959 = arith.constant 2 : i32
    %swap3A_960 = arith.index_cast %swap3A_959 : i32 to index
    %swap3A_961 = arith.constant 48 : index
    %swap3A_962 = tpu.vector_load %arg11[%swap3A_960, %swap3A_961] {strides = array<i32>} : memref<4x128xi32, #tpu.memory_space<vmem>>, vector<16xi32>,
    tpu.vector_store %arg11[%swap3A_960, %swap3A_961], %add3A_958 {strides = array<i32>} : memref<4x128xi32, #tpu.memory_space<vmem>>, vector<16xi32>,
    %mul3A_963 = arith.constant 2 : i32
    %mul3A_964 = vector.broadcast %mul3A_963 : i32 to vector<16xi32>
    %mul3A_965 = arith.muli %iota3A, %mul3A_964 : vector<16xi32>
    %add3A_966 = arith.constant 640 : i32
    %add3A_967 = vector.broadcast %add3A_966 : i32 to vector<16xi32>
    %add3A_968 = arith.addi %mul3A_965, %add3A_967 : vector<16xi32>
    %gather3A_969 = tpu.vector_load_idx %arg7[%add3A_968] : memref<1024xi32, #tpu.memory_space<vmem>>[vector<16xi32>], vector<16xi32>,
    %mul3A_970 = arith.constant 2 : i32
    %mul3A_971 = vector.broadcast %mul3A_970 : i32 to vector<16xi32>
    %mul3A_972 = arith.muli %iota3A, %mul3A_971 : vector<16xi32>
    %add3A_973 = arith.constant 641 : i32
    %add3A_974 = vector.broadcast %add3A_973 : i32 to vector<16xi32>
    %add3A_975 = arith.addi %mul3A_972, %add3A_974 : vector<16xi32>
    %gather3A_976 = tpu.vector_load_idx %arg7[%add3A_975] : memref<1024xi32, #tpu.memory_space<vmem>>[vector<16xi32>], vector<16xi32>,
    %mul3A_977 = arith.constant 2 : i32
    %mul3A_978 = vector.broadcast %mul3A_977 : i32 to vector<16xi32>
    %mul3A_979 = arith.muli %gather3A_969, %mul3A_978 : vector<16xi32>
    %swap3A_980 = arith.constant 2 : i32
    %swap3A_981 = arith.index_cast %swap3A_980 : i32 to index
    %swap3A_982 = arith.constant 64 : index
    %swap3A_983 = tpu.vector_load %arg8[%swap3A_981, %swap3A_982] {strides = array<i32>} : memref<4x128xi32, #tpu.memory_space<vmem>>, vector<16xi32>,
    tpu.vector_store %arg8[%swap3A_981, %swap3A_982], %mul3A_979 {strides = array<i32>} : memref<4x128xi32, #tpu.memory_space<vmem>>, vector<16xi32>,
    %mul3A_984 = arith.constant 2 : i32
    %mul3A_985 = vector.broadcast %mul3A_984 : i32 to vector<16xi32>
    %mul3A_986 = arith.muli %gather3A_969, %mul3A_985 : vector<16xi32>
    %add3A_987 = arith.constant 1 : i32
    %add3A_988 = vector.broadcast %add3A_987 : i32 to vector<16xi32>
    %add3A_989 = arith.addi %mul3A_986, %add3A_988 : vector<16xi32>
    %swap3A_990 = arith.constant 2 : i32
    %swap3A_991 = arith.index_cast %swap3A_990 : i32 to index
    %swap3A_992 = arith.constant 64 : index
    %swap3A_993 = tpu.vector_load %arg9[%swap3A_991, %swap3A_992] {strides = array<i32>} : memref<4x128xi32, #tpu.memory_space<vmem>>, vector<16xi32>,
    tpu.vector_store %arg9[%swap3A_991, %swap3A_992], %add3A_989 {strides = array<i32>} : memref<4x128xi32, #tpu.memory_space<vmem>>, vector<16xi32>,
    %mul3A_994 = arith.constant 2 : i32
    %mul3A_995 = vector.broadcast %mul3A_994 : i32 to vector<16xi32>
    %mul3A_996 = arith.muli %gather3A_976, %mul3A_995 : vector<16xi32>
    %swap3A_997 = arith.constant 2 : i32
    %swap3A_998 = arith.index_cast %swap3A_997 : i32 to index
    %swap3A_999 = arith.constant 64 : index
    %swap3A_1000 = tpu.vector_load %arg10[%swap3A_998, %swap3A_999] {strides = array<i32>} : memref<4x128xi32, #tpu.memory_space<vmem>>, vector<16xi32>,
    tpu.vector_store %arg10[%swap3A_998, %swap3A_999], %mul3A_996 {strides = array<i32>} : memref<4x128xi32, #tpu.memory_space<vmem>>, vector<16xi32>,
    %mul3A_1001 = arith.constant 2 : i32
    %mul3A_1002 = vector.broadcast %mul3A_1001 : i32 to vector<16xi32>
    %mul3A_1003 = arith.muli %gather3A_976, %mul3A_1002 : vector<16xi32>
    %add3A_1004 = arith.constant 1 : i32
    %add3A_1005 = vector.broadcast %add3A_1004 : i32 to vector<16xi32>
    %add3A_1006 = arith.addi %mul3A_1003, %add3A_1005 : vector<16xi32>
    %swap3A_1007 = arith.constant 2 : i32
    %swap3A_1008 = arith.index_cast %swap3A_1007 : i32 to index
    %swap3A_1009 = arith.constant 64 : index
    %swap3A_1010 = tpu.vector_load %arg11[%swap3A_1008, %swap3A_1009] {strides = array<i32>} : memref<4x128xi32, #tpu.memory_space<vmem>>, vector<16xi32>,
    tpu.vector_store %arg11[%swap3A_1008, %swap3A_1009], %add3A_1006 {strides = array<i32>} : memref<4x128xi32, #tpu.memory_space<vmem>>, vector<16xi32>,
    %mul3A_1011 = arith.constant 2 : i32
    %mul3A_1012 = vector.broadcast %mul3A_1011 : i32 to vector<16xi32>
    %mul3A_1013 = arith.muli %iota3A, %mul3A_1012 : vector<16xi32>
    %add3A_1014 = arith.constant 672 : i32
    %add3A_1015 = vector.broadcast %add3A_1014 : i32 to vector<16xi32>
    %add3A_1016 = arith.addi %mul3A_1013, %add3A_1015 : vector<16xi32>
    %gather3A_1017 = tpu.vector_load_idx %arg7[%add3A_1016] : memref<1024xi32, #tpu.memory_space<vmem>>[vector<16xi32>], vector<16xi32>,
    %mul3A_1018 = arith.constant 2 : i32
    %mul3A_1019 = vector.broadcast %mul3A_1018 : i32 to vector<16xi32>
    %mul3A_1020 = arith.muli %iota3A, %mul3A_1019 : vector<16xi32>
    %add3A_1021 = arith.constant 673 : i32
    %add3A_1022 = vector.broadcast %add3A_1021 : i32 to vector<16xi32>
    %add3A_1023 = arith.addi %mul3A_1020, %add3A_1022 : vector<16xi32>
    %gather3A_1024 = tpu.vector_load_idx %arg7[%add3A_1023] : memref<1024xi32, #tpu.memory_space<vmem>>[vector<16xi32>], vector<16xi32>,
    %mul3A_1025 = arith.constant 2 : i32
    %mul3A_1026 = vector.broadcast %mul3A_1025 : i32 to vector<16xi32>
    %mul3A_1027 = arith.muli %gather3A_1017, %mul3A_1026 : vector<16xi32>
    %swap3A_1028 = arith.constant 2 : i32
    %swap3A_1029 = arith.index_cast %swap3A_1028 : i32 to index
    %swap3A_1030 = arith.constant 80 : index
    %swap3A_1031 = tpu.vector_load %arg8[%swap3A_1029, %swap3A_1030] {strides = array<i32>} : memref<4x128xi32, #tpu.memory_space<vmem>>, vector<16xi32>,
    tpu.vector_store %arg8[%swap3A_1029, %swap3A_1030], %mul3A_1027 {strides = array<i32>} : memref<4x128xi32, #tpu.memory_space<vmem>>, vector<16xi32>,
    %mul3A_1032 = arith.constant 2 : i32
    %mul3A_1033 = vector.broadcast %mul3A_1032 : i32 to vector<16xi32>
    %mul3A_1034 = arith.muli %gather3A_1017, %mul3A_1033 : vector<16xi32>
    %add3A_1035 = arith.constant 1 : i32
    %add3A_1036 = vector.broadcast %add3A_1035 : i32 to vector<16xi32>
    %add3A_1037 = arith.addi %mul3A_1034, %add3A_1036 : vector<16xi32>
    %swap3A_1038 = arith.constant 2 : i32
    %swap3A_1039 = arith.index_cast %swap3A_1038 : i32 to index
    %swap3A_1040 = arith.constant 80 : index
    %swap3A_1041 = tpu.vector_load %arg9[%swap3A_1039, %swap3A_1040] {strides = array<i32>} : memref<4x128xi32, #tpu.memory_space<vmem>>, vector<16xi32>,
    tpu.vector_store %arg9[%swap3A_1039, %swap3A_1040], %add3A_1037 {strides = array<i32>} : memref<4x128xi32, #tpu.memory_space<vmem>>, vector<16xi32>,
    %mul3A_1042 = arith.constant 2 : i32
    %mul3A_1043 = vector.broadcast %mul3A_1042 : i32 to vector<16xi32>
    %mul3A_1044 = arith.muli %gather3A_1024, %mul3A_1043 : vector<16xi32>
    %swap3A_1045 = arith.constant 2 : i32
    %swap3A_1046 = arith.index_cast %swap3A_1045 : i32 to index
    %swap3A_1047 = arith.constant 80 : index
    %swap3A_1048 = tpu.vector_load %arg10[%swap3A_1046, %swap3A_1047] {strides = array<i32>} : memref<4x128xi32, #tpu.memory_space<vmem>>, vector<16xi32>,
    tpu.vector_store %arg10[%swap3A_1046, %swap3A_1047], %mul3A_1044 {strides = array<i32>} : memref<4x128xi32, #tpu.memory_space<vmem>>, vector<16xi32>,
    %mul3A_1049 = arith.constant 2 : i32
    %mul3A_1050 = vector.broadcast %mul3A_1049 : i32 to vector<16xi32>
    %mul3A_1051 = arith.muli %gather3A_1024, %mul3A_1050 : vector<16xi32>
    %add3A_1052 = arith.constant 1 : i32
    %add3A_1053 = vector.broadcast %add3A_1052 : i32 to vector<16xi32>
    %add3A_1054 = arith.addi %mul3A_1051, %add3A_1053 : vector<16xi32>
    %swap3A_1055 = arith.constant 2 : i32
    %swap3A_1056 = arith.index_cast %swap3A_1055 : i32 to index
    %swap3A_1057 = arith.constant 80 : index
    %swap3A_1058 = tpu.vector_load %arg11[%swap3A_1056, %swap3A_1057] {strides = array<i32>} : memref<4x128xi32, #tpu.memory_space<vmem>>, vector<16xi32>,
    tpu.vector_store %arg11[%swap3A_1056, %swap3A_1057], %add3A_1054 {strides = array<i32>} : memref<4x128xi32, #tpu.memory_space<vmem>>, vector<16xi32>,
    %mul3A_1059 = arith.constant 2 : i32
    %mul3A_1060 = vector.broadcast %mul3A_1059 : i32 to vector<16xi32>
    %mul3A_1061 = arith.muli %iota3A, %mul3A_1060 : vector<16xi32>
    %add3A_1062 = arith.constant 704 : i32
    %add3A_1063 = vector.broadcast %add3A_1062 : i32 to vector<16xi32>
    %add3A_1064 = arith.addi %mul3A_1061, %add3A_1063 : vector<16xi32>
    %gather3A_1065 = tpu.vector_load_idx %arg7[%add3A_1064] : memref<1024xi32, #tpu.memory_space<vmem>>[vector<16xi32>], vector<16xi32>,
    %mul3A_1066 = arith.constant 2 : i32
    %mul3A_1067 = vector.broadcast %mul3A_1066 : i32 to vector<16xi32>
    %mul3A_1068 = arith.muli %iota3A, %mul3A_1067 : vector<16xi32>
    %add3A_1069 = arith.constant 705 : i32
    %add3A_1070 = vector.broadcast %add3A_1069 : i32 to vector<16xi32>
    %add3A_1071 = arith.addi %mul3A_1068, %add3A_1070 : vector<16xi32>
    %gather3A_1072 = tpu.vector_load_idx %arg7[%add3A_1071] : memref<1024xi32, #tpu.memory_space<vmem>>[vector<16xi32>], vector<16xi32>,
    %mul3A_1073 = arith.constant 2 : i32
    %mul3A_1074 = vector.broadcast %mul3A_1073 : i32 to vector<16xi32>
    %mul3A_1075 = arith.muli %gather3A_1065, %mul3A_1074 : vector<16xi32>
    %swap3A_1076 = arith.constant 2 : i32
    %swap3A_1077 = arith.index_cast %swap3A_1076 : i32 to index
    %swap3A_1078 = arith.constant 96 : index
    %swap3A_1079 = tpu.vector_load %arg8[%swap3A_1077, %swap3A_1078] {strides = array<i32>} : memref<4x128xi32, #tpu.memory_space<vmem>>, vector<16xi32>,
    tpu.vector_store %arg8[%swap3A_1077, %swap3A_1078], %mul3A_1075 {strides = array<i32>} : memref<4x128xi32, #tpu.memory_space<vmem>>, vector<16xi32>,
    %mul3A_1080 = arith.constant 2 : i32
    %mul3A_1081 = vector.broadcast %mul3A_1080 : i32 to vector<16xi32>
    %mul3A_1082 = arith.muli %gather3A_1065, %mul3A_1081 : vector<16xi32>
    %add3A_1083 = arith.constant 1 : i32
    %add3A_1084 = vector.broadcast %add3A_1083 : i32 to vector<16xi32>
    %add3A_1085 = arith.addi %mul3A_1082, %add3A_1084 : vector<16xi32>
    %swap3A_1086 = arith.constant 2 : i32
    %swap3A_1087 = arith.index_cast %swap3A_1086 : i32 to index
    %swap3A_1088 = arith.constant 96 : index
    %swap3A_1089 = tpu.vector_load %arg9[%swap3A_1087, %swap3A_1088] {strides = array<i32>} : memref<4x128xi32, #tpu.memory_space<vmem>>, vector<16xi32>,
    tpu.vector_store %arg9[%swap3A_1087, %swap3A_1088], %add3A_1085 {strides = array<i32>} : memref<4x128xi32, #tpu.memory_space<vmem>>, vector<16xi32>,
    %mul3A_1090 = arith.constant 2 : i32
    %mul3A_1091 = vector.broadcast %mul3A_1090 : i32 to vector<16xi32>
    %mul3A_1092 = arith.muli %gather3A_1072, %mul3A_1091 : vector<16xi32>
    %swap3A_1093 = arith.constant 2 : i32
    %swap3A_1094 = arith.index_cast %swap3A_1093 : i32 to index
    %swap3A_1095 = arith.constant 96 : index
    %swap3A_1096 = tpu.vector_load %arg10[%swap3A_1094, %swap3A_1095] {strides = array<i32>} : memref<4x128xi32, #tpu.memory_space<vmem>>, vector<16xi32>,
    tpu.vector_store %arg10[%swap3A_1094, %swap3A_1095], %mul3A_1092 {strides = array<i32>} : memref<4x128xi32, #tpu.memory_space<vmem>>, vector<16xi32>,
    %mul3A_1097 = arith.constant 2 : i32
    %mul3A_1098 = vector.broadcast %mul3A_1097 : i32 to vector<16xi32>
    %mul3A_1099 = arith.muli %gather3A_1072, %mul3A_1098 : vector<16xi32>
    %add3A_1100 = arith.constant 1 : i32
    %add3A_1101 = vector.broadcast %add3A_1100 : i32 to vector<16xi32>
    %add3A_1102 = arith.addi %mul3A_1099, %add3A_1101 : vector<16xi32>
    %swap3A_1103 = arith.constant 2 : i32
    %swap3A_1104 = arith.index_cast %swap3A_1103 : i32 to index
    %swap3A_1105 = arith.constant 96 : index
    %swap3A_1106 = tpu.vector_load %arg11[%swap3A_1104, %swap3A_1105] {strides = array<i32>} : memref<4x128xi32, #tpu.memory_space<vmem>>, vector<16xi32>,
    tpu.vector_store %arg11[%swap3A_1104, %swap3A_1105], %add3A_1102 {strides = array<i32>} : memref<4x128xi32, #tpu.memory_space<vmem>>, vector<16xi32>,
    %mul3A_1107 = arith.constant 2 : i32
    %mul3A_1108 = vector.broadcast %mul3A_1107 : i32 to vector<16xi32>
    %mul3A_1109 = arith.muli %iota3A, %mul3A_1108 : vector<16xi32>
    %add3A_1110 = arith.constant 736 : i32
    %add3A_1111 = vector.broadcast %add3A_1110 : i32 to vector<16xi32>
    %add3A_1112 = arith.addi %mul3A_1109, %add3A_1111 : vector<16xi32>
    %gather3A_1113 = tpu.vector_load_idx %arg7[%add3A_1112] : memref<1024xi32, #tpu.memory_space<vmem>>[vector<16xi32>], vector<16xi32>,
    %mul3A_1114 = arith.constant 2 : i32
    %mul3A_1115 = vector.broadcast %mul3A_1114 : i32 to vector<16xi32>
    %mul3A_1116 = arith.muli %iota3A, %mul3A_1115 : vector<16xi32>
    %add3A_1117 = arith.constant 737 : i32
    %add3A_1118 = vector.broadcast %add3A_1117 : i32 to vector<16xi32>
    %add3A_1119 = arith.addi %mul3A_1116, %add3A_1118 : vector<16xi32>
    %gather3A_1120 = tpu.vector_load_idx %arg7[%add3A_1119] : memref<1024xi32, #tpu.memory_space<vmem>>[vector<16xi32>], vector<16xi32>,
    %mul3A_1121 = arith.constant 2 : i32
    %mul3A_1122 = vector.broadcast %mul3A_1121 : i32 to vector<16xi32>
    %mul3A_1123 = arith.muli %gather3A_1113, %mul3A_1122 : vector<16xi32>
    %swap3A_1124 = arith.constant 2 : i32
    %swap3A_1125 = arith.index_cast %swap3A_1124 : i32 to index
    %swap3A_1126 = arith.constant 112 : index
    %swap3A_1127 = tpu.vector_load %arg8[%swap3A_1125, %swap3A_1126] {strides = array<i32>} : memref<4x128xi32, #tpu.memory_space<vmem>>, vector<16xi32>,
    tpu.vector_store %arg8[%swap3A_1125, %swap3A_1126], %mul3A_1123 {strides = array<i32>} : memref<4x128xi32, #tpu.memory_space<vmem>>, vector<16xi32>,
    %mul3A_1128 = arith.constant 2 : i32
    %mul3A_1129 = vector.broadcast %mul3A_1128 : i32 to vector<16xi32>
    %mul3A_1130 = arith.muli %gather3A_1113, %mul3A_1129 : vector<16xi32>
    %add3A_1131 = arith.constant 1 : i32
    %add3A_1132 = vector.broadcast %add3A_1131 : i32 to vector<16xi32>
    %add3A_1133 = arith.addi %mul3A_1130, %add3A_1132 : vector<16xi32>
    %swap3A_1134 = arith.constant 2 : i32
    %swap3A_1135 = arith.index_cast %swap3A_1134 : i32 to index
    %swap3A_1136 = arith.constant 112 : index
    %swap3A_1137 = tpu.vector_load %arg9[%swap3A_1135, %swap3A_1136] {strides = array<i32>} : memref<4x128xi32, #tpu.memory_space<vmem>>, vector<16xi32>,
    tpu.vector_store %arg9[%swap3A_1135, %swap3A_1136], %add3A_1133 {strides = array<i32>} : memref<4x128xi32, #tpu.memory_space<vmem>>, vector<16xi32>,
    %mul3A_1138 = arith.constant 2 : i32
    %mul3A_1139 = vector.broadcast %mul3A_1138 : i32 to vector<16xi32>
    %mul3A_1140 = arith.muli %gather3A_1120, %mul3A_1139 : vector<16xi32>
    %swap3A_1141 = arith.constant 2 : i32
    %swap3A_1142 = arith.index_cast %swap3A_1141 : i32 to index
    %swap3A_1143 = arith.constant 112 : index
    %swap3A_1144 = tpu.vector_load %arg10[%swap3A_1142, %swap3A_1143] {strides = array<i32>} : memref<4x128xi32, #tpu.memory_space<vmem>>, vector<16xi32>,
    tpu.vector_store %arg10[%swap3A_1142, %swap3A_1143], %mul3A_1140 {strides = array<i32>} : memref<4x128xi32, #tpu.memory_space<vmem>>, vector<16xi32>,
    %mul3A_1145 = arith.constant 2 : i32
    %mul3A_1146 = vector.broadcast %mul3A_1145 : i32 to vector<16xi32>
    %mul3A_1147 = arith.muli %gather3A_1120, %mul3A_1146 : vector<16xi32>
    %add3A_1148 = arith.constant 1 : i32
    %add3A_1149 = vector.broadcast %add3A_1148 : i32 to vector<16xi32>
    %add3A_1150 = arith.addi %mul3A_1147, %add3A_1149 : vector<16xi32>
    %swap3A_1151 = arith.constant 2 : i32
    %swap3A_1152 = arith.index_cast %swap3A_1151 : i32 to index
    %swap3A_1153 = arith.constant 112 : index
    %swap3A_1154 = tpu.vector_load %arg11[%swap3A_1152, %swap3A_1153] {strides = array<i32>} : memref<4x128xi32, #tpu.memory_space<vmem>>, vector<16xi32>,
    tpu.vector_store %arg11[%swap3A_1152, %swap3A_1153], %add3A_1150 {strides = array<i32>} : memref<4x128xi32, #tpu.memory_space<vmem>>, vector<16xi32>,
    %mul3A_1155 = arith.constant 2 : i32
    %mul3A_1156 = vector.broadcast %mul3A_1155 : i32 to vector<16xi32>
    %mul3A_1157 = arith.muli %iota3A, %mul3A_1156 : vector<16xi32>
    %add3A_1158 = arith.constant 768 : i32
    %add3A_1159 = vector.broadcast %add3A_1158 : i32 to vector<16xi32>
    %add3A_1160 = arith.addi %mul3A_1157, %add3A_1159 : vector<16xi32>
    %gather3A_1161 = tpu.vector_load_idx %arg7[%add3A_1160] : memref<1024xi32, #tpu.memory_space<vmem>>[vector<16xi32>], vector<16xi32>,
    %mul3A_1162 = arith.constant 2 : i32
    %mul3A_1163 = vector.broadcast %mul3A_1162 : i32 to vector<16xi32>
    %mul3A_1164 = arith.muli %iota3A, %mul3A_1163 : vector<16xi32>
    %add3A_1165 = arith.constant 769 : i32
    %add3A_1166 = vector.broadcast %add3A_1165 : i32 to vector<16xi32>
    %add3A_1167 = arith.addi %mul3A_1164, %add3A_1166 : vector<16xi32>
    %gather3A_1168 = tpu.vector_load_idx %arg7[%add3A_1167] : memref<1024xi32, #tpu.memory_space<vmem>>[vector<16xi32>], vector<16xi32>,
    %mul3A_1169 = arith.constant 2 : i32
    %mul3A_1170 = vector.broadcast %mul3A_1169 : i32 to vector<16xi32>
    %mul3A_1171 = arith.muli %gather3A_1161, %mul3A_1170 : vector<16xi32>
    %swap3A_1172 = arith.constant 3 : i32
    %swap3A_1173 = arith.index_cast %swap3A_1172 : i32 to index
    %swap3A_1174 = arith.constant 0 : index
    %swap3A_1175 = tpu.vector_load %arg8[%swap3A_1173, %swap3A_1174] {strides = array<i32>} : memref<4x128xi32, #tpu.memory_space<vmem>>, vector<16xi32>,
    tpu.vector_store %arg8[%swap3A_1173, %swap3A_1174], %mul3A_1171 {strides = array<i32>} : memref<4x128xi32, #tpu.memory_space<vmem>>, vector<16xi32>,
    %mul3A_1176 = arith.constant 2 : i32
    %mul3A_1177 = vector.broadcast %mul3A_1176 : i32 to vector<16xi32>
    %mul3A_1178 = arith.muli %gather3A_1161, %mul3A_1177 : vector<16xi32>
    %add3A_1179 = arith.constant 1 : i32
    %add3A_1180 = vector.broadcast %add3A_1179 : i32 to vector<16xi32>
    %add3A_1181 = arith.addi %mul3A_1178, %add3A_1180 : vector<16xi32>
    %swap3A_1182 = arith.constant 3 : i32
    %swap3A_1183 = arith.index_cast %swap3A_1182 : i32 to index
    %swap3A_1184 = arith.constant 0 : index
    %swap3A_1185 = tpu.vector_load %arg9[%swap3A_1183, %swap3A_1184] {strides = array<i32>} : memref<4x128xi32, #tpu.memory_space<vmem>>, vector<16xi32>,
    tpu.vector_store %arg9[%swap3A_1183, %swap3A_1184], %add3A_1181 {strides = array<i32>} : memref<4x128xi32, #tpu.memory_space<vmem>>, vector<16xi32>,
    %mul3A_1186 = arith.constant 2 : i32
    %mul3A_1187 = vector.broadcast %mul3A_1186 : i32 to vector<16xi32>
    %mul3A_1188 = arith.muli %gather3A_1168, %mul3A_1187 : vector<16xi32>
    %swap3A_1189 = arith.constant 3 : i32
    %swap3A_1190 = arith.index_cast %swap3A_1189 : i32 to index
    %swap3A_1191 = arith.constant 0 : index
    %swap3A_1192 = tpu.vector_load %arg10[%swap3A_1190, %swap3A_1191] {strides = array<i32>} : memref<4x128xi32, #tpu.memory_space<vmem>>, vector<16xi32>,
    tpu.vector_store %arg10[%swap3A_1190, %swap3A_1191], %mul3A_1188 {strides = array<i32>} : memref<4x128xi32, #tpu.memory_space<vmem>>, vector<16xi32>,
    %mul3A_1193 = arith.constant 2 : i32
    %mul3A_1194 = vector.broadcast %mul3A_1193 : i32 to vector<16xi32>
    %mul3A_1195 = arith.muli %gather3A_1168, %mul3A_1194 : vector<16xi32>
    %add3A_1196 = arith.constant 1 : i32
    %add3A_1197 = vector.broadcast %add3A_1196 : i32 to vector<16xi32>
    %add3A_1198 = arith.addi %mul3A_1195, %add3A_1197 : vector<16xi32>
    %swap3A_1199 = arith.constant 3 : i32
    %swap3A_1200 = arith.index_cast %swap3A_1199 : i32 to index
    %swap3A_1201 = arith.constant 0 : index
    %swap3A_1202 = tpu.vector_load %arg11[%swap3A_1200, %swap3A_1201] {strides = array<i32>} : memref<4x128xi32, #tpu.memory_space<vmem>>, vector<16xi32>,
    tpu.vector_store %arg11[%swap3A_1200, %swap3A_1201], %add3A_1198 {strides = array<i32>} : memref<4x128xi32, #tpu.memory_space<vmem>>, vector<16xi32>,
    %mul3A_1203 = arith.constant 2 : i32
    %mul3A_1204 = vector.broadcast %mul3A_1203 : i32 to vector<16xi32>
    %mul3A_1205 = arith.muli %iota3A, %mul3A_1204 : vector<16xi32>
    %add3A_1206 = arith.constant 800 : i32
    %add3A_1207 = vector.broadcast %add3A_1206 : i32 to vector<16xi32>
    %add3A_1208 = arith.addi %mul3A_1205, %add3A_1207 : vector<16xi32>
    %gather3A_1209 = tpu.vector_load_idx %arg7[%add3A_1208] : memref<1024xi32, #tpu.memory_space<vmem>>[vector<16xi32>], vector<16xi32>,
    %mul3A_1210 = arith.constant 2 : i32
    %mul3A_1211 = vector.broadcast %mul3A_1210 : i32 to vector<16xi32>
    %mul3A_1212 = arith.muli %iota3A, %mul3A_1211 : vector<16xi32>
    %add3A_1213 = arith.constant 801 : i32
    %add3A_1214 = vector.broadcast %add3A_1213 : i32 to vector<16xi32>
    %add3A_1215 = arith.addi %mul3A_1212, %add3A_1214 : vector<16xi32>
    %gather3A_1216 = tpu.vector_load_idx %arg7[%add3A_1215] : memref<1024xi32, #tpu.memory_space<vmem>>[vector<16xi32>], vector<16xi32>,
    %mul3A_1217 = arith.constant 2 : i32
    %mul3A_1218 = vector.broadcast %mul3A_1217 : i32 to vector<16xi32>
    %mul3A_1219 = arith.muli %gather3A_1209, %mul3A_1218 : vector<16xi32>
    %swap3A_1220 = arith.constant 3 : i32
    %swap3A_1221 = arith.index_cast %swap3A_1220 : i32 to index
    %swap3A_1222 = arith.constant 16 : index
    %swap3A_1223 = tpu.vector_load %arg8[%swap3A_1221, %swap3A_1222] {strides = array<i32>} : memref<4x128xi32, #tpu.memory_space<vmem>>, vector<16xi32>,
    tpu.vector_store %arg8[%swap3A_1221, %swap3A_1222], %mul3A_1219 {strides = array<i32>} : memref<4x128xi32, #tpu.memory_space<vmem>>, vector<16xi32>,
    %mul3A_1224 = arith.constant 2 : i32
    %mul3A_1225 = vector.broadcast %mul3A_1224 : i32 to vector<16xi32>
    %mul3A_1226 = arith.muli %gather3A_1209, %mul3A_1225 : vector<16xi32>
    %add3A_1227 = arith.constant 1 : i32
    %add3A_1228 = vector.broadcast %add3A_1227 : i32 to vector<16xi32>
    %add3A_1229 = arith.addi %mul3A_1226, %add3A_1228 : vector<16xi32>
    %swap3A_1230 = arith.constant 3 : i32
    %swap3A_1231 = arith.index_cast %swap3A_1230 : i32 to index
    %swap3A_1232 = arith.constant 16 : index
    %swap3A_1233 = tpu.vector_load %arg9[%swap3A_1231, %swap3A_1232] {strides = array<i32>} : memref<4x128xi32, #tpu.memory_space<vmem>>, vector<16xi32>,
    tpu.vector_store %arg9[%swap3A_1231, %swap3A_1232], %add3A_1229 {strides = array<i32>} : memref<4x128xi32, #tpu.memory_space<vmem>>, vector<16xi32>,
    %mul3A_1234 = arith.constant 2 : i32
    %mul3A_1235 = vector.broadcast %mul3A_1234 : i32 to vector<16xi32>
    %mul3A_1236 = arith.muli %gather3A_1216, %mul3A_1235 : vector<16xi32>
    %swap3A_1237 = arith.constant 3 : i32
    %swap3A_1238 = arith.index_cast %swap3A_1237 : i32 to index
    %swap3A_1239 = arith.constant 16 : index
    %swap3A_1240 = tpu.vector_load %arg10[%swap3A_1238, %swap3A_1239] {strides = array<i32>} : memref<4x128xi32, #tpu.memory_space<vmem>>, vector<16xi32>,
    tpu.vector_store %arg10[%swap3A_1238, %swap3A_1239], %mul3A_1236 {strides = array<i32>} : memref<4x128xi32, #tpu.memory_space<vmem>>, vector<16xi32>,
    %mul3A_1241 = arith.constant 2 : i32
    %mul3A_1242 = vector.broadcast %mul3A_1241 : i32 to vector<16xi32>
    %mul3A_1243 = arith.muli %gather3A_1216, %mul3A_1242 : vector<16xi32>
    %add3A_1244 = arith.constant 1 : i32
    %add3A_1245 = vector.broadcast %add3A_1244 : i32 to vector<16xi32>
    %add3A_1246 = arith.addi %mul3A_1243, %add3A_1245 : vector<16xi32>
    %swap3A_1247 = arith.constant 3 : i32
    %swap3A_1248 = arith.index_cast %swap3A_1247 : i32 to index
    %swap3A_1249 = arith.constant 16 : index
    %swap3A_1250 = tpu.vector_load %arg11[%swap3A_1248, %swap3A_1249] {strides = array<i32>} : memref<4x128xi32, #tpu.memory_space<vmem>>, vector<16xi32>,
    tpu.vector_store %arg11[%swap3A_1248, %swap3A_1249], %add3A_1246 {strides = array<i32>} : memref<4x128xi32, #tpu.memory_space<vmem>>, vector<16xi32>,
    %mul3A_1251 = arith.constant 2 : i32
    %mul3A_1252 = vector.broadcast %mul3A_1251 : i32 to vector<16xi32>
    %mul3A_1253 = arith.muli %iota3A, %mul3A_1252 : vector<16xi32>
    %add3A_1254 = arith.constant 832 : i32
    %add3A_1255 = vector.broadcast %add3A_1254 : i32 to vector<16xi32>
    %add3A_1256 = arith.addi %mul3A_1253, %add3A_1255 : vector<16xi32>
    %gather3A_1257 = tpu.vector_load_idx %arg7[%add3A_1256] : memref<1024xi32, #tpu.memory_space<vmem>>[vector<16xi32>], vector<16xi32>,
    %mul3A_1258 = arith.constant 2 : i32
    %mul3A_1259 = vector.broadcast %mul3A_1258 : i32 to vector<16xi32>
    %mul3A_1260 = arith.muli %iota3A, %mul3A_1259 : vector<16xi32>
    %add3A_1261 = arith.constant 833 : i32
    %add3A_1262 = vector.broadcast %add3A_1261 : i32 to vector<16xi32>
    %add3A_1263 = arith.addi %mul3A_1260, %add3A_1262 : vector<16xi32>
    %gather3A_1264 = tpu.vector_load_idx %arg7[%add3A_1263] : memref<1024xi32, #tpu.memory_space<vmem>>[vector<16xi32>], vector<16xi32>,
    %mul3A_1265 = arith.constant 2 : i32
    %mul3A_1266 = vector.broadcast %mul3A_1265 : i32 to vector<16xi32>
    %mul3A_1267 = arith.muli %gather3A_1257, %mul3A_1266 : vector<16xi32>
    %swap3A_1268 = arith.constant 3 : i32
    %swap3A_1269 = arith.index_cast %swap3A_1268 : i32 to index
    %swap3A_1270 = arith.constant 32 : index
    %swap3A_1271 = tpu.vector_load %arg8[%swap3A_1269, %swap3A_1270] {strides = array<i32>} : memref<4x128xi32, #tpu.memory_space<vmem>>, vector<16xi32>,
    tpu.vector_store %arg8[%swap3A_1269, %swap3A_1270], %mul3A_1267 {strides = array<i32>} : memref<4x128xi32, #tpu.memory_space<vmem>>, vector<16xi32>,
    %mul3A_1272 = arith.constant 2 : i32
    %mul3A_1273 = vector.broadcast %mul3A_1272 : i32 to vector<16xi32>
    %mul3A_1274 = arith.muli %gather3A_1257, %mul3A_1273 : vector<16xi32>
    %add3A_1275 = arith.constant 1 : i32
    %add3A_1276 = vector.broadcast %add3A_1275 : i32 to vector<16xi32>
    %add3A_1277 = arith.addi %mul3A_1274, %add3A_1276 : vector<16xi32>
    %swap3A_1278 = arith.constant 3 : i32
    %swap3A_1279 = arith.index_cast %swap3A_1278 : i32 to index
    %swap3A_1280 = arith.constant 32 : index
    %swap3A_1281 = tpu.vector_load %arg9[%swap3A_1279, %swap3A_1280] {strides = array<i32>} : memref<4x128xi32, #tpu.memory_space<vmem>>, vector<16xi32>,
    tpu.vector_store %arg9[%swap3A_1279, %swap3A_1280], %add3A_1277 {strides = array<i32>} : memref<4x128xi32, #tpu.memory_space<vmem>>, vector<16xi32>,
    %mul3A_1282 = arith.constant 2 : i32
    %mul3A_1283 = vector.broadcast %mul3A_1282 : i32 to vector<16xi32>
    %mul3A_1284 = arith.muli %gather3A_1264, %mul3A_1283 : vector<16xi32>
    %swap3A_1285 = arith.constant 3 : i32
    %swap3A_1286 = arith.index_cast %swap3A_1285 : i32 to index
    %swap3A_1287 = arith.constant 32 : index
    %swap3A_1288 = tpu.vector_load %arg10[%swap3A_1286, %swap3A_1287] {strides = array<i32>} : memref<4x128xi32, #tpu.memory_space<vmem>>, vector<16xi32>,
    tpu.vector_store %arg10[%swap3A_1286, %swap3A_1287], %mul3A_1284 {strides = array<i32>} : memref<4x128xi32, #tpu.memory_space<vmem>>, vector<16xi32>,
    %mul3A_1289 = arith.constant 2 : i32
    %mul3A_1290 = vector.broadcast %mul3A_1289 : i32 to vector<16xi32>
    %mul3A_1291 = arith.muli %gather3A_1264, %mul3A_1290 : vector<16xi32>
    %add3A_1292 = arith.constant 1 : i32
    %add3A_1293 = vector.broadcast %add3A_1292 : i32 to vector<16xi32>
    %add3A_1294 = arith.addi %mul3A_1291, %add3A_1293 : vector<16xi32>
    %swap3A_1295 = arith.constant 3 : i32
    %swap3A_1296 = arith.index_cast %swap3A_1295 : i32 to index
    %swap3A_1297 = arith.constant 32 : index
    %swap3A_1298 = tpu.vector_load %arg11[%swap3A_1296, %swap3A_1297] {strides = array<i32>} : memref<4x128xi32, #tpu.memory_space<vmem>>, vector<16xi32>,
    tpu.vector_store %arg11[%swap3A_1296, %swap3A_1297], %add3A_1294 {strides = array<i32>} : memref<4x128xi32, #tpu.memory_space<vmem>>, vector<16xi32>,
    %mul3A_1299 = arith.constant 2 : i32
    %mul3A_1300 = vector.broadcast %mul3A_1299 : i32 to vector<16xi32>
    %mul3A_1301 = arith.muli %iota3A, %mul3A_1300 : vector<16xi32>
    %add3A_1302 = arith.constant 864 : i32
    %add3A_1303 = vector.broadcast %add3A_1302 : i32 to vector<16xi32>
    %add3A_1304 = arith.addi %mul3A_1301, %add3A_1303 : vector<16xi32>
    %gather3A_1305 = tpu.vector_load_idx %arg7[%add3A_1304] : memref<1024xi32, #tpu.memory_space<vmem>>[vector<16xi32>], vector<16xi32>,
    %mul3A_1306 = arith.constant 2 : i32
    %mul3A_1307 = vector.broadcast %mul3A_1306 : i32 to vector<16xi32>
    %mul3A_1308 = arith.muli %iota3A, %mul3A_1307 : vector<16xi32>
    %add3A_1309 = arith.constant 865 : i32
    %add3A_1310 = vector.broadcast %add3A_1309 : i32 to vector<16xi32>
    %add3A_1311 = arith.addi %mul3A_1308, %add3A_1310 : vector<16xi32>
    %gather3A_1312 = tpu.vector_load_idx %arg7[%add3A_1311] : memref<1024xi32, #tpu.memory_space<vmem>>[vector<16xi32>], vector<16xi32>,
    %mul3A_1313 = arith.constant 2 : i32
    %mul3A_1314 = vector.broadcast %mul3A_1313 : i32 to vector<16xi32>
    %mul3A_1315 = arith.muli %gather3A_1305, %mul3A_1314 : vector<16xi32>
    %swap3A_1316 = arith.constant 3 : i32
    %swap3A_1317 = arith.index_cast %swap3A_1316 : i32 to index
    %swap3A_1318 = arith.constant 48 : index
    %swap3A_1319 = tpu.vector_load %arg8[%swap3A_1317, %swap3A_1318] {strides = array<i32>} : memref<4x128xi32, #tpu.memory_space<vmem>>, vector<16xi32>,
    tpu.vector_store %arg8[%swap3A_1317, %swap3A_1318], %mul3A_1315 {strides = array<i32>} : memref<4x128xi32, #tpu.memory_space<vmem>>, vector<16xi32>,
    %mul3A_1320 = arith.constant 2 : i32
    %mul3A_1321 = vector.broadcast %mul3A_1320 : i32 to vector<16xi32>
    %mul3A_1322 = arith.muli %gather3A_1305, %mul3A_1321 : vector<16xi32>
    %add3A_1323 = arith.constant 1 : i32
    %add3A_1324 = vector.broadcast %add3A_1323 : i32 to vector<16xi32>
    %add3A_1325 = arith.addi %mul3A_1322, %add3A_1324 : vector<16xi32>
    %swap3A_1326 = arith.constant 3 : i32
    %swap3A_1327 = arith.index_cast %swap3A_1326 : i32 to index
    %swap3A_1328 = arith.constant 48 : index
    %swap3A_1329 = tpu.vector_load %arg9[%swap3A_1327, %swap3A_1328] {strides = array<i32>} : memref<4x128xi32, #tpu.memory_space<vmem>>, vector<16xi32>,
    tpu.vector_store %arg9[%swap3A_1327, %swap3A_1328], %add3A_1325 {strides = array<i32>} : memref<4x128xi32, #tpu.memory_space<vmem>>, vector<16xi32>,
    %mul3A_1330 = arith.constant 2 : i32
    %mul3A_1331 = vector.broadcast %mul3A_1330 : i32 to vector<16xi32>
    %mul3A_1332 = arith.muli %gather3A_1312, %mul3A_1331 : vector<16xi32>
    %swap3A_1333 = arith.constant 3 : i32
    %swap3A_1334 = arith.index_cast %swap3A_1333 : i32 to index
    %swap3A_1335 = arith.constant 48 : index
    %swap3A_1336 = tpu.vector_load %arg10[%swap3A_1334, %swap3A_1335] {strides = array<i32>} : memref<4x128xi32, #tpu.memory_space<vmem>>, vector<16xi32>,
    tpu.vector_store %arg10[%swap3A_1334, %swap3A_1335], %mul3A_1332 {strides = array<i32>} : memref<4x128xi32, #tpu.memory_space<vmem>>, vector<16xi32>,
    %mul3A_1337 = arith.constant 2 : i32
    %mul3A_1338 = vector.broadcast %mul3A_1337 : i32 to vector<16xi32>
    %mul3A_1339 = arith.muli %gather3A_1312, %mul3A_1338 : vector<16xi32>
    %add3A_1340 = arith.constant 1 : i32
    %add3A_1341 = vector.broadcast %add3A_1340 : i32 to vector<16xi32>
    %add3A_1342 = arith.addi %mul3A_1339, %add3A_1341 : vector<16xi32>
    %swap3A_1343 = arith.constant 3 : i32
    %swap3A_1344 = arith.index_cast %swap3A_1343 : i32 to index
    %swap3A_1345 = arith.constant 48 : index
    %swap3A_1346 = tpu.vector_load %arg11[%swap3A_1344, %swap3A_1345] {strides = array<i32>} : memref<4x128xi32, #tpu.memory_space<vmem>>, vector<16xi32>,
    tpu.vector_store %arg11[%swap3A_1344, %swap3A_1345], %add3A_1342 {strides = array<i32>} : memref<4x128xi32, #tpu.memory_space<vmem>>, vector<16xi32>,
    %mul3A_1347 = arith.constant 2 : i32
    %mul3A_1348 = vector.broadcast %mul3A_1347 : i32 to vector<16xi32>
    %mul3A_1349 = arith.muli %iota3A, %mul3A_1348 : vector<16xi32>
    %add3A_1350 = arith.constant 896 : i32
    %add3A_1351 = vector.broadcast %add3A_1350 : i32 to vector<16xi32>
    %add3A_1352 = arith.addi %mul3A_1349, %add3A_1351 : vector<16xi32>
    %gather3A_1353 = tpu.vector_load_idx %arg7[%add3A_1352] : memref<1024xi32, #tpu.memory_space<vmem>>[vector<16xi32>], vector<16xi32>,
    %mul3A_1354 = arith.constant 2 : i32
    %mul3A_1355 = vector.broadcast %mul3A_1354 : i32 to vector<16xi32>
    %mul3A_1356 = arith.muli %iota3A, %mul3A_1355 : vector<16xi32>
    %add3A_1357 = arith.constant 897 : i32
    %add3A_1358 = vector.broadcast %add3A_1357 : i32 to vector<16xi32>
    %add3A_1359 = arith.addi %mul3A_1356, %add3A_1358 : vector<16xi32>
    %gather3A_1360 = tpu.vector_load_idx %arg7[%add3A_1359] : memref<1024xi32, #tpu.memory_space<vmem>>[vector<16xi32>], vector<16xi32>,
    %mul3A_1361 = arith.constant 2 : i32
    %mul3A_1362 = vector.broadcast %mul3A_1361 : i32 to vector<16xi32>
    %mul3A_1363 = arith.muli %gather3A_1353, %mul3A_1362 : vector<16xi32>
    %swap3A_1364 = arith.constant 3 : i32
    %swap3A_1365 = arith.index_cast %swap3A_1364 : i32 to index
    %swap3A_1366 = arith.constant 64 : index
    %swap3A_1367 = tpu.vector_load %arg8[%swap3A_1365, %swap3A_1366] {strides = array<i32>} : memref<4x128xi32, #tpu.memory_space<vmem>>, vector<16xi32>,
    tpu.vector_store %arg8[%swap3A_1365, %swap3A_1366], %mul3A_1363 {strides = array<i32>} : memref<4x128xi32, #tpu.memory_space<vmem>>, vector<16xi32>,
    %mul3A_1368 = arith.constant 2 : i32
    %mul3A_1369 = vector.broadcast %mul3A_1368 : i32 to vector<16xi32>
    %mul3A_1370 = arith.muli %gather3A_1353, %mul3A_1369 : vector<16xi32>
    %add3A_1371 = arith.constant 1 : i32
    %add3A_1372 = vector.broadcast %add3A_1371 : i32 to vector<16xi32>
    %add3A_1373 = arith.addi %mul3A_1370, %add3A_1372 : vector<16xi32>
    %swap3A_1374 = arith.constant 3 : i32
    %swap3A_1375 = arith.index_cast %swap3A_1374 : i32 to index
    %swap3A_1376 = arith.constant 64 : index
    %swap3A_1377 = tpu.vector_load %arg9[%swap3A_1375, %swap3A_1376] {strides = array<i32>} : memref<4x128xi32, #tpu.memory_space<vmem>>, vector<16xi32>,
    tpu.vector_store %arg9[%swap3A_1375, %swap3A_1376], %add3A_1373 {strides = array<i32>} : memref<4x128xi32, #tpu.memory_space<vmem>>, vector<16xi32>,
    %mul3A_1378 = arith.constant 2 : i32
    %mul3A_1379 = vector.broadcast %mul3A_1378 : i32 to vector<16xi32>
    %mul3A_1380 = arith.muli %gather3A_1360, %mul3A_1379 : vector<16xi32>
    %swap3A_1381 = arith.constant 3 : i32
    %swap3A_1382 = arith.index_cast %swap3A_1381 : i32 to index
    %swap3A_1383 = arith.constant 64 : index
    %swap3A_1384 = tpu.vector_load %arg10[%swap3A_1382, %swap3A_1383] {strides = array<i32>} : memref<4x128xi32, #tpu.memory_space<vmem>>, vector<16xi32>,
    tpu.vector_store %arg10[%swap3A_1382, %swap3A_1383], %mul3A_1380 {strides = array<i32>} : memref<4x128xi32, #tpu.memory_space<vmem>>, vector<16xi32>,
    %mul3A_1385 = arith.constant 2 : i32
    %mul3A_1386 = vector.broadcast %mul3A_1385 : i32 to vector<16xi32>
    %mul3A_1387 = arith.muli %gather3A_1360, %mul3A_1386 : vector<16xi32>
    %add3A_1388 = arith.constant 1 : i32
    %add3A_1389 = vector.broadcast %add3A_1388 : i32 to vector<16xi32>
    %add3A_1390 = arith.addi %mul3A_1387, %add3A_1389 : vector<16xi32>
    %swap3A_1391 = arith.constant 3 : i32
    %swap3A_1392 = arith.index_cast %swap3A_1391 : i32 to index
    %swap3A_1393 = arith.constant 64 : index
    %swap3A_1394 = tpu.vector_load %arg11[%swap3A_1392, %swap3A_1393] {strides = array<i32>} : memref<4x128xi32, #tpu.memory_space<vmem>>, vector<16xi32>,
    tpu.vector_store %arg11[%swap3A_1392, %swap3A_1393], %add3A_1390 {strides = array<i32>} : memref<4x128xi32, #tpu.memory_space<vmem>>, vector<16xi32>,
    %mul3A_1395 = arith.constant 2 : i32
    %mul3A_1396 = vector.broadcast %mul3A_1395 : i32 to vector<16xi32>
    %mul3A_1397 = arith.muli %iota3A, %mul3A_1396 : vector<16xi32>
    %add3A_1398 = arith.constant 928 : i32
    %add3A_1399 = vector.broadcast %add3A_1398 : i32 to vector<16xi32>
    %add3A_1400 = arith.addi %mul3A_1397, %add3A_1399 : vector<16xi32>
    %gather3A_1401 = tpu.vector_load_idx %arg7[%add3A_1400] : memref<1024xi32, #tpu.memory_space<vmem>>[vector<16xi32>], vector<16xi32>,
    %mul3A_1402 = arith.constant 2 : i32
    %mul3A_1403 = vector.broadcast %mul3A_1402 : i32 to vector<16xi32>
    %mul3A_1404 = arith.muli %iota3A, %mul3A_1403 : vector<16xi32>
    %add3A_1405 = arith.constant 929 : i32
    %add3A_1406 = vector.broadcast %add3A_1405 : i32 to vector<16xi32>
    %add3A_1407 = arith.addi %mul3A_1404, %add3A_1406 : vector<16xi32>
    %gather3A_1408 = tpu.vector_load_idx %arg7[%add3A_1407] : memref<1024xi32, #tpu.memory_space<vmem>>[vector<16xi32>], vector<16xi32>,
    %mul3A_1409 = arith.constant 2 : i32
    %mul3A_1410 = vector.broadcast %mul3A_1409 : i32 to vector<16xi32>
    %mul3A_1411 = arith.muli %gather3A_1401, %mul3A_1410 : vector<16xi32>
    %swap3A_1412 = arith.constant 3 : i32
    %swap3A_1413 = arith.index_cast %swap3A_1412 : i32 to index
    %swap3A_1414 = arith.constant 80 : index
    %swap3A_1415 = tpu.vector_load %arg8[%swap3A_1413, %swap3A_1414] {strides = array<i32>} : memref<4x128xi32, #tpu.memory_space<vmem>>, vector<16xi32>,
    tpu.vector_store %arg8[%swap3A_1413, %swap3A_1414], %mul3A_1411 {strides = array<i32>} : memref<4x128xi32, #tpu.memory_space<vmem>>, vector<16xi32>,
    %mul3A_1416 = arith.constant 2 : i32
    %mul3A_1417 = vector.broadcast %mul3A_1416 : i32 to vector<16xi32>
    %mul3A_1418 = arith.muli %gather3A_1401, %mul3A_1417 : vector<16xi32>
    %add3A_1419 = arith.constant 1 : i32
    %add3A_1420 = vector.broadcast %add3A_1419 : i32 to vector<16xi32>
    %add3A_1421 = arith.addi %mul3A_1418, %add3A_1420 : vector<16xi32>
    %swap3A_1422 = arith.constant 3 : i32
    %swap3A_1423 = arith.index_cast %swap3A_1422 : i32 to index
    %swap3A_1424 = arith.constant 80 : index
    %swap3A_1425 = tpu.vector_load %arg9[%swap3A_1423, %swap3A_1424] {strides = array<i32>} : memref<4x128xi32, #tpu.memory_space<vmem>>, vector<16xi32>,
    tpu.vector_store %arg9[%swap3A_1423, %swap3A_1424], %add3A_1421 {strides = array<i32>} : memref<4x128xi32, #tpu.memory_space<vmem>>, vector<16xi32>,
    %mul3A_1426 = arith.constant 2 : i32
    %mul3A_1427 = vector.broadcast %mul3A_1426 : i32 to vector<16xi32>
    %mul3A_1428 = arith.muli %gather3A_1408, %mul3A_1427 : vector<16xi32>
    %swap3A_1429 = arith.constant 3 : i32
    %swap3A_1430 = arith.index_cast %swap3A_1429 : i32 to index
    %swap3A_1431 = arith.constant 80 : index
    %swap3A_1432 = tpu.vector_load %arg10[%swap3A_1430, %swap3A_1431] {strides = array<i32>} : memref<4x128xi32, #tpu.memory_space<vmem>>, vector<16xi32>,
    tpu.vector_store %arg10[%swap3A_1430, %swap3A_1431], %mul3A_1428 {strides = array<i32>} : memref<4x128xi32, #tpu.memory_space<vmem>>, vector<16xi32>,
    %mul3A_1433 = arith.constant 2 : i32
    %mul3A_1434 = vector.broadcast %mul3A_1433 : i32 to vector<16xi32>
    %mul3A_1435 = arith.muli %gather3A_1408, %mul3A_1434 : vector<16xi32>
    %add3A_1436 = arith.constant 1 : i32
    %add3A_1437 = vector.broadcast %add3A_1436 : i32 to vector<16xi32>
    %add3A_1438 = arith.addi %mul3A_1435, %add3A_1437 : vector<16xi32>
    %swap3A_1439 = arith.constant 3 : i32
    %swap3A_1440 = arith.index_cast %swap3A_1439 : i32 to index
    %swap3A_1441 = arith.constant 80 : index
    %swap3A_1442 = tpu.vector_load %arg11[%swap3A_1440, %swap3A_1441] {strides = array<i32>} : memref<4x128xi32, #tpu.memory_space<vmem>>, vector<16xi32>,
    tpu.vector_store %arg11[%swap3A_1440, %swap3A_1441], %add3A_1438 {strides = array<i32>} : memref<4x128xi32, #tpu.memory_space<vmem>>, vector<16xi32>,
    %mul3A_1443 = arith.constant 2 : i32
    %mul3A_1444 = vector.broadcast %mul3A_1443 : i32 to vector<16xi32>
    %mul3A_1445 = arith.muli %iota3A, %mul3A_1444 : vector<16xi32>
    %add3A_1446 = arith.constant 960 : i32
    %add3A_1447 = vector.broadcast %add3A_1446 : i32 to vector<16xi32>
    %add3A_1448 = arith.addi %mul3A_1445, %add3A_1447 : vector<16xi32>
    %gather3A_1449 = tpu.vector_load_idx %arg7[%add3A_1448] : memref<1024xi32, #tpu.memory_space<vmem>>[vector<16xi32>], vector<16xi32>,
    %mul3A_1450 = arith.constant 2 : i32
    %mul3A_1451 = vector.broadcast %mul3A_1450 : i32 to vector<16xi32>
    %mul3A_1452 = arith.muli %iota3A, %mul3A_1451 : vector<16xi32>
    %add3A_1453 = arith.constant 961 : i32
    %add3A_1454 = vector.broadcast %add3A_1453 : i32 to vector<16xi32>
    %add3A_1455 = arith.addi %mul3A_1452, %add3A_1454 : vector<16xi32>
    %gather3A_1456 = tpu.vector_load_idx %arg7[%add3A_1455] : memref<1024xi32, #tpu.memory_space<vmem>>[vector<16xi32>], vector<16xi32>,
    %mul3A_1457 = arith.constant 2 : i32
    %mul3A_1458 = vector.broadcast %mul3A_1457 : i32 to vector<16xi32>
    %mul3A_1459 = arith.muli %gather3A_1449, %mul3A_1458 : vector<16xi32>
    %swap3A_1460 = arith.constant 3 : i32
    %swap3A_1461 = arith.index_cast %swap3A_1460 : i32 to index
    %swap3A_1462 = arith.constant 96 : index
    %swap3A_1463 = tpu.vector_load %arg8[%swap3A_1461, %swap3A_1462] {strides = array<i32>} : memref<4x128xi32, #tpu.memory_space<vmem>>, vector<16xi32>,
    tpu.vector_store %arg8[%swap3A_1461, %swap3A_1462], %mul3A_1459 {strides = array<i32>} : memref<4x128xi32, #tpu.memory_space<vmem>>, vector<16xi32>,
    %mul3A_1464 = arith.constant 2 : i32
    %mul3A_1465 = vector.broadcast %mul3A_1464 : i32 to vector<16xi32>
    %mul3A_1466 = arith.muli %gather3A_1449, %mul3A_1465 : vector<16xi32>
    %add3A_1467 = arith.constant 1 : i32
    %add3A_1468 = vector.broadcast %add3A_1467 : i32 to vector<16xi32>
    %add3A_1469 = arith.addi %mul3A_1466, %add3A_1468 : vector<16xi32>
    %swap3A_1470 = arith.constant 3 : i32
    %swap3A_1471 = arith.index_cast %swap3A_1470 : i32 to index
    %swap3A_1472 = arith.constant 96 : index
    %swap3A_1473 = tpu.vector_load %arg9[%swap3A_1471, %swap3A_1472] {strides = array<i32>} : memref<4x128xi32, #tpu.memory_space<vmem>>, vector<16xi32>,
    tpu.vector_store %arg9[%swap3A_1471, %swap3A_1472], %add3A_1469 {strides = array<i32>} : memref<4x128xi32, #tpu.memory_space<vmem>>, vector<16xi32>,
    %mul3A_1474 = arith.constant 2 : i32
    %mul3A_1475 = vector.broadcast %mul3A_1474 : i32 to vector<16xi32>
    %mul3A_1476 = arith.muli %gather3A_1456, %mul3A_1475 : vector<16xi32>
    %swap3A_1477 = arith.constant 3 : i32
    %swap3A_1478 = arith.index_cast %swap3A_1477 : i32 to index
    %swap3A_1479 = arith.constant 96 : index
    %swap3A_1480 = tpu.vector_load %arg10[%swap3A_1478, %swap3A_1479] {strides = array<i32>} : memref<4x128xi32, #tpu.memory_space<vmem>>, vector<16xi32>,
    tpu.vector_store %arg10[%swap3A_1478, %swap3A_1479], %mul3A_1476 {strides = array<i32>} : memref<4x128xi32, #tpu.memory_space<vmem>>, vector<16xi32>,
    %mul3A_1481 = arith.constant 2 : i32
    %mul3A_1482 = vector.broadcast %mul3A_1481 : i32 to vector<16xi32>
    %mul3A_1483 = arith.muli %gather3A_1456, %mul3A_1482 : vector<16xi32>
    %add3A_1484 = arith.constant 1 : i32
    %add3A_1485 = vector.broadcast %add3A_1484 : i32 to vector<16xi32>
    %add3A_1486 = arith.addi %mul3A_1483, %add3A_1485 : vector<16xi32>
    %swap3A_1487 = arith.constant 3 : i32
    %swap3A_1488 = arith.index_cast %swap3A_1487 : i32 to index
    %swap3A_1489 = arith.constant 96 : index
    %swap3A_1490 = tpu.vector_load %arg11[%swap3A_1488, %swap3A_1489] {strides = array<i32>} : memref<4x128xi32, #tpu.memory_space<vmem>>, vector<16xi32>,
    tpu.vector_store %arg11[%swap3A_1488, %swap3A_1489], %add3A_1486 {strides = array<i32>} : memref<4x128xi32, #tpu.memory_space<vmem>>, vector<16xi32>,
    %mul3A_1491 = arith.constant 2 : i32
    %mul3A_1492 = vector.broadcast %mul3A_1491 : i32 to vector<16xi32>
    %mul3A_1493 = arith.muli %iota3A, %mul3A_1492 : vector<16xi32>
    %add3A_1494 = arith.constant 992 : i32
    %add3A_1495 = vector.broadcast %add3A_1494 : i32 to vector<16xi32>
    %add3A_1496 = arith.addi %mul3A_1493, %add3A_1495 : vector<16xi32>
    %gather3A_1497 = tpu.vector_load_idx %arg7[%add3A_1496] : memref<1024xi32, #tpu.memory_space<vmem>>[vector<16xi32>], vector<16xi32>,
    %mul3A_1498 = arith.constant 2 : i32
    %mul3A_1499 = vector.broadcast %mul3A_1498 : i32 to vector<16xi32>
    %mul3A_1500 = arith.muli %iota3A, %mul3A_1499 : vector<16xi32>
    %add3A_1501 = arith.constant 993 : i32
    %add3A_1502 = vector.broadcast %add3A_1501 : i32 to vector<16xi32>
    %add3A_1503 = arith.addi %mul3A_1500, %add3A_1502 : vector<16xi32>
    %gather3A_1504 = tpu.vector_load_idx %arg7[%add3A_1503] : memref<1024xi32, #tpu.memory_space<vmem>>[vector<16xi32>], vector<16xi32>,
    %mul3A_1505 = arith.constant 2 : i32
    %mul3A_1506 = vector.broadcast %mul3A_1505 : i32 to vector<16xi32>
    %mul3A_1507 = arith.muli %gather3A_1497, %mul3A_1506 : vector<16xi32>
    %swap3A_1508 = arith.constant 3 : i32
    %swap3A_1509 = arith.index_cast %swap3A_1508 : i32 to index
    %swap3A_1510 = arith.constant 112 : index
    %swap3A_1511 = tpu.vector_load %arg8[%swap3A_1509, %swap3A_1510] {strides = array<i32>} : memref<4x128xi32, #tpu.memory_space<vmem>>, vector<16xi32>,
    tpu.vector_store %arg8[%swap3A_1509, %swap3A_1510], %mul3A_1507 {strides = array<i32>} : memref<4x128xi32, #tpu.memory_space<vmem>>, vector<16xi32>,
    %mul3A_1512 = arith.constant 2 : i32
    %mul3A_1513 = vector.broadcast %mul3A_1512 : i32 to vector<16xi32>
    %mul3A_1514 = arith.muli %gather3A_1497, %mul3A_1513 : vector<16xi32>
    %add3A_1515 = arith.constant 1 : i32
    %add3A_1516 = vector.broadcast %add3A_1515 : i32 to vector<16xi32>
    %add3A_1517 = arith.addi %mul3A_1514, %add3A_1516 : vector<16xi32>
    %swap3A_1518 = arith.constant 3 : i32
    %swap3A_1519 = arith.index_cast %swap3A_1518 : i32 to index
    %swap3A_1520 = arith.constant 112 : index
    %swap3A_1521 = tpu.vector_load %arg9[%swap3A_1519, %swap3A_1520] {strides = array<i32>} : memref<4x128xi32, #tpu.memory_space<vmem>>, vector<16xi32>,
    tpu.vector_store %arg9[%swap3A_1519, %swap3A_1520], %add3A_1517 {strides = array<i32>} : memref<4x128xi32, #tpu.memory_space<vmem>>, vector<16xi32>,
    %mul3A_1522 = arith.constant 2 : i32
    %mul3A_1523 = vector.broadcast %mul3A_1522 : i32 to vector<16xi32>
    %mul3A_1524 = arith.muli %gather3A_1504, %mul3A_1523 : vector<16xi32>
    %swap3A_1525 = arith.constant 3 : i32
    %swap3A_1526 = arith.index_cast %swap3A_1525 : i32 to index
    %swap3A_1527 = arith.constant 112 : index
    %swap3A_1528 = tpu.vector_load %arg10[%swap3A_1526, %swap3A_1527] {strides = array<i32>} : memref<4x128xi32, #tpu.memory_space<vmem>>, vector<16xi32>,
    tpu.vector_store %arg10[%swap3A_1526, %swap3A_1527], %mul3A_1524 {strides = array<i32>} : memref<4x128xi32, #tpu.memory_space<vmem>>, vector<16xi32>,
    %mul3A_1529 = arith.constant 2 : i32
    %mul3A_1530 = vector.broadcast %mul3A_1529 : i32 to vector<16xi32>
    %mul3A_1531 = arith.muli %gather3A_1504, %mul3A_1530 : vector<16xi32>
    %add3A_1532 = arith.constant 1 : i32
    %add3A_1533 = vector.broadcast %add3A_1532 : i32 to vector<16xi32>
    %add3A_1534 = arith.addi %mul3A_1531, %add3A_1533 : vector<16xi32>
    %swap3A_1535 = arith.constant 3 : i32
    %swap3A_1536 = arith.index_cast %swap3A_1535 : i32 to index
    %swap3A_1537 = arith.constant 112 : index
    %swap3A_1538 = tpu.vector_load %arg11[%swap3A_1536, %swap3A_1537] {strides = array<i32>} : memref<4x128xi32, #tpu.memory_space<vmem>>, vector<16xi32>,
    tpu.vector_store %arg11[%swap3A_1536, %swap3A_1537], %add3A_1534 {strides = array<i32>} : memref<4x128xi32, #tpu.memory_space<vmem>>, vector<16xi32>,
    %dma_start3A = arith.constant 0 : i32
    %dma_start3A_1539 = arith.constant 0 : i32
    %dma_start3A_1540 = arith.constant 0 : i32
    %dma_start3A_1541 = tpu.memref_slice %arg12[%dma_start3A_1539, %dma_start3A_1540] : memref<512x16xf32, #tpu.memory_space<vmem>> -> memref<128x16xf32, #tpu.memory_space<vmem>>
    %dma_start3A_1542 = arith.constant 0 : i32
    %dma_start3A_1543 = tpu.memref_slice %arg8[%dma_start3A, %dma_start3A_1542] : memref<4x128xi32, #tpu.memory_space<vmem>> -> memref<1x128xi32, #tpu.memory_space<vmem>>
    %dma_start3A_1544 = tpu.memref_squeeze %dma_start3A_1543 : memref<1x128xi32, #tpu.memory_space<vmem>> -> memref<128xi32, #tpu.memory_space<vmem>>
    %dma_start3A_1545 = arith.constant 0 : i32
    %dma_start3A_1546 = arith.constant 0 : i32
    %dma_start3A_1547 = tpu.memref_slice %arg4[%dma_start3A_1545, %dma_start3A_1546] : memref<2000000x16xf32, #tpu.memory_space<hbm>> -> memref<2000000x16xf32, #tpu.memory_space<hbm>>
    tpu.enqueue_indirect_dma source(%dma_start3A_1547 : memref<2000000x16xf32, #tpu.memory_space<hbm>>) target(%dma_start3A_1541 : memref<128x16xf32, #tpu.memory_space<vmem>>) offsets(%dma_start3A_1544 : memref<128xi32, #tpu.memory_space<vmem>>) semaphore(%arg18 : memref<!tpu.dma_semaphore, #tpu.memory_space<semaphore_mem>>)
    %dma_start3A_1548 = arith.constant 0 : i32
    %dma_start3A_1549 = arith.constant 0 : i32
    %dma_start3A_1550 = arith.constant 0 : i32
    %dma_start3A_1551 = tpu.memref_slice %arg13[%dma_start3A_1549, %dma_start3A_1550] : memref<512x16xf32, #tpu.memory_space<vmem>> -> memref<128x16xf32, #tpu.memory_space<vmem>>
    %dma_start3A_1552 = arith.constant 0 : i32
    %dma_start3A_1553 = tpu.memref_slice %arg9[%dma_start3A_1548, %dma_start3A_1552] : memref<4x128xi32, #tpu.memory_space<vmem>> -> memref<1x128xi32, #tpu.memory_space<vmem>>
    %dma_start3A_1554 = tpu.memref_squeeze %dma_start3A_1553 : memref<1x128xi32, #tpu.memory_space<vmem>> -> memref<128xi32, #tpu.memory_space<vmem>>
    %dma_start3A_1555 = arith.constant 0 : i32
    %dma_start3A_1556 = arith.constant 0 : i32
    %dma_start3A_1557 = tpu.memref_slice %arg4[%dma_start3A_1555, %dma_start3A_1556] : memref<2000000x16xf32, #tpu.memory_space<hbm>> -> memref<2000000x16xf32, #tpu.memory_space<hbm>>
    tpu.enqueue_indirect_dma source(%dma_start3A_1557 : memref<2000000x16xf32, #tpu.memory_space<hbm>>) target(%dma_start3A_1551 : memref<128x16xf32, #tpu.memory_space<vmem>>) offsets(%dma_start3A_1554 : memref<128xi32, #tpu.memory_space<vmem>>) semaphore(%arg18 : memref<!tpu.dma_semaphore, #tpu.memory_space<semaphore_mem>>)
    %dma_start3A_1558 = arith.constant 0 : i32
    %dma_start3A_1559 = arith.constant 0 : i32
    %dma_start3A_1560 = arith.constant 0 : i32
    %dma_start3A_1561 = tpu.memref_slice %arg14[%dma_start3A_1559, %dma_start3A_1560] : memref<512x16xf32, #tpu.memory_space<vmem>> -> memref<128x16xf32, #tpu.memory_space<vmem>>
    %dma_start3A_1562 = arith.constant 0 : i32
    %dma_start3A_1563 = tpu.memref_slice %arg10[%dma_start3A_1558, %dma_start3A_1562] : memref<4x128xi32, #tpu.memory_space<vmem>> -> memref<1x128xi32, #tpu.memory_space<vmem>>
    %dma_start3A_1564 = tpu.memref_squeeze %dma_start3A_1563 : memref<1x128xi32, #tpu.memory_space<vmem>> -> memref<128xi32, #tpu.memory_space<vmem>>
    %dma_start3A_1565 = arith.constant 0 : i32
    %dma_start3A_1566 = arith.constant 0 : i32
    %dma_start3A_1567 = tpu.memref_slice %arg5[%dma_start3A_1565, %dma_start3A_1566] : memref<2000000x16xf32, #tpu.memory_space<hbm>> -> memref<2000000x16xf32, #tpu.memory_space<hbm>>
    tpu.enqueue_indirect_dma source(%dma_start3A_1567 : memref<2000000x16xf32, #tpu.memory_space<hbm>>) target(%dma_start3A_1561 : memref<128x16xf32, #tpu.memory_space<vmem>>) offsets(%dma_start3A_1564 : memref<128xi32, #tpu.memory_space<vmem>>) semaphore(%arg18 : memref<!tpu.dma_semaphore, #tpu.memory_space<semaphore_mem>>)
    %dma_start3A_1568 = arith.constant 0 : i32
    %dma_start3A_1569 = arith.constant 0 : i32
    %dma_start3A_1570 = arith.constant 0 : i32
    %dma_start3A_1571 = tpu.memref_slice %arg15[%dma_start3A_1569, %dma_start3A_1570] : memref<512x16xf32, #tpu.memory_space<vmem>> -> memref<128x16xf32, #tpu.memory_space<vmem>>
    %dma_start3A_1572 = arith.constant 0 : i32
    %dma_start3A_1573 = tpu.memref_slice %arg11[%dma_start3A_1568, %dma_start3A_1572] : memref<4x128xi32, #tpu.memory_space<vmem>> -> memref<1x128xi32, #tpu.memory_space<vmem>>
    %dma_start3A_1574 = tpu.memref_squeeze %dma_start3A_1573 : memref<1x128xi32, #tpu.memory_space<vmem>> -> memref<128xi32, #tpu.memory_space<vmem>>
    %dma_start3A_1575 = arith.constant 0 : i32
    %dma_start3A_1576 = arith.constant 0 : i32
    %dma_start3A_1577 = tpu.memref_slice %arg5[%dma_start3A_1575, %dma_start3A_1576] : memref<2000000x16xf32, #tpu.memory_space<hbm>> -> memref<2000000x16xf32, #tpu.memory_space<hbm>>
    tpu.enqueue_indirect_dma source(%dma_start3A_1577 : memref<2000000x16xf32, #tpu.memory_space<hbm>>) target(%dma_start3A_1571 : memref<128x16xf32, #tpu.memory_space<vmem>>) offsets(%dma_start3A_1574 : memref<128xi32, #tpu.memory_space<vmem>>) semaphore(%arg18 : memref<!tpu.dma_semaphore, #tpu.memory_space<semaphore_mem>>)
    %dma_start3A_1578 = arith.constant 1 : i32
    %dma_start3A_1579 = arith.constant 128 : i32
    %dma_start3A_1580 = arith.constant 0 : i32
    %dma_start3A_1581 = tpu.memref_slice %arg12[%dma_start3A_1579, %dma_start3A_1580] : memref<512x16xf32, #tpu.memory_space<vmem>> -> memref<128x16xf32, #tpu.memory_space<vmem>>
    %dma_start3A_1582 = arith.constant 0 : i32
    %dma_start3A_1583 = tpu.memref_slice %arg8[%dma_start3A_1578, %dma_start3A_1582] : memref<4x128xi32, #tpu.memory_space<vmem>> -> memref<1x128xi32, #tpu.memory_space<vmem>>
    %dma_start3A_1584 = tpu.memref_squeeze %dma_start3A_1583 : memref<1x128xi32, #tpu.memory_space<vmem>> -> memref<128xi32, #tpu.memory_space<vmem>>
    %dma_start3A_1585 = arith.constant 0 : i32
    %dma_start3A_1586 = arith.constant 0 : i32
    %dma_start3A_1587 = tpu.memref_slice %arg4[%dma_start3A_1585, %dma_start3A_1586] : memref<2000000x16xf32, #tpu.memory_space<hbm>> -> memref<2000000x16xf32, #tpu.memory_space<hbm>>
    tpu.enqueue_indirect_dma source(%dma_start3A_1587 : memref<2000000x16xf32, #tpu.memory_space<hbm>>) target(%dma_start3A_1581 : memref<128x16xf32, #tpu.memory_space<vmem>>) offsets(%dma_start3A_1584 : memref<128xi32, #tpu.memory_space<vmem>>) semaphore(%arg18 : memref<!tpu.dma_semaphore, #tpu.memory_space<semaphore_mem>>)
    %dma_start3A_1588 = arith.constant 1 : i32
    %dma_start3A_1589 = arith.constant 128 : i32
    %dma_start3A_1590 = arith.constant 0 : i32
    %dma_start3A_1591 = tpu.memref_slice %arg13[%dma_start3A_1589, %dma_start3A_1590] : memref<512x16xf32, #tpu.memory_space<vmem>> -> memref<128x16xf32, #tpu.memory_space<vmem>>
    %dma_start3A_1592 = arith.constant 0 : i32
    %dma_start3A_1593 = tpu.memref_slice %arg9[%dma_start3A_1588, %dma_start3A_1592] : memref<4x128xi32, #tpu.memory_space<vmem>> -> memref<1x128xi32, #tpu.memory_space<vmem>>
    %dma_start3A_1594 = tpu.memref_squeeze %dma_start3A_1593 : memref<1x128xi32, #tpu.memory_space<vmem>> -> memref<128xi32, #tpu.memory_space<vmem>>
    %dma_start3A_1595 = arith.constant 0 : i32
    %dma_start3A_1596 = arith.constant 0 : i32
    %dma_start3A_1597 = tpu.memref_slice %arg4[%dma_start3A_1595, %dma_start3A_1596] : memref<2000000x16xf32, #tpu.memory_space<hbm>> -> memref<2000000x16xf32, #tpu.memory_space<hbm>>
    tpu.enqueue_indirect_dma source(%dma_start3A_1597 : memref<2000000x16xf32, #tpu.memory_space<hbm>>) target(%dma_start3A_1591 : memref<128x16xf32, #tpu.memory_space<vmem>>) offsets(%dma_start3A_1594 : memref<128xi32, #tpu.memory_space<vmem>>) semaphore(%arg18 : memref<!tpu.dma_semaphore, #tpu.memory_space<semaphore_mem>>)
    %dma_start3A_1598 = arith.constant 1 : i32
    %dma_start3A_1599 = arith.constant 128 : i32
    %dma_start3A_1600 = arith.constant 0 : i32
    %dma_start3A_1601 = tpu.memref_slice %arg14[%dma_start3A_1599, %dma_start3A_1600] : memref<512x16xf32, #tpu.memory_space<vmem>> -> memref<128x16xf32, #tpu.memory_space<vmem>>
    %dma_start3A_1602 = arith.constant 0 : i32
    %dma_start3A_1603 = tpu.memref_slice %arg10[%dma_start3A_1598, %dma_start3A_1602] : memref<4x128xi32, #tpu.memory_space<vmem>> -> memref<1x128xi32, #tpu.memory_space<vmem>>
    %dma_start3A_1604 = tpu.memref_squeeze %dma_start3A_1603 : memref<1x128xi32, #tpu.memory_space<vmem>> -> memref<128xi32, #tpu.memory_space<vmem>>
    %dma_start3A_1605 = arith.constant 0 : i32
    %dma_start3A_1606 = arith.constant 0 : i32
    %dma_start3A_1607 = tpu.memref_slice %arg5[%dma_start3A_1605, %dma_start3A_1606] : memref<2000000x16xf32, #tpu.memory_space<hbm>> -> memref<2000000x16xf32, #tpu.memory_space<hbm>>
    tpu.enqueue_indirect_dma source(%dma_start3A_1607 : memref<2000000x16xf32, #tpu.memory_space<hbm>>) target(%dma_start3A_1601 : memref<128x16xf32, #tpu.memory_space<vmem>>) offsets(%dma_start3A_1604 : memref<128xi32, #tpu.memory_space<vmem>>) semaphore(%arg18 : memref<!tpu.dma_semaphore, #tpu.memory_space<semaphore_mem>>)
    %dma_start3A_1608 = arith.constant 1 : i32
    %dma_start3A_1609 = arith.constant 128 : i32
    %dma_start3A_1610 = arith.constant 0 : i32
    %dma_start3A_1611 = tpu.memref_slice %arg15[%dma_start3A_1609, %dma_start3A_1610] : memref<512x16xf32, #tpu.memory_space<vmem>> -> memref<128x16xf32, #tpu.memory_space<vmem>>
    %dma_start3A_1612 = arith.constant 0 : i32
    %dma_start3A_1613 = tpu.memref_slice %arg11[%dma_start3A_1608, %dma_start3A_1612] : memref<4x128xi32, #tpu.memory_space<vmem>> -> memref<1x128xi32, #tpu.memory_space<vmem>>
    %dma_start3A_1614 = tpu.memref_squeeze %dma_start3A_1613 : memref<1x128xi32, #tpu.memory_space<vmem>> -> memref<128xi32, #tpu.memory_space<vmem>>
    %dma_start3A_1615 = arith.constant 0 : i32
    %dma_start3A_1616 = arith.constant 0 : i32
    %dma_start3A_1617 = tpu.memref_slice %arg5[%dma_start3A_1615, %dma_start3A_1616] : memref<2000000x16xf32, #tpu.memory_space<hbm>> -> memref<2000000x16xf32, #tpu.memory_space<hbm>>
    tpu.enqueue_indirect_dma source(%dma_start3A_1617 : memref<2000000x16xf32, #tpu.memory_space<hbm>>) target(%dma_start3A_1611 : memref<128x16xf32, #tpu.memory_space<vmem>>) offsets(%dma_start3A_1614 : memref<128xi32, #tpu.memory_space<vmem>>) semaphore(%arg18 : memref<!tpu.dma_semaphore, #tpu.memory_space<semaphore_mem>>)
    %dma_start3A_1618 = arith.constant 2 : i32
    %dma_start3A_1619 = arith.constant 256 : i32
    %dma_start3A_1620 = arith.constant 0 : i32
    %dma_start3A_1621 = tpu.memref_slice %arg12[%dma_start3A_1619, %dma_start3A_1620] : memref<512x16xf32, #tpu.memory_space<vmem>> -> memref<128x16xf32, #tpu.memory_space<vmem>>
    %dma_start3A_1622 = arith.constant 0 : i32
    %dma_start3A_1623 = tpu.memref_slice %arg8[%dma_start3A_1618, %dma_start3A_1622] : memref<4x128xi32, #tpu.memory_space<vmem>> -> memref<1x128xi32, #tpu.memory_space<vmem>>
    %dma_start3A_1624 = tpu.memref_squeeze %dma_start3A_1623 : memref<1x128xi32, #tpu.memory_space<vmem>> -> memref<128xi32, #tpu.memory_space<vmem>>
    %dma_start3A_1625 = arith.constant 0 : i32
    %dma_start3A_1626 = arith.constant 0 : i32
    %dma_start3A_1627 = tpu.memref_slice %arg4[%dma_start3A_1625, %dma_start3A_1626] : memref<2000000x16xf32, #tpu.memory_space<hbm>> -> memref<2000000x16xf32, #tpu.memory_space<hbm>>
    tpu.enqueue_indirect_dma source(%dma_start3A_1627 : memref<2000000x16xf32, #tpu.memory_space<hbm>>) target(%dma_start3A_1621 : memref<128x16xf32, #tpu.memory_space<vmem>>) offsets(%dma_start3A_1624 : memref<128xi32, #tpu.memory_space<vmem>>) semaphore(%arg18 : memref<!tpu.dma_semaphore, #tpu.memory_space<semaphore_mem>>)
    %dma_start3A_1628 = arith.constant 2 : i32
    %dma_start3A_1629 = arith.constant 256 : i32
    %dma_start3A_1630 = arith.constant 0 : i32
    %dma_start3A_1631 = tpu.memref_slice %arg13[%dma_start3A_1629, %dma_start3A_1630] : memref<512x16xf32, #tpu.memory_space<vmem>> -> memref<128x16xf32, #tpu.memory_space<vmem>>
    %dma_start3A_1632 = arith.constant 0 : i32
    %dma_start3A_1633 = tpu.memref_slice %arg9[%dma_start3A_1628, %dma_start3A_1632] : memref<4x128xi32, #tpu.memory_space<vmem>> -> memref<1x128xi32, #tpu.memory_space<vmem>>
    %dma_start3A_1634 = tpu.memref_squeeze %dma_start3A_1633 : memref<1x128xi32, #tpu.memory_space<vmem>> -> memref<128xi32, #tpu.memory_space<vmem>>
    %dma_start3A_1635 = arith.constant 0 : i32
    %dma_start3A_1636 = arith.constant 0 : i32
    %dma_start3A_1637 = tpu.memref_slice %arg4[%dma_start3A_1635, %dma_start3A_1636] : memref<2000000x16xf32, #tpu.memory_space<hbm>> -> memref<2000000x16xf32, #tpu.memory_space<hbm>>
    tpu.enqueue_indirect_dma source(%dma_start3A_1637 : memref<2000000x16xf32, #tpu.memory_space<hbm>>) target(%dma_start3A_1631 : memref<128x16xf32, #tpu.memory_space<vmem>>) offsets(%dma_start3A_1634 : memref<128xi32, #tpu.memory_space<vmem>>) semaphore(%arg18 : memref<!tpu.dma_semaphore, #tpu.memory_space<semaphore_mem>>)
    %dma_start3A_1638 = arith.constant 2 : i32
    %dma_start3A_1639 = arith.constant 256 : i32
    %dma_start3A_1640 = arith.constant 0 : i32
    %dma_start3A_1641 = tpu.memref_slice %arg14[%dma_start3A_1639, %dma_start3A_1640] : memref<512x16xf32, #tpu.memory_space<vmem>> -> memref<128x16xf32, #tpu.memory_space<vmem>>
    %dma_start3A_1642 = arith.constant 0 : i32
    %dma_start3A_1643 = tpu.memref_slice %arg10[%dma_start3A_1638, %dma_start3A_1642] : memref<4x128xi32, #tpu.memory_space<vmem>> -> memref<1x128xi32, #tpu.memory_space<vmem>>
    %dma_start3A_1644 = tpu.memref_squeeze %dma_start3A_1643 : memref<1x128xi32, #tpu.memory_space<vmem>> -> memref<128xi32, #tpu.memory_space<vmem>>
    %dma_start3A_1645 = arith.constant 0 : i32
    %dma_start3A_1646 = arith.constant 0 : i32
    %dma_start3A_1647 = tpu.memref_slice %arg5[%dma_start3A_1645, %dma_start3A_1646] : memref<2000000x16xf32, #tpu.memory_space<hbm>> -> memref<2000000x16xf32, #tpu.memory_space<hbm>>
    tpu.enqueue_indirect_dma source(%dma_start3A_1647 : memref<2000000x16xf32, #tpu.memory_space<hbm>>) target(%dma_start3A_1641 : memref<128x16xf32, #tpu.memory_space<vmem>>) offsets(%dma_start3A_1644 : memref<128xi32, #tpu.memory_space<vmem>>) semaphore(%arg18 : memref<!tpu.dma_semaphore, #tpu.memory_space<semaphore_mem>>)
    %dma_start3A_1648 = arith.constant 2 : i32
    %dma_start3A_1649 = arith.constant 256 : i32
    %dma_start3A_1650 = arith.constant 0 : i32
    %dma_start3A_1651 = tpu.memref_slice %arg15[%dma_start3A_1649, %dma_start3A_1650] : memref<512x16xf32, #tpu.memory_space<vmem>> -> memref<128x16xf32, #tpu.memory_space<vmem>>
    %dma_start3A_1652 = arith.constant 0 : i32
    %dma_start3A_1653 = tpu.memref_slice %arg11[%dma_start3A_1648, %dma_start3A_1652] : memref<4x128xi32, #tpu.memory_space<vmem>> -> memref<1x128xi32, #tpu.memory_space<vmem>>
    %dma_start3A_1654 = tpu.memref_squeeze %dma_start3A_1653 : memref<1x128xi32, #tpu.memory_space<vmem>> -> memref<128xi32, #tpu.memory_space<vmem>>
    %dma_start3A_1655 = arith.constant 0 : i32
    %dma_start3A_1656 = arith.constant 0 : i32
    %dma_start3A_1657 = tpu.memref_slice %arg5[%dma_start3A_1655, %dma_start3A_1656] : memref<2000000x16xf32, #tpu.memory_space<hbm>> -> memref<2000000x16xf32, #tpu.memory_space<hbm>>
    tpu.enqueue_indirect_dma source(%dma_start3A_1657 : memref<2000000x16xf32, #tpu.memory_space<hbm>>) target(%dma_start3A_1651 : memref<128x16xf32, #tpu.memory_space<vmem>>) offsets(%dma_start3A_1654 : memref<128xi32, #tpu.memory_space<vmem>>) semaphore(%arg18 : memref<!tpu.dma_semaphore, #tpu.memory_space<semaphore_mem>>)
    %dma_start3A_1658 = arith.constant 3 : i32
    %dma_start3A_1659 = arith.constant 384 : i32
    %dma_start3A_1660 = arith.constant 0 : i32
    %dma_start3A_1661 = tpu.memref_slice %arg12[%dma_start3A_1659, %dma_start3A_1660] : memref<512x16xf32, #tpu.memory_space<vmem>> -> memref<128x16xf32, #tpu.memory_space<vmem>>
    %dma_start3A_1662 = arith.constant 0 : i32
    %dma_start3A_1663 = tpu.memref_slice %arg8[%dma_start3A_1658, %dma_start3A_1662] : memref<4x128xi32, #tpu.memory_space<vmem>> -> memref<1x128xi32, #tpu.memory_space<vmem>>
    %dma_start3A_1664 = tpu.memref_squeeze %dma_start3A_1663 : memref<1x128xi32, #tpu.memory_space<vmem>> -> memref<128xi32, #tpu.memory_space<vmem>>
    %dma_start3A_1665 = arith.constant 0 : i32
    %dma_start3A_1666 = arith.constant 0 : i32
    %dma_start3A_1667 = tpu.memref_slice %arg4[%dma_start3A_1665, %dma_start3A_1666] : memref<2000000x16xf32, #tpu.memory_space<hbm>> -> memref<2000000x16xf32, #tpu.memory_space<hbm>>
    tpu.enqueue_indirect_dma source(%dma_start3A_1667 : memref<2000000x16xf32, #tpu.memory_space<hbm>>) target(%dma_start3A_1661 : memref<128x16xf32, #tpu.memory_space<vmem>>) offsets(%dma_start3A_1664 : memref<128xi32, #tpu.memory_space<vmem>>) semaphore(%arg18 : memref<!tpu.dma_semaphore, #tpu.memory_space<semaphore_mem>>)
    %dma_start3A_1668 = arith.constant 3 : i32
    %dma_start3A_1669 = arith.constant 384 : i32
    %dma_start3A_1670 = arith.constant 0 : i32
    %dma_start3A_1671 = tpu.memref_slice %arg13[%dma_start3A_1669, %dma_start3A_1670] : memref<512x16xf32, #tpu.memory_space<vmem>> -> memref<128x16xf32, #tpu.memory_space<vmem>>
    %dma_start3A_1672 = arith.constant 0 : i32
    %dma_start3A_1673 = tpu.memref_slice %arg9[%dma_start3A_1668, %dma_start3A_1672] : memref<4x128xi32, #tpu.memory_space<vmem>> -> memref<1x128xi32, #tpu.memory_space<vmem>>
    %dma_start3A_1674 = tpu.memref_squeeze %dma_start3A_1673 : memref<1x128xi32, #tpu.memory_space<vmem>> -> memref<128xi32, #tpu.memory_space<vmem>>
    %dma_start3A_1675 = arith.constant 0 : i32
    %dma_start3A_1676 = arith.constant 0 : i32
    %dma_start3A_1677 = tpu.memref_slice %arg4[%dma_start3A_1675, %dma_start3A_1676] : memref<2000000x16xf32, #tpu.memory_space<hbm>> -> memref<2000000x16xf32, #tpu.memory_space<hbm>>
    tpu.enqueue_indirect_dma source(%dma_start3A_1677 : memref<2000000x16xf32, #tpu.memory_space<hbm>>) target(%dma_start3A_1671 : memref<128x16xf32, #tpu.memory_space<vmem>>) offsets(%dma_start3A_1674 : memref<128xi32, #tpu.memory_space<vmem>>) semaphore(%arg18 : memref<!tpu.dma_semaphore, #tpu.memory_space<semaphore_mem>>)
    %dma_start3A_1678 = arith.constant 3 : i32
    %dma_start3A_1679 = arith.constant 384 : i32
    %dma_start3A_1680 = arith.constant 0 : i32
    %dma_start3A_1681 = tpu.memref_slice %arg14[%dma_start3A_1679, %dma_start3A_1680] : memref<512x16xf32, #tpu.memory_space<vmem>> -> memref<128x16xf32, #tpu.memory_space<vmem>>
    %dma_start3A_1682 = arith.constant 0 : i32
    %dma_start3A_1683 = tpu.memref_slice %arg10[%dma_start3A_1678, %dma_start3A_1682] : memref<4x128xi32, #tpu.memory_space<vmem>> -> memref<1x128xi32, #tpu.memory_space<vmem>>
    %dma_start3A_1684 = tpu.memref_squeeze %dma_start3A_1683 : memref<1x128xi32, #tpu.memory_space<vmem>> -> memref<128xi32, #tpu.memory_space<vmem>>
    %dma_start3A_1685 = arith.constant 0 : i32
    %dma_start3A_1686 = arith.constant 0 : i32
    %dma_start3A_1687 = tpu.memref_slice %arg5[%dma_start3A_1685, %dma_start3A_1686] : memref<2000000x16xf32, #tpu.memory_space<hbm>> -> memref<2000000x16xf32, #tpu.memory_space<hbm>>
    tpu.enqueue_indirect_dma source(%dma_start3A_1687 : memref<2000000x16xf32, #tpu.memory_space<hbm>>) target(%dma_start3A_1681 : memref<128x16xf32, #tpu.memory_space<vmem>>) offsets(%dma_start3A_1684 : memref<128xi32, #tpu.memory_space<vmem>>) semaphore(%arg18 : memref<!tpu.dma_semaphore, #tpu.memory_space<semaphore_mem>>)
    %dma_start3A_1688 = arith.constant 3 : i32
    %dma_start3A_1689 = arith.constant 384 : i32
    %dma_start3A_1690 = arith.constant 0 : i32
    %dma_start3A_1691 = tpu.memref_slice %arg15[%dma_start3A_1689, %dma_start3A_1690] : memref<512x16xf32, #tpu.memory_space<vmem>> -> memref<128x16xf32, #tpu.memory_space<vmem>>
    %dma_start3A_1692 = arith.constant 0 : i32
    %dma_start3A_1693 = tpu.memref_slice %arg11[%dma_start3A_1688, %dma_start3A_1692] : memref<4x128xi32, #tpu.memory_space<vmem>> -> memref<1x128xi32, #tpu.memory_space<vmem>>
    %dma_start3A_1694 = tpu.memref_squeeze %dma_start3A_1693 : memref<1x128xi32, #tpu.memory_space<vmem>> -> memref<128xi32, #tpu.memory_space<vmem>>
    %dma_start3A_1695 = arith.constant 0 : i32
    %dma_start3A_1696 = arith.constant 0 : i32
    %dma_start3A_1697 = tpu.memref_slice %arg5[%dma_start3A_1695, %dma_start3A_1696] : memref<2000000x16xf32, #tpu.memory_space<hbm>> -> memref<2000000x16xf32, #tpu.memory_space<hbm>>
    tpu.enqueue_indirect_dma source(%dma_start3A_1697 : memref<2000000x16xf32, #tpu.memory_space<hbm>>) target(%dma_start3A_1691 : memref<128x16xf32, #tpu.memory_space<vmem>>) offsets(%dma_start3A_1694 : memref<128xi32, #tpu.memory_space<vmem>>) semaphore(%arg18 : memref<!tpu.dma_semaphore, #tpu.memory_space<semaphore_mem>>)
    %dma_wait3A = arith.constant 0 : i32
    %dma_wait3A_1698 = arith.constant 0 : i32
    %dma_wait3A_1699 = arith.constant 0 : i32
    %dma_wait3A_1700 = tpu.memref_slice %arg12[%dma_wait3A_1698, %dma_wait3A_1699] : memref<512x16xf32, #tpu.memory_space<vmem>> -> memref<128x16xf32, #tpu.memory_space<vmem>>
    %dma_wait3A_1701 = arith.constant 0 : i32
    %dma_wait3A_1702 = tpu.memref_slice %arg8[%dma_wait3A, %dma_wait3A_1701] : memref<4x128xi32, #tpu.memory_space<vmem>> -> memref<1x128xi32, #tpu.memory_space<vmem>>
    %dma_wait3A_1703 = tpu.memref_squeeze %dma_wait3A_1702 : memref<1x128xi32, #tpu.memory_space<vmem>> -> memref<128xi32, #tpu.memory_space<vmem>>
    %dma_wait3A_1704 = arith.constant 0 : i32
    %dma_wait3A_1705 = arith.constant 0 : i32
    %dma_wait3A_1706 = tpu.memref_slice %arg4[%dma_wait3A_1704, %dma_wait3A_1705] : memref<2000000x16xf32, #tpu.memory_space<hbm>> -> memref<2000000x16xf32, #tpu.memory_space<hbm>>
    tpu.wait_indirect_dma semaphore(%arg18 : memref<!tpu.dma_semaphore, #tpu.memory_space<semaphore_mem>>) src(%dma_wait3A_1706 : memref<2000000x16xf32, #tpu.memory_space<hbm>>) dst(%dma_wait3A_1700 : memref<128x16xf32, #tpu.memory_space<vmem>>)
    %dma_wait3A_1707 = arith.constant 0 : i32
    %dma_wait3A_1708 = arith.constant 0 : i32
    %dma_wait3A_1709 = arith.constant 0 : i32
    %dma_wait3A_1710 = tpu.memref_slice %arg13[%dma_wait3A_1708, %dma_wait3A_1709] : memref<512x16xf32, #tpu.memory_space<vmem>> -> memref<128x16xf32, #tpu.memory_space<vmem>>
    %dma_wait3A_1711 = arith.constant 0 : i32
    %dma_wait3A_1712 = tpu.memref_slice %arg9[%dma_wait3A_1707, %dma_wait3A_1711] : memref<4x128xi32, #tpu.memory_space<vmem>> -> memref<1x128xi32, #tpu.memory_space<vmem>>
    %dma_wait3A_1713 = tpu.memref_squeeze %dma_wait3A_1712 : memref<1x128xi32, #tpu.memory_space<vmem>> -> memref<128xi32, #tpu.memory_space<vmem>>
    %dma_wait3A_1714 = arith.constant 0 : i32
    %dma_wait3A_1715 = arith.constant 0 : i32
    %dma_wait3A_1716 = tpu.memref_slice %arg4[%dma_wait3A_1714, %dma_wait3A_1715] : memref<2000000x16xf32, #tpu.memory_space<hbm>> -> memref<2000000x16xf32, #tpu.memory_space<hbm>>
    tpu.wait_indirect_dma semaphore(%arg18 : memref<!tpu.dma_semaphore, #tpu.memory_space<semaphore_mem>>) src(%dma_wait3A_1716 : memref<2000000x16xf32, #tpu.memory_space<hbm>>) dst(%dma_wait3A_1710 : memref<128x16xf32, #tpu.memory_space<vmem>>)
    %dma_wait3A_1717 = arith.constant 0 : i32
    %dma_wait3A_1718 = arith.constant 0 : i32
    %dma_wait3A_1719 = arith.constant 0 : i32
    %dma_wait3A_1720 = tpu.memref_slice %arg14[%dma_wait3A_1718, %dma_wait3A_1719] : memref<512x16xf32, #tpu.memory_space<vmem>> -> memref<128x16xf32, #tpu.memory_space<vmem>>
    %dma_wait3A_1721 = arith.constant 0 : i32
    %dma_wait3A_1722 = tpu.memref_slice %arg10[%dma_wait3A_1717, %dma_wait3A_1721] : memref<4x128xi32, #tpu.memory_space<vmem>> -> memref<1x128xi32, #tpu.memory_space<vmem>>
    %dma_wait3A_1723 = tpu.memref_squeeze %dma_wait3A_1722 : memref<1x128xi32, #tpu.memory_space<vmem>> -> memref<128xi32, #tpu.memory_space<vmem>>
    %dma_wait3A_1724 = arith.constant 0 : i32
    %dma_wait3A_1725 = arith.constant 0 : i32
    %dma_wait3A_1726 = tpu.memref_slice %arg5[%dma_wait3A_1724, %dma_wait3A_1725] : memref<2000000x16xf32, #tpu.memory_space<hbm>> -> memref<2000000x16xf32, #tpu.memory_space<hbm>>
    tpu.wait_indirect_dma semaphore(%arg18 : memref<!tpu.dma_semaphore, #tpu.memory_space<semaphore_mem>>) src(%dma_wait3A_1726 : memref<2000000x16xf32, #tpu.memory_space<hbm>>) dst(%dma_wait3A_1720 : memref<128x16xf32, #tpu.memory_space<vmem>>)
    %dma_wait3A_1727 = arith.constant 0 : i32
    %dma_wait3A_1728 = arith.constant 0 : i32
    %dma_wait3A_1729 = arith.constant 0 : i32
    %dma_wait3A_1730 = tpu.memref_slice %arg15[%dma_wait3A_1728, %dma_wait3A_1729] : memref<512x16xf32, #tpu.memory_space<vmem>> -> memref<128x16xf32, #tpu.memory_space<vmem>>
    %dma_wait3A_1731 = arith.constant 0 : i32
    %dma_wait3A_1732 = tpu.memref_slice %arg11[%dma_wait3A_1727, %dma_wait3A_1731] : memref<4x128xi32, #tpu.memory_space<vmem>> -> memref<1x128xi32, #tpu.memory_space<vmem>>
    %dma_wait3A_1733 = tpu.memref_squeeze %dma_wait3A_1732 : memref<1x128xi32, #tpu.memory_space<vmem>> -> memref<128xi32, #tpu.memory_space<vmem>>
    %dma_wait3A_1734 = arith.constant 0 : i32
    %dma_wait3A_1735 = arith.constant 0 : i32
    %dma_wait3A_1736 = tpu.memref_slice %arg5[%dma_wait3A_1734, %dma_wait3A_1735] : memref<2000000x16xf32, #tpu.memory_space<hbm>> -> memref<2000000x16xf32, #tpu.memory_space<hbm>>
    tpu.wait_indirect_dma semaphore(%arg18 : memref<!tpu.dma_semaphore, #tpu.memory_space<semaphore_mem>>) src(%dma_wait3A_1736 : memref<2000000x16xf32, #tpu.memory_space<hbm>>) dst(%dma_wait3A_1730 : memref<128x16xf32, #tpu.memory_space<vmem>>)
    %dma_wait3A_1737 = arith.constant 1 : i32
    %dma_wait3A_1738 = arith.constant 128 : i32
    %dma_wait3A_1739 = arith.constant 0 : i32
    %dma_wait3A_1740 = tpu.memref_slice %arg12[%dma_wait3A_1738, %dma_wait3A_1739] : memref<512x16xf32, #tpu.memory_space<vmem>> -> memref<128x16xf32, #tpu.memory_space<vmem>>
    %dma_wait3A_1741 = arith.constant 0 : i32
    %dma_wait3A_1742 = tpu.memref_slice %arg8[%dma_wait3A_1737, %dma_wait3A_1741] : memref<4x128xi32, #tpu.memory_space<vmem>> -> memref<1x128xi32, #tpu.memory_space<vmem>>
    %dma_wait3A_1743 = tpu.memref_squeeze %dma_wait3A_1742 : memref<1x128xi32, #tpu.memory_space<vmem>> -> memref<128xi32, #tpu.memory_space<vmem>>
    %dma_wait3A_1744 = arith.constant 0 : i32
    %dma_wait3A_1745 = arith.constant 0 : i32
    %dma_wait3A_1746 = tpu.memref_slice %arg4[%dma_wait3A_1744, %dma_wait3A_1745] : memref<2000000x16xf32, #tpu.memory_space<hbm>> -> memref<2000000x16xf32, #tpu.memory_space<hbm>>
    tpu.wait_indirect_dma semaphore(%arg18 : memref<!tpu.dma_semaphore, #tpu.memory_space<semaphore_mem>>) src(%dma_wait3A_1746 : memref<2000000x16xf32, #tpu.memory_space<hbm>>) dst(%dma_wait3A_1740 : memref<128x16xf32, #tpu.memory_space<vmem>>)
    %dma_wait3A_1747 = arith.constant 1 : i32
    %dma_wait3A_1748 = arith.constant 128 : i32
    %dma_wait3A_1749 = arith.constant 0 : i32
    %dma_wait3A_1750 = tpu.memref_slice %arg13[%dma_wait3A_1748, %dma_wait3A_1749] : memref<512x16xf32, #tpu.memory_space<vmem>> -> memref<128x16xf32, #tpu.memory_space<vmem>>
    %dma_wait3A_1751 = arith.constant 0 : i32
    %dma_wait3A_1752 = tpu.memref_slice %arg9[%dma_wait3A_1747, %dma_wait3A_1751] : memref<4x128xi32, #tpu.memory_space<vmem>> -> memref<1x128xi32, #tpu.memory_space<vmem>>
    %dma_wait3A_1753 = tpu.memref_squeeze %dma_wait3A_1752 : memref<1x128xi32, #tpu.memory_space<vmem>> -> memref<128xi32, #tpu.memory_space<vmem>>
    %dma_wait3A_1754 = arith.constant 0 : i32
    %dma_wait3A_1755 = arith.constant 0 : i32
    %dma_wait3A_1756 = tpu.memref_slice %arg4[%dma_wait3A_1754, %dma_wait3A_1755] : memref<2000000x16xf32, #tpu.memory_space<hbm>> -> memref<2000000x16xf32, #tpu.memory_space<hbm>>
    tpu.wait_indirect_dma semaphore(%arg18 : memref<!tpu.dma_semaphore, #tpu.memory_space<semaphore_mem>>) src(%dma_wait3A_1756 : memref<2000000x16xf32, #tpu.memory_space<hbm>>) dst(%dma_wait3A_1750 : memref<128x16xf32, #tpu.memory_space<vmem>>)
    %dma_wait3A_1757 = arith.constant 1 : i32
    %dma_wait3A_1758 = arith.constant 128 : i32
    %dma_wait3A_1759 = arith.constant 0 : i32
    %dma_wait3A_1760 = tpu.memref_slice %arg14[%dma_wait3A_1758, %dma_wait3A_1759] : memref<512x16xf32, #tpu.memory_space<vmem>> -> memref<128x16xf32, #tpu.memory_space<vmem>>
    %dma_wait3A_1761 = arith.constant 0 : i32
    %dma_wait3A_1762 = tpu.memref_slice %arg10[%dma_wait3A_1757, %dma_wait3A_1761] : memref<4x128xi32, #tpu.memory_space<vmem>> -> memref<1x128xi32, #tpu.memory_space<vmem>>
    %dma_wait3A_1763 = tpu.memref_squeeze %dma_wait3A_1762 : memref<1x128xi32, #tpu.memory_space<vmem>> -> memref<128xi32, #tpu.memory_space<vmem>>
    %dma_wait3A_1764 = arith.constant 0 : i32
    %dma_wait3A_1765 = arith.constant 0 : i32
    %dma_wait3A_1766 = tpu.memref_slice %arg5[%dma_wait3A_1764, %dma_wait3A_1765] : memref<2000000x16xf32, #tpu.memory_space<hbm>> -> memref<2000000x16xf32, #tpu.memory_space<hbm>>
    tpu.wait_indirect_dma semaphore(%arg18 : memref<!tpu.dma_semaphore, #tpu.memory_space<semaphore_mem>>) src(%dma_wait3A_1766 : memref<2000000x16xf32, #tpu.memory_space<hbm>>) dst(%dma_wait3A_1760 : memref<128x16xf32, #tpu.memory_space<vmem>>)
    %dma_wait3A_1767 = arith.constant 1 : i32
    %dma_wait3A_1768 = arith.constant 128 : i32
    %dma_wait3A_1769 = arith.constant 0 : i32
    %dma_wait3A_1770 = tpu.memref_slice %arg15[%dma_wait3A_1768, %dma_wait3A_1769] : memref<512x16xf32, #tpu.memory_space<vmem>> -> memref<128x16xf32, #tpu.memory_space<vmem>>
    %dma_wait3A_1771 = arith.constant 0 : i32
    %dma_wait3A_1772 = tpu.memref_slice %arg11[%dma_wait3A_1767, %dma_wait3A_1771] : memref<4x128xi32, #tpu.memory_space<vmem>> -> memref<1x128xi32, #tpu.memory_space<vmem>>
    %dma_wait3A_1773 = tpu.memref_squeeze %dma_wait3A_1772 : memref<1x128xi32, #tpu.memory_space<vmem>> -> memref<128xi32, #tpu.memory_space<vmem>>
    %dma_wait3A_1774 = arith.constant 0 : i32
    %dma_wait3A_1775 = arith.constant 0 : i32
    %dma_wait3A_1776 = tpu.memref_slice %arg5[%dma_wait3A_1774, %dma_wait3A_1775] : memref<2000000x16xf32, #tpu.memory_space<hbm>> -> memref<2000000x16xf32, #tpu.memory_space<hbm>>
    tpu.wait_indirect_dma semaphore(%arg18 : memref<!tpu.dma_semaphore, #tpu.memory_space<semaphore_mem>>) src(%dma_wait3A_1776 : memref<2000000x16xf32, #tpu.memory_space<hbm>>) dst(%dma_wait3A_1770 : memref<128x16xf32, #tpu.memory_space<vmem>>)
    %dma_wait3A_1777 = arith.constant 2 : i32
    %dma_wait3A_1778 = arith.constant 256 : i32
    %dma_wait3A_1779 = arith.constant 0 : i32
    %dma_wait3A_1780 = tpu.memref_slice %arg12[%dma_wait3A_1778, %dma_wait3A_1779] : memref<512x16xf32, #tpu.memory_space<vmem>> -> memref<128x16xf32, #tpu.memory_space<vmem>>
    %dma_wait3A_1781 = arith.constant 0 : i32
    %dma_wait3A_1782 = tpu.memref_slice %arg8[%dma_wait3A_1777, %dma_wait3A_1781] : memref<4x128xi32, #tpu.memory_space<vmem>> -> memref<1x128xi32, #tpu.memory_space<vmem>>
    %dma_wait3A_1783 = tpu.memref_squeeze %dma_wait3A_1782 : memref<1x128xi32, #tpu.memory_space<vmem>> -> memref<128xi32, #tpu.memory_space<vmem>>
    %dma_wait3A_1784 = arith.constant 0 : i32
    %dma_wait3A_1785 = arith.constant 0 : i32
    %dma_wait3A_1786 = tpu.memref_slice %arg4[%dma_wait3A_1784, %dma_wait3A_1785] : memref<2000000x16xf32, #tpu.memory_space<hbm>> -> memref<2000000x16xf32, #tpu.memory_space<hbm>>
    tpu.wait_indirect_dma semaphore(%arg18 : memref<!tpu.dma_semaphore, #tpu.memory_space<semaphore_mem>>) src(%dma_wait3A_1786 : memref<2000000x16xf32, #tpu.memory_space<hbm>>) dst(%dma_wait3A_1780 : memref<128x16xf32, #tpu.memory_space<vmem>>)
    %dma_wait3A_1787 = arith.constant 2 : i32
    %dma_wait3A_1788 = arith.constant 256 : i32
    %dma_wait3A_1789 = arith.constant 0 : i32
    %dma_wait3A_1790 = tpu.memref_slice %arg13[%dma_wait3A_1788, %dma_wait3A_1789] : memref<512x16xf32, #tpu.memory_space<vmem>> -> memref<128x16xf32, #tpu.memory_space<vmem>>
    %dma_wait3A_1791 = arith.constant 0 : i32
    %dma_wait3A_1792 = tpu.memref_slice %arg9[%dma_wait3A_1787, %dma_wait3A_1791] : memref<4x128xi32, #tpu.memory_space<vmem>> -> memref<1x128xi32, #tpu.memory_space<vmem>>
    %dma_wait3A_1793 = tpu.memref_squeeze %dma_wait3A_1792 : memref<1x128xi32, #tpu.memory_space<vmem>> -> memref<128xi32, #tpu.memory_space<vmem>>
    %dma_wait3A_1794 = arith.constant 0 : i32
    %dma_wait3A_1795 = arith.constant 0 : i32
    %dma_wait3A_1796 = tpu.memref_slice %arg4[%dma_wait3A_1794, %dma_wait3A_1795] : memref<2000000x16xf32, #tpu.memory_space<hbm>> -> memref<2000000x16xf32, #tpu.memory_space<hbm>>
    tpu.wait_indirect_dma semaphore(%arg18 : memref<!tpu.dma_semaphore, #tpu.memory_space<semaphore_mem>>) src(%dma_wait3A_1796 : memref<2000000x16xf32, #tpu.memory_space<hbm>>) dst(%dma_wait3A_1790 : memref<128x16xf32, #tpu.memory_space<vmem>>)
    %dma_wait3A_1797 = arith.constant 2 : i32
    %dma_wait3A_1798 = arith.constant 256 : i32
    %dma_wait3A_1799 = arith.constant 0 : i32
    %dma_wait3A_1800 = tpu.memref_slice %arg14[%dma_wait3A_1798, %dma_wait3A_1799] : memref<512x16xf32, #tpu.memory_space<vmem>> -> memref<128x16xf32, #tpu.memory_space<vmem>>
    %dma_wait3A_1801 = arith.constant 0 : i32
    %dma_wait3A_1802 = tpu.memref_slice %arg10[%dma_wait3A_1797, %dma_wait3A_1801] : memref<4x128xi32, #tpu.memory_space<vmem>> -> memref<1x128xi32, #tpu.memory_space<vmem>>
    %dma_wait3A_1803 = tpu.memref_squeeze %dma_wait3A_1802 : memref<1x128xi32, #tpu.memory_space<vmem>> -> memref<128xi32, #tpu.memory_space<vmem>>
    %dma_wait3A_1804 = arith.constant 0 : i32
    %dma_wait3A_1805 = arith.constant 0 : i32
    %dma_wait3A_1806 = tpu.memref_slice %arg5[%dma_wait3A_1804, %dma_wait3A_1805] : memref<2000000x16xf32, #tpu.memory_space<hbm>> -> memref<2000000x16xf32, #tpu.memory_space<hbm>>
    tpu.wait_indirect_dma semaphore(%arg18 : memref<!tpu.dma_semaphore, #tpu.memory_space<semaphore_mem>>) src(%dma_wait3A_1806 : memref<2000000x16xf32, #tpu.memory_space<hbm>>) dst(%dma_wait3A_1800 : memref<128x16xf32, #tpu.memory_space<vmem>>)
    %dma_wait3A_1807 = arith.constant 2 : i32
    %dma_wait3A_1808 = arith.constant 256 : i32
    %dma_wait3A_1809 = arith.constant 0 : i32
    %dma_wait3A_1810 = tpu.memref_slice %arg15[%dma_wait3A_1808, %dma_wait3A_1809] : memref<512x16xf32, #tpu.memory_space<vmem>> -> memref<128x16xf32, #tpu.memory_space<vmem>>
    %dma_wait3A_1811 = arith.constant 0 : i32
    %dma_wait3A_1812 = tpu.memref_slice %arg11[%dma_wait3A_1807, %dma_wait3A_1811] : memref<4x128xi32, #tpu.memory_space<vmem>> -> memref<1x128xi32, #tpu.memory_space<vmem>>
    %dma_wait3A_1813 = tpu.memref_squeeze %dma_wait3A_1812 : memref<1x128xi32, #tpu.memory_space<vmem>> -> memref<128xi32, #tpu.memory_space<vmem>>
    %dma_wait3A_1814 = arith.constant 0 : i32
    %dma_wait3A_1815 = arith.constant 0 : i32
    %dma_wait3A_1816 = tpu.memref_slice %arg5[%dma_wait3A_1814, %dma_wait3A_1815] : memref<2000000x16xf32, #tpu.memory_space<hbm>> -> memref<2000000x16xf32, #tpu.memory_space<hbm>>
    tpu.wait_indirect_dma semaphore(%arg18 : memref<!tpu.dma_semaphore, #tpu.memory_space<semaphore_mem>>) src(%dma_wait3A_1816 : memref<2000000x16xf32, #tpu.memory_space<hbm>>) dst(%dma_wait3A_1810 : memref<128x16xf32, #tpu.memory_space<vmem>>)
    %dma_wait3A_1817 = arith.constant 3 : i32
    %dma_wait3A_1818 = arith.constant 384 : i32
    %dma_wait3A_1819 = arith.constant 0 : i32
    %dma_wait3A_1820 = tpu.memref_slice %arg12[%dma_wait3A_1818, %dma_wait3A_1819] : memref<512x16xf32, #tpu.memory_space<vmem>> -> memref<128x16xf32, #tpu.memory_space<vmem>>
    %dma_wait3A_1821 = arith.constant 0 : i32
    %dma_wait3A_1822 = tpu.memref_slice %arg8[%dma_wait3A_1817, %dma_wait3A_1821] : memref<4x128xi32, #tpu.memory_space<vmem>> -> memref<1x128xi32, #tpu.memory_space<vmem>>
    %dma_wait3A_1823 = tpu.memref_squeeze %dma_wait3A_1822 : memref<1x128xi32, #tpu.memory_space<vmem>> -> memref<128xi32, #tpu.memory_space<vmem>>
    %dma_wait3A_1824 = arith.constant 0 : i32
    %dma_wait3A_1825 = arith.constant 0 : i32
    %dma_wait3A_1826 = tpu.memref_slice %arg4[%dma_wait3A_1824, %dma_wait3A_1825] : memref<2000000x16xf32, #tpu.memory_space<hbm>> -> memref<2000000x16xf32, #tpu.memory_space<hbm>>
    tpu.wait_indirect_dma semaphore(%arg18 : memref<!tpu.dma_semaphore, #tpu.memory_space<semaphore_mem>>) src(%dma_wait3A_1826 : memref<2000000x16xf32, #tpu.memory_space<hbm>>) dst(%dma_wait3A_1820 : memref<128x16xf32, #tpu.memory_space<vmem>>)
    %dma_wait3A_1827 = arith.constant 3 : i32
    %dma_wait3A_1828 = arith.constant 384 : i32
    %dma_wait3A_1829 = arith.constant 0 : i32
    %dma_wait3A_1830 = tpu.memref_slice %arg13[%dma_wait3A_1828, %dma_wait3A_1829] : memref<512x16xf32, #tpu.memory_space<vmem>> -> memref<128x16xf32, #tpu.memory_space<vmem>>
    %dma_wait3A_1831 = arith.constant 0 : i32
    %dma_wait3A_1832 = tpu.memref_slice %arg9[%dma_wait3A_1827, %dma_wait3A_1831] : memref<4x128xi32, #tpu.memory_space<vmem>> -> memref<1x128xi32, #tpu.memory_space<vmem>>
    %dma_wait3A_1833 = tpu.memref_squeeze %dma_wait3A_1832 : memref<1x128xi32, #tpu.memory_space<vmem>> -> memref<128xi32, #tpu.memory_space<vmem>>
    %dma_wait3A_1834 = arith.constant 0 : i32
    %dma_wait3A_1835 = arith.constant 0 : i32
    %dma_wait3A_1836 = tpu.memref_slice %arg4[%dma_wait3A_1834, %dma_wait3A_1835] : memref<2000000x16xf32, #tpu.memory_space<hbm>> -> memref<2000000x16xf32, #tpu.memory_space<hbm>>
    tpu.wait_indirect_dma semaphore(%arg18 : memref<!tpu.dma_semaphore, #tpu.memory_space<semaphore_mem>>) src(%dma_wait3A_1836 : memref<2000000x16xf32, #tpu.memory_space<hbm>>) dst(%dma_wait3A_1830 : memref<128x16xf32, #tpu.memory_space<vmem>>)
    %dma_wait3A_1837 = arith.constant 3 : i32
    %dma_wait3A_1838 = arith.constant 384 : i32
    %dma_wait3A_1839 = arith.constant 0 : i32
    %dma_wait3A_1840 = tpu.memref_slice %arg14[%dma_wait3A_1838, %dma_wait3A_1839] : memref<512x16xf32, #tpu.memory_space<vmem>> -> memref<128x16xf32, #tpu.memory_space<vmem>>
    %dma_wait3A_1841 = arith.constant 0 : i32
    %dma_wait3A_1842 = tpu.memref_slice %arg10[%dma_wait3A_1837, %dma_wait3A_1841] : memref<4x128xi32, #tpu.memory_space<vmem>> -> memref<1x128xi32, #tpu.memory_space<vmem>>
    %dma_wait3A_1843 = tpu.memref_squeeze %dma_wait3A_1842 : memref<1x128xi32, #tpu.memory_space<vmem>> -> memref<128xi32, #tpu.memory_space<vmem>>
    %dma_wait3A_1844 = arith.constant 0 : i32
    %dma_wait3A_1845 = arith.constant 0 : i32
    %dma_wait3A_1846 = tpu.memref_slice %arg5[%dma_wait3A_1844, %dma_wait3A_1845] : memref<2000000x16xf32, #tpu.memory_space<hbm>> -> memref<2000000x16xf32, #tpu.memory_space<hbm>>
    tpu.wait_indirect_dma semaphore(%arg18 : memref<!tpu.dma_semaphore, #tpu.memory_space<semaphore_mem>>) src(%dma_wait3A_1846 : memref<2000000x16xf32, #tpu.memory_space<hbm>>) dst(%dma_wait3A_1840 : memref<128x16xf32, #tpu.memory_space<vmem>>)
    %dma_wait3A_1847 = arith.constant 3 : i32
    %dma_wait3A_1848 = arith.constant 384 : i32
    %dma_wait3A_1849 = arith.constant 0 : i32
    %dma_wait3A_1850 = tpu.memref_slice %arg15[%dma_wait3A_1848, %dma_wait3A_1849] : memref<512x16xf32, #tpu.memory_space<vmem>> -> memref<128x16xf32, #tpu.memory_space<vmem>>
    %dma_wait3A_1851 = arith.constant 0 : i32
    %dma_wait3A_1852 = tpu.memref_slice %arg11[%dma_wait3A_1847, %dma_wait3A_1851] : memref<4x128xi32, #tpu.memory_space<vmem>> -> memref<1x128xi32, #tpu.memory_space<vmem>>
    %dma_wait3A_1853 = tpu.memref_squeeze %dma_wait3A_1852 : memref<1x128xi32, #tpu.memory_space<vmem>> -> memref<128xi32, #tpu.memory_space<vmem>>
    %dma_wait3A_1854 = arith.constant 0 : i32
    %dma_wait3A_1855 = arith.constant 0 : i32
    %dma_wait3A_1856 = tpu.memref_slice %arg5[%dma_wait3A_1854, %dma_wait3A_1855] : memref<2000000x16xf32, #tpu.memory_space<hbm>> -> memref<2000000x16xf32, #tpu.memory_space<hbm>>
    tpu.wait_indirect_dma semaphore(%arg18 : memref<!tpu.dma_semaphore, #tpu.memory_space<semaphore_mem>>) src(%dma_wait3A_1856 : memref<2000000x16xf32, #tpu.memory_space<hbm>>) dst(%dma_wait3A_1850 : memref<128x16xf32, #tpu.memory_space<vmem>>)
    %get3A = arith.constant 0 : index
    %get3A_1857 = tpu.vector_load %arg16[%get3A] {strides = array<i32>} : memref<40xf32, #tpu.memory_space<vmem>>, vector<16xf32>,
    %get3A_1858 = arith.constant 16 : index
    %get3A_1859 = tpu.vector_load %arg16[%get3A_1858] {strides = array<i32>} : memref<40xf32, #tpu.memory_space<vmem>>, vector<16xf32>,
    %get3A_1860 = arith.constant 24 : index
    %get3A_1861 = tpu.vector_load %arg16[%get3A_1860] {strides = array<i32>} : memref<40xf32, #tpu.memory_space<vmem>>, vector<16xf32>,
    %slice3A = vector.extract_strided_slice %get3A_1861 {offsets = [8], sizes = [1], strides = [1]} : vector<16xf32> to vector<1xf32>
    %squeeze3A = vector.extract %slice3A[0] : f32 from vector<1xf32>
    %scan3A = arith.constant 0 : i32
    %scan3A_1862 = arith.constant 32 : i32
    %scan3A_1863 = arith.addi %scan3A, %scan3A_1862 : i32
    %scan3A_1864 = arith.constant 1 : i32
    scf.for %scan3A_1866 = %scan3A to %scan3A_1863 step %scan3A_1864  : i32 {
      %mul3A_1867 = arith.constant 16 : i32
      %mul3A_1868 = arith.muli %scan3A_1866, %mul3A_1867 : i32
      %add3A_1869 = vector.broadcast %mul3A_1868 : i32 to vector<16xi32>
      %add3A_1870 = arith.addi %iota3A, %add3A_1869 : vector<16xi32>
      %broadcast_in_dim3A = arith.constant 0.000000e+00 : f32
      %broadcast_in_dim3A_1871 = vector.broadcast %broadcast_in_dim3A : f32 to vector<16xf32>
      %broadcast_in_dim3A_1872 = arith.constant 0 : i32
      %broadcast_in_dim3A_1873 = vector.broadcast %broadcast_in_dim3A_1872 : i32 to vector<16xi32>
      %gather3A_1874 = tpu.vector_load_idx %arg12[%add3A_1870, %broadcast_in_dim3A_1873] : memref<512x16xf32, #tpu.memory_space<vmem>>[vector<16xi32>, vector<16xi32>], vector<16xf32>,
      %gather3A_1875 = tpu.vector_load_idx %arg14[%add3A_1870, %broadcast_in_dim3A_1873] : memref<512x16xf32, #tpu.memory_space<vmem>>[vector<16xi32>, vector<16xi32>], vector<16xf32>,
      %slice3A_1876 = vector.extract_strided_slice %get3A_1857 {offsets = [0], sizes = [1], strides = [1]} : vector<16xf32> to vector<1xf32>
      %squeeze3A_1877 = vector.extract %slice3A_1876[0] : f32 from vector<1xf32>
      %mul3A_1878 = arith.mulf %gather3A_1874, %gather3A_1875 : vector<16xf32>
      %mul3A_1879 = vector.broadcast %squeeze3A_1877 : f32 to vector<16xf32>
      %mul3A_1880 = arith.mulf %mul3A_1878, %mul3A_1879 : vector<16xf32>
      %add3A_1881 = arith.addf %broadcast_in_dim3A_1871, %mul3A_1880 : vector<16xf32>
      %broadcast_in_dim3A_1882 = arith.constant 1 : i32
      %broadcast_in_dim3A_1883 = vector.broadcast %broadcast_in_dim3A_1882 : i32 to vector<16xi32>
      %gather3A_1884 = tpu.vector_load_idx %arg12[%add3A_1870, %broadcast_in_dim3A_1883] : memref<512x16xf32, #tpu.memory_space<vmem>>[vector<16xi32>, vector<16xi32>], vector<16xf32>,
      %gather3A_1885 = tpu.vector_load_idx %arg14[%add3A_1870, %broadcast_in_dim3A_1883] : memref<512x16xf32, #tpu.memory_space<vmem>>[vector<16xi32>, vector<16xi32>], vector<16xf32>,
      %slice3A_1886 = vector.extract_strided_slice %get3A_1857 {offsets = [1], sizes = [1], strides = [1]} : vector<16xf32> to vector<1xf32>
      %squeeze3A_1887 = vector.extract %slice3A_1886[0] : f32 from vector<1xf32>
      %mul3A_1888 = arith.mulf %gather3A_1884, %gather3A_1885 : vector<16xf32>
      %mul3A_1889 = vector.broadcast %squeeze3A_1887 : f32 to vector<16xf32>
      %mul3A_1890 = arith.mulf %mul3A_1888, %mul3A_1889 : vector<16xf32>
      %add3A_1891 = arith.addf %add3A_1881, %mul3A_1890 : vector<16xf32>
      %broadcast_in_dim3A_1892 = arith.constant 2 : i32
      %broadcast_in_dim3A_1893 = vector.broadcast %broadcast_in_dim3A_1892 : i32 to vector<16xi32>
      %gather3A_1894 = tpu.vector_load_idx %arg12[%add3A_1870, %broadcast_in_dim3A_1893] : memref<512x16xf32, #tpu.memory_space<vmem>>[vector<16xi32>, vector<16xi32>], vector<16xf32>,
      %gather3A_1895 = tpu.vector_load_idx %arg14[%add3A_1870, %broadcast_in_dim3A_1893] : memref<512x16xf32, #tpu.memory_space<vmem>>[vector<16xi32>, vector<16xi32>], vector<16xf32>,
      %slice3A_1896 = vector.extract_strided_slice %get3A_1857 {offsets = [2], sizes = [1], strides = [1]} : vector<16xf32> to vector<1xf32>
      %squeeze3A_1897 = vector.extract %slice3A_1896[0] : f32 from vector<1xf32>
      %mul3A_1898 = arith.mulf %gather3A_1894, %gather3A_1895 : vector<16xf32>
      %mul3A_1899 = vector.broadcast %squeeze3A_1897 : f32 to vector<16xf32>
      %mul3A_1900 = arith.mulf %mul3A_1898, %mul3A_1899 : vector<16xf32>
      %add3A_1901 = arith.addf %add3A_1891, %mul3A_1900 : vector<16xf32>
      %broadcast_in_dim3A_1902 = arith.constant 3 : i32
      %broadcast_in_dim3A_1903 = vector.broadcast %broadcast_in_dim3A_1902 : i32 to vector<16xi32>
      %gather3A_1904 = tpu.vector_load_idx %arg12[%add3A_1870, %broadcast_in_dim3A_1903] : memref<512x16xf32, #tpu.memory_space<vmem>>[vector<16xi32>, vector<16xi32>], vector<16xf32>,
      %gather3A_1905 = tpu.vector_load_idx %arg14[%add3A_1870, %broadcast_in_dim3A_1903] : memref<512x16xf32, #tpu.memory_space<vmem>>[vector<16xi32>, vector<16xi32>], vector<16xf32>,
      %slice3A_1906 = vector.extract_strided_slice %get3A_1857 {offsets = [3], sizes = [1], strides = [1]} : vector<16xf32> to vector<1xf32>
      %squeeze3A_1907 = vector.extract %slice3A_1906[0] : f32 from vector<1xf32>
      %mul3A_1908 = arith.mulf %gather3A_1904, %gather3A_1905 : vector<16xf32>
      %mul3A_1909 = vector.broadcast %squeeze3A_1907 : f32 to vector<16xf32>
      %mul3A_1910 = arith.mulf %mul3A_1908, %mul3A_1909 : vector<16xf32>
      %add3A_1911 = arith.addf %add3A_1901, %mul3A_1910 : vector<16xf32>
      %broadcast_in_dim3A_1912 = arith.constant 4 : i32
      %broadcast_in_dim3A_1913 = vector.broadcast %broadcast_in_dim3A_1912 : i32 to vector<16xi32>
      %gather3A_1914 = tpu.vector_load_idx %arg12[%add3A_1870, %broadcast_in_dim3A_1913] : memref<512x16xf32, #tpu.memory_space<vmem>>[vector<16xi32>, vector<16xi32>], vector<16xf32>,
      %gather3A_1915 = tpu.vector_load_idx %arg14[%add3A_1870, %broadcast_in_dim3A_1913] : memref<512x16xf32, #tpu.memory_space<vmem>>[vector<16xi32>, vector<16xi32>], vector<16xf32>,
      %slice3A_1916 = vector.extract_strided_slice %get3A_1857 {offsets = [4], sizes = [1], strides = [1]} : vector<16xf32> to vector<1xf32>
      %squeeze3A_1917 = vector.extract %slice3A_1916[0] : f32 from vector<1xf32>
      %mul3A_1918 = arith.mulf %gather3A_1914, %gather3A_1915 : vector<16xf32>
      %mul3A_1919 = vector.broadcast %squeeze3A_1917 : f32 to vector<16xf32>
      %mul3A_1920 = arith.mulf %mul3A_1918, %mul3A_1919 : vector<16xf32>
      %add3A_1921 = arith.addf %add3A_1911, %mul3A_1920 : vector<16xf32>
      %broadcast_in_dim3A_1922 = arith.constant 5 : i32
      %broadcast_in_dim3A_1923 = vector.broadcast %broadcast_in_dim3A_1922 : i32 to vector<16xi32>
      %gather3A_1924 = tpu.vector_load_idx %arg12[%add3A_1870, %broadcast_in_dim3A_1923] : memref<512x16xf32, #tpu.memory_space<vmem>>[vector<16xi32>, vector<16xi32>], vector<16xf32>,
      %gather3A_1925 = tpu.vector_load_idx %arg14[%add3A_1870, %broadcast_in_dim3A_1923] : memref<512x16xf32, #tpu.memory_space<vmem>>[vector<16xi32>, vector<16xi32>], vector<16xf32>,
      %slice3A_1926 = vector.extract_strided_slice %get3A_1857 {offsets = [5], sizes = [1], strides = [1]} : vector<16xf32> to vector<1xf32>
      %squeeze3A_1927 = vector.extract %slice3A_1926[0] : f32 from vector<1xf32>
      %mul3A_1928 = arith.mulf %gather3A_1924, %gather3A_1925 : vector<16xf32>
      %mul3A_1929 = vector.broadcast %squeeze3A_1927 : f32 to vector<16xf32>
      %mul3A_1930 = arith.mulf %mul3A_1928, %mul3A_1929 : vector<16xf32>
      %add3A_1931 = arith.addf %add3A_1921, %mul3A_1930 : vector<16xf32>
      %broadcast_in_dim3A_1932 = arith.constant 6 : i32
      %broadcast_in_dim3A_1933 = vector.broadcast %broadcast_in_dim3A_1932 : i32 to vector<16xi32>
      %gather3A_1934 = tpu.vector_load_idx %arg12[%add3A_1870, %broadcast_in_dim3A_1933] : memref<512x16xf32, #tpu.memory_space<vmem>>[vector<16xi32>, vector<16xi32>], vector<16xf32>,
      %gather3A_1935 = tpu.vector_load_idx %arg14[%add3A_1870, %broadcast_in_dim3A_1933] : memref<512x16xf32, #tpu.memory_space<vmem>>[vector<16xi32>, vector<16xi32>], vector<16xf32>,
      %slice3A_1936 = vector.extract_strided_slice %get3A_1857 {offsets = [6], sizes = [1], strides = [1]} : vector<16xf32> to vector<1xf32>
      %squeeze3A_1937 = vector.extract %slice3A_1936[0] : f32 from vector<1xf32>
      %mul3A_1938 = arith.mulf %gather3A_1934, %gather3A_1935 : vector<16xf32>
      %mul3A_1939 = vector.broadcast %squeeze3A_1937 : f32 to vector<16xf32>
      %mul3A_1940 = arith.mulf %mul3A_1938, %mul3A_1939 : vector<16xf32>
      %add3A_1941 = arith.addf %add3A_1931, %mul3A_1940 : vector<16xf32>
      %broadcast_in_dim3A_1942 = arith.constant 7 : i32
      %broadcast_in_dim3A_1943 = vector.broadcast %broadcast_in_dim3A_1942 : i32 to vector<16xi32>
      %gather3A_1944 = tpu.vector_load_idx %arg12[%add3A_1870, %broadcast_in_dim3A_1943] : memref<512x16xf32, #tpu.memory_space<vmem>>[vector<16xi32>, vector<16xi32>], vector<16xf32>,
      %gather3A_1945 = tpu.vector_load_idx %arg14[%add3A_1870, %broadcast_in_dim3A_1943] : memref<512x16xf32, #tpu.memory_space<vmem>>[vector<16xi32>, vector<16xi32>], vector<16xf32>,
      %slice3A_1946 = vector.extract_strided_slice %get3A_1857 {offsets = [7], sizes = [1], strides = [1]} : vector<16xf32> to vector<1xf32>
      %squeeze3A_1947 = vector.extract %slice3A_1946[0] : f32 from vector<1xf32>
      %mul3A_1948 = arith.mulf %gather3A_1944, %gather3A_1945 : vector<16xf32>
      %mul3A_1949 = vector.broadcast %squeeze3A_1947 : f32 to vector<16xf32>
      %mul3A_1950 = arith.mulf %mul3A_1948, %mul3A_1949 : vector<16xf32>
      %add3A_1951 = arith.addf %add3A_1941, %mul3A_1950 : vector<16xf32>
      %broadcast_in_dim3A_1952 = arith.constant 8 : i32
      %broadcast_in_dim3A_1953 = vector.broadcast %broadcast_in_dim3A_1952 : i32 to vector<16xi32>
      %gather3A_1954 = tpu.vector_load_idx %arg12[%add3A_1870, %broadcast_in_dim3A_1953] : memref<512x16xf32, #tpu.memory_space<vmem>>[vector<16xi32>, vector<16xi32>], vector<16xf32>,
      %gather3A_1955 = tpu.vector_load_idx %arg14[%add3A_1870, %broadcast_in_dim3A_1953] : memref<512x16xf32, #tpu.memory_space<vmem>>[vector<16xi32>, vector<16xi32>], vector<16xf32>,
      %slice3A_1956 = vector.extract_strided_slice %get3A_1857 {offsets = [8], sizes = [1], strides = [1]} : vector<16xf32> to vector<1xf32>
      %squeeze3A_1957 = vector.extract %slice3A_1956[0] : f32 from vector<1xf32>
      %mul3A_1958 = arith.mulf %gather3A_1954, %gather3A_1955 : vector<16xf32>
      %mul3A_1959 = vector.broadcast %squeeze3A_1957 : f32 to vector<16xf32>
      %mul3A_1960 = arith.mulf %mul3A_1958, %mul3A_1959 : vector<16xf32>
      %add3A_1961 = arith.addf %add3A_1951, %mul3A_1960 : vector<16xf32>
      %broadcast_in_dim3A_1962 = arith.constant 9 : i32
      %broadcast_in_dim3A_1963 = vector.broadcast %broadcast_in_dim3A_1962 : i32 to vector<16xi32>
      %gather3A_1964 = tpu.vector_load_idx %arg12[%add3A_1870, %broadcast_in_dim3A_1963] : memref<512x16xf32, #tpu.memory_space<vmem>>[vector<16xi32>, vector<16xi32>], vector<16xf32>,
      %gather3A_1965 = tpu.vector_load_idx %arg14[%add3A_1870, %broadcast_in_dim3A_1963] : memref<512x16xf32, #tpu.memory_space<vmem>>[vector<16xi32>, vector<16xi32>], vector<16xf32>,
      %slice3A_1966 = vector.extract_strided_slice %get3A_1857 {offsets = [9], sizes = [1], strides = [1]} : vector<16xf32> to vector<1xf32>
      %squeeze3A_1967 = vector.extract %slice3A_1966[0] : f32 from vector<1xf32>
      %mul3A_1968 = arith.mulf %gather3A_1964, %gather3A_1965 : vector<16xf32>
      %mul3A_1969 = vector.broadcast %squeeze3A_1967 : f32 to vector<16xf32>
      %mul3A_1970 = arith.mulf %mul3A_1968, %mul3A_1969 : vector<16xf32>
      %add3A_1971 = arith.addf %add3A_1961, %mul3A_1970 : vector<16xf32>
      %broadcast_in_dim3A_1972 = arith.constant 10 : i32
      %broadcast_in_dim3A_1973 = vector.broadcast %broadcast_in_dim3A_1972 : i32 to vector<16xi32>
      %gather3A_1974 = tpu.vector_load_idx %arg12[%add3A_1870, %broadcast_in_dim3A_1973] : memref<512x16xf32, #tpu.memory_space<vmem>>[vector<16xi32>, vector<16xi32>], vector<16xf32>,
      %gather3A_1975 = tpu.vector_load_idx %arg14[%add3A_1870, %broadcast_in_dim3A_1973] : memref<512x16xf32, #tpu.memory_space<vmem>>[vector<16xi32>, vector<16xi32>], vector<16xf32>,
      %slice3A_1976 = vector.extract_strided_slice %get3A_1857 {offsets = [10], sizes = [1], strides = [1]} : vector<16xf32> to vector<1xf32>
      %squeeze3A_1977 = vector.extract %slice3A_1976[0] : f32 from vector<1xf32>
      %mul3A_1978 = arith.mulf %gather3A_1974, %gather3A_1975 : vector<16xf32>
      %mul3A_1979 = vector.broadcast %squeeze3A_1977 : f32 to vector<16xf32>
      %mul3A_1980 = arith.mulf %mul3A_1978, %mul3A_1979 : vector<16xf32>
      %add3A_1981 = arith.addf %add3A_1971, %mul3A_1980 : vector<16xf32>
      %broadcast_in_dim3A_1982 = arith.constant 11 : i32
      %broadcast_in_dim3A_1983 = vector.broadcast %broadcast_in_dim3A_1982 : i32 to vector<16xi32>
      %gather3A_1984 = tpu.vector_load_idx %arg12[%add3A_1870, %broadcast_in_dim3A_1983] : memref<512x16xf32, #tpu.memory_space<vmem>>[vector<16xi32>, vector<16xi32>], vector<16xf32>,
      %gather3A_1985 = tpu.vector_load_idx %arg14[%add3A_1870, %broadcast_in_dim3A_1983] : memref<512x16xf32, #tpu.memory_space<vmem>>[vector<16xi32>, vector<16xi32>], vector<16xf32>,
      %slice3A_1986 = vector.extract_strided_slice %get3A_1857 {offsets = [11], sizes = [1], strides = [1]} : vector<16xf32> to vector<1xf32>
      %squeeze3A_1987 = vector.extract %slice3A_1986[0] : f32 from vector<1xf32>
      %mul3A_1988 = arith.mulf %gather3A_1984, %gather3A_1985 : vector<16xf32>
      %mul3A_1989 = vector.broadcast %squeeze3A_1987 : f32 to vector<16xf32>
      %mul3A_1990 = arith.mulf %mul3A_1988, %mul3A_1989 : vector<16xf32>
      %add3A_1991 = arith.addf %add3A_1981, %mul3A_1990 : vector<16xf32>
      %broadcast_in_dim3A_1992 = arith.constant 12 : i32
      %broadcast_in_dim3A_1993 = vector.broadcast %broadcast_in_dim3A_1992 : i32 to vector<16xi32>
      %gather3A_1994 = tpu.vector_load_idx %arg12[%add3A_1870, %broadcast_in_dim3A_1993] : memref<512x16xf32, #tpu.memory_space<vmem>>[vector<16xi32>, vector<16xi32>], vector<16xf32>,
      %gather3A_1995 = tpu.vector_load_idx %arg14[%add3A_1870, %broadcast_in_dim3A_1993] : memref<512x16xf32, #tpu.memory_space<vmem>>[vector<16xi32>, vector<16xi32>], vector<16xf32>,
      %slice3A_1996 = vector.extract_strided_slice %get3A_1857 {offsets = [12], sizes = [1], strides = [1]} : vector<16xf32> to vector<1xf32>
      %squeeze3A_1997 = vector.extract %slice3A_1996[0] : f32 from vector<1xf32>
      %mul3A_1998 = arith.mulf %gather3A_1994, %gather3A_1995 : vector<16xf32>
      %mul3A_1999 = vector.broadcast %squeeze3A_1997 : f32 to vector<16xf32>
      %mul3A_2000 = arith.mulf %mul3A_1998, %mul3A_1999 : vector<16xf32>
      %add3A_2001 = arith.addf %add3A_1991, %mul3A_2000 : vector<16xf32>
      %broadcast_in_dim3A_2002 = arith.constant 13 : i32
      %broadcast_in_dim3A_2003 = vector.broadcast %broadcast_in_dim3A_2002 : i32 to vector<16xi32>
      %gather3A_2004 = tpu.vector_load_idx %arg12[%add3A_1870, %broadcast_in_dim3A_2003] : memref<512x16xf32, #tpu.memory_space<vmem>>[vector<16xi32>, vector<16xi32>], vector<16xf32>,
      %gather3A_2005 = tpu.vector_load_idx %arg14[%add3A_1870, %broadcast_in_dim3A_2003] : memref<512x16xf32, #tpu.memory_space<vmem>>[vector<16xi32>, vector<16xi32>], vector<16xf32>,
      %slice3A_2006 = vector.extract_strided_slice %get3A_1857 {offsets = [13], sizes = [1], strides = [1]} : vector<16xf32> to vector<1xf32>
      %squeeze3A_2007 = vector.extract %slice3A_2006[0] : f32 from vector<1xf32>
      %mul3A_2008 = arith.mulf %gather3A_2004, %gather3A_2005 : vector<16xf32>
      %mul3A_2009 = vector.broadcast %squeeze3A_2007 : f32 to vector<16xf32>
      %mul3A_2010 = arith.mulf %mul3A_2008, %mul3A_2009 : vector<16xf32>
      %add3A_2011 = arith.addf %add3A_2001, %mul3A_2010 : vector<16xf32>
      %broadcast_in_dim3A_2012 = arith.constant 14 : i32
      %broadcast_in_dim3A_2013 = vector.broadcast %broadcast_in_dim3A_2012 : i32 to vector<16xi32>
      %gather3A_2014 = tpu.vector_load_idx %arg12[%add3A_1870, %broadcast_in_dim3A_2013] : memref<512x16xf32, #tpu.memory_space<vmem>>[vector<16xi32>, vector<16xi32>], vector<16xf32>,
      %gather3A_2015 = tpu.vector_load_idx %arg14[%add3A_1870, %broadcast_in_dim3A_2013] : memref<512x16xf32, #tpu.memory_space<vmem>>[vector<16xi32>, vector<16xi32>], vector<16xf32>,
      %slice3A_2016 = vector.extract_strided_slice %get3A_1857 {offsets = [14], sizes = [1], strides = [1]} : vector<16xf32> to vector<1xf32>
      %squeeze3A_2017 = vector.extract %slice3A_2016[0] : f32 from vector<1xf32>
      %mul3A_2018 = arith.mulf %gather3A_2014, %gather3A_2015 : vector<16xf32>
      %mul3A_2019 = vector.broadcast %squeeze3A_2017 : f32 to vector<16xf32>
      %mul3A_2020 = arith.mulf %mul3A_2018, %mul3A_2019 : vector<16xf32>
      %add3A_2021 = arith.addf %add3A_2011, %mul3A_2020 : vector<16xf32>
      %broadcast_in_dim3A_2022 = arith.constant 15 : i32
      %broadcast_in_dim3A_2023 = vector.broadcast %broadcast_in_dim3A_2022 : i32 to vector<16xi32>
      %gather3A_2024 = tpu.vector_load_idx %arg12[%add3A_1870, %broadcast_in_dim3A_2023] : memref<512x16xf32, #tpu.memory_space<vmem>>[vector<16xi32>, vector<16xi32>], vector<16xf32>,
      %gather3A_2025 = tpu.vector_load_idx %arg14[%add3A_1870, %broadcast_in_dim3A_2023] : memref<512x16xf32, #tpu.memory_space<vmem>>[vector<16xi32>, vector<16xi32>], vector<16xf32>,
      %slice3A_2026 = vector.extract_strided_slice %get3A_1857 {offsets = [15], sizes = [1], strides = [1]} : vector<16xf32> to vector<1xf32>
      %squeeze3A_2027 = vector.extract %slice3A_2026[0] : f32 from vector<1xf32>
      %mul3A_2028 = arith.mulf %gather3A_2024, %gather3A_2025 : vector<16xf32>
      %mul3A_2029 = vector.broadcast %squeeze3A_2027 : f32 to vector<16xf32>
      %mul3A_2030 = arith.mulf %mul3A_2028, %mul3A_2029 : vector<16xf32>
      %add3A_2031 = arith.addf %add3A_2021, %mul3A_2030 : vector<16xf32>
      %broadcast_in_dim3A_2032 = arith.constant 0 : i32
      %broadcast_in_dim3A_2033 = vector.broadcast %broadcast_in_dim3A_2032 : i32 to vector<16xi32>
      %gather3A_2034 = tpu.vector_load_idx %arg13[%add3A_1870, %broadcast_in_dim3A_2033] : memref<512x16xf32, #tpu.memory_space<vmem>>[vector<16xi32>, vector<16xi32>], vector<16xf32>,
      %gather3A_2035 = tpu.vector_load_idx %arg15[%add3A_1870, %broadcast_in_dim3A_2033] : memref<512x16xf32, #tpu.memory_space<vmem>>[vector<16xi32>, vector<16xi32>], vector<16xf32>,
      %slice3A_2036 = vector.extract_strided_slice %get3A_1859 {offsets = [0], sizes = [1], strides = [1]} : vector<16xf32> to vector<1xf32>
      %squeeze3A_2037 = vector.extract %slice3A_2036[0] : f32 from vector<1xf32>
      %mul3A_2038 = arith.mulf %gather3A_2034, %gather3A_2035 : vector<16xf32>
      %mul3A_2039 = vector.broadcast %squeeze3A_2037 : f32 to vector<16xf32>
      %mul3A_2040 = arith.mulf %mul3A_2038, %mul3A_2039 : vector<16xf32>
      %add3A_2041 = arith.addf %add3A_2031, %mul3A_2040 : vector<16xf32>
      %broadcast_in_dim3A_2042 = arith.constant 1 : i32
      %broadcast_in_dim3A_2043 = vector.broadcast %broadcast_in_dim3A_2042 : i32 to vector<16xi32>
      %gather3A_2044 = tpu.vector_load_idx %arg13[%add3A_1870, %broadcast_in_dim3A_2043] : memref<512x16xf32, #tpu.memory_space<vmem>>[vector<16xi32>, vector<16xi32>], vector<16xf32>,
      %gather3A_2045 = tpu.vector_load_idx %arg15[%add3A_1870, %broadcast_in_dim3A_2043] : memref<512x16xf32, #tpu.memory_space<vmem>>[vector<16xi32>, vector<16xi32>], vector<16xf32>,
      %slice3A_2046 = vector.extract_strided_slice %get3A_1859 {offsets = [1], sizes = [1], strides = [1]} : vector<16xf32> to vector<1xf32>
      %squeeze3A_2047 = vector.extract %slice3A_2046[0] : f32 from vector<1xf32>
      %mul3A_2048 = arith.mulf %gather3A_2044, %gather3A_2045 : vector<16xf32>
      %mul3A_2049 = vector.broadcast %squeeze3A_2047 : f32 to vector<16xf32>
      %mul3A_2050 = arith.mulf %mul3A_2048, %mul3A_2049 : vector<16xf32>
      %add3A_2051 = arith.addf %add3A_2041, %mul3A_2050 : vector<16xf32>
      %broadcast_in_dim3A_2052 = arith.constant 2 : i32
      %broadcast_in_dim3A_2053 = vector.broadcast %broadcast_in_dim3A_2052 : i32 to vector<16xi32>
      %gather3A_2054 = tpu.vector_load_idx %arg13[%add3A_1870, %broadcast_in_dim3A_2053] : memref<512x16xf32, #tpu.memory_space<vmem>>[vector<16xi32>, vector<16xi32>], vector<16xf32>,
      %gather3A_2055 = tpu.vector_load_idx %arg15[%add3A_1870, %broadcast_in_dim3A_2053] : memref<512x16xf32, #tpu.memory_space<vmem>>[vector<16xi32>, vector<16xi32>], vector<16xf32>,
      %slice3A_2056 = vector.extract_strided_slice %get3A_1859 {offsets = [2], sizes = [1], strides = [1]} : vector<16xf32> to vector<1xf32>
      %squeeze3A_2057 = vector.extract %slice3A_2056[0] : f32 from vector<1xf32>
      %mul3A_2058 = arith.mulf %gather3A_2054, %gather3A_2055 : vector<16xf32>
      %mul3A_2059 = vector.broadcast %squeeze3A_2057 : f32 to vector<16xf32>
      %mul3A_2060 = arith.mulf %mul3A_2058, %mul3A_2059 : vector<16xf32>
      %add3A_2061 = arith.addf %add3A_2051, %mul3A_2060 : vector<16xf32>
      %broadcast_in_dim3A_2062 = arith.constant 3 : i32
      %broadcast_in_dim3A_2063 = vector.broadcast %broadcast_in_dim3A_2062 : i32 to vector<16xi32>
      %gather3A_2064 = tpu.vector_load_idx %arg13[%add3A_1870, %broadcast_in_dim3A_2063] : memref<512x16xf32, #tpu.memory_space<vmem>>[vector<16xi32>, vector<16xi32>], vector<16xf32>,
      %gather3A_2065 = tpu.vector_load_idx %arg15[%add3A_1870, %broadcast_in_dim3A_2063] : memref<512x16xf32, #tpu.memory_space<vmem>>[vector<16xi32>, vector<16xi32>], vector<16xf32>,
      %slice3A_2066 = vector.extract_strided_slice %get3A_1859 {offsets = [3], sizes = [1], strides = [1]} : vector<16xf32> to vector<1xf32>
      %squeeze3A_2067 = vector.extract %slice3A_2066[0] : f32 from vector<1xf32>
      %mul3A_2068 = arith.mulf %gather3A_2064, %gather3A_2065 : vector<16xf32>
      %mul3A_2069 = vector.broadcast %squeeze3A_2067 : f32 to vector<16xf32>
      %mul3A_2070 = arith.mulf %mul3A_2068, %mul3A_2069 : vector<16xf32>
      %add3A_2071 = arith.addf %add3A_2061, %mul3A_2070 : vector<16xf32>
      %broadcast_in_dim3A_2072 = arith.constant 4 : i32
      %broadcast_in_dim3A_2073 = vector.broadcast %broadcast_in_dim3A_2072 : i32 to vector<16xi32>
      %gather3A_2074 = tpu.vector_load_idx %arg13[%add3A_1870, %broadcast_in_dim3A_2073] : memref<512x16xf32, #tpu.memory_space<vmem>>[vector<16xi32>, vector<16xi32>], vector<16xf32>,
      %gather3A_2075 = tpu.vector_load_idx %arg15[%add3A_1870, %broadcast_in_dim3A_2073] : memref<512x16xf32, #tpu.memory_space<vmem>>[vector<16xi32>, vector<16xi32>], vector<16xf32>,
      %slice3A_2076 = vector.extract_strided_slice %get3A_1859 {offsets = [4], sizes = [1], strides = [1]} : vector<16xf32> to vector<1xf32>
      %squeeze3A_2077 = vector.extract %slice3A_2076[0] : f32 from vector<1xf32>
      %mul3A_2078 = arith.mulf %gather3A_2074, %gather3A_2075 : vector<16xf32>
      %mul3A_2079 = vector.broadcast %squeeze3A_2077 : f32 to vector<16xf32>
      %mul3A_2080 = arith.mulf %mul3A_2078, %mul3A_2079 : vector<16xf32>
      %add3A_2081 = arith.addf %add3A_2071, %mul3A_2080 : vector<16xf32>
      %broadcast_in_dim3A_2082 = arith.constant 5 : i32
      %broadcast_in_dim3A_2083 = vector.broadcast %broadcast_in_dim3A_2082 : i32 to vector<16xi32>
      %gather3A_2084 = tpu.vector_load_idx %arg13[%add3A_1870, %broadcast_in_dim3A_2083] : memref<512x16xf32, #tpu.memory_space<vmem>>[vector<16xi32>, vector<16xi32>], vector<16xf32>,
      %gather3A_2085 = tpu.vector_load_idx %arg15[%add3A_1870, %broadcast_in_dim3A_2083] : memref<512x16xf32, #tpu.memory_space<vmem>>[vector<16xi32>, vector<16xi32>], vector<16xf32>,
      %slice3A_2086 = vector.extract_strided_slice %get3A_1859 {offsets = [5], sizes = [1], strides = [1]} : vector<16xf32> to vector<1xf32>
      %squeeze3A_2087 = vector.extract %slice3A_2086[0] : f32 from vector<1xf32>
      %mul3A_2088 = arith.mulf %gather3A_2084, %gather3A_2085 : vector<16xf32>
      %mul3A_2089 = vector.broadcast %squeeze3A_2087 : f32 to vector<16xf32>
      %mul3A_2090 = arith.mulf %mul3A_2088, %mul3A_2089 : vector<16xf32>
      %add3A_2091 = arith.addf %add3A_2081, %mul3A_2090 : vector<16xf32>
      %broadcast_in_dim3A_2092 = arith.constant 6 : i32
      %broadcast_in_dim3A_2093 = vector.broadcast %broadcast_in_dim3A_2092 : i32 to vector<16xi32>
      %gather3A_2094 = tpu.vector_load_idx %arg13[%add3A_1870, %broadcast_in_dim3A_2093] : memref<512x16xf32, #tpu.memory_space<vmem>>[vector<16xi32>, vector<16xi32>], vector<16xf32>,
      %gather3A_2095 = tpu.vector_load_idx %arg15[%add3A_1870, %broadcast_in_dim3A_2093] : memref<512x16xf32, #tpu.memory_space<vmem>>[vector<16xi32>, vector<16xi32>], vector<16xf32>,
      %slice3A_2096 = vector.extract_strided_slice %get3A_1859 {offsets = [6], sizes = [1], strides = [1]} : vector<16xf32> to vector<1xf32>
      %squeeze3A_2097 = vector.extract %slice3A_2096[0] : f32 from vector<1xf32>
      %mul3A_2098 = arith.mulf %gather3A_2094, %gather3A_2095 : vector<16xf32>
      %mul3A_2099 = vector.broadcast %squeeze3A_2097 : f32 to vector<16xf32>
      %mul3A_2100 = arith.mulf %mul3A_2098, %mul3A_2099 : vector<16xf32>
      %add3A_2101 = arith.addf %add3A_2091, %mul3A_2100 : vector<16xf32>
      %broadcast_in_dim3A_2102 = arith.constant 7 : i32
      %broadcast_in_dim3A_2103 = vector.broadcast %broadcast_in_dim3A_2102 : i32 to vector<16xi32>
      %gather3A_2104 = tpu.vector_load_idx %arg13[%add3A_1870, %broadcast_in_dim3A_2103] : memref<512x16xf32, #tpu.memory_space<vmem>>[vector<16xi32>, vector<16xi32>], vector<16xf32>,
      %gather3A_2105 = tpu.vector_load_idx %arg15[%add3A_1870, %broadcast_in_dim3A_2103] : memref<512x16xf32, #tpu.memory_space<vmem>>[vector<16xi32>, vector<16xi32>], vector<16xf32>,
      %slice3A_2106 = vector.extract_strided_slice %get3A_1859 {offsets = [7], sizes = [1], strides = [1]} : vector<16xf32> to vector<1xf32>
      %squeeze3A_2107 = vector.extract %slice3A_2106[0] : f32 from vector<1xf32>
      %mul3A_2108 = arith.mulf %gather3A_2104, %gather3A_2105 : vector<16xf32>
      %mul3A_2109 = vector.broadcast %squeeze3A_2107 : f32 to vector<16xf32>
      %mul3A_2110 = arith.mulf %mul3A_2108, %mul3A_2109 : vector<16xf32>
      %add3A_2111 = arith.addf %add3A_2101, %mul3A_2110 : vector<16xf32>
      %broadcast_in_dim3A_2112 = arith.constant 8 : i32
      %broadcast_in_dim3A_2113 = vector.broadcast %broadcast_in_dim3A_2112 : i32 to vector<16xi32>
      %gather3A_2114 = tpu.vector_load_idx %arg13[%add3A_1870, %broadcast_in_dim3A_2113] : memref<512x16xf32, #tpu.memory_space<vmem>>[vector<16xi32>, vector<16xi32>], vector<16xf32>,
      %gather3A_2115 = tpu.vector_load_idx %arg15[%add3A_1870, %broadcast_in_dim3A_2113] : memref<512x16xf32, #tpu.memory_space<vmem>>[vector<16xi32>, vector<16xi32>], vector<16xf32>,
      %slice3A_2116 = vector.extract_strided_slice %get3A_1859 {offsets = [8], sizes = [1], strides = [1]} : vector<16xf32> to vector<1xf32>
      %squeeze3A_2117 = vector.extract %slice3A_2116[0] : f32 from vector<1xf32>
      %mul3A_2118 = arith.mulf %gather3A_2114, %gather3A_2115 : vector<16xf32>
      %mul3A_2119 = vector.broadcast %squeeze3A_2117 : f32 to vector<16xf32>
      %mul3A_2120 = arith.mulf %mul3A_2118, %mul3A_2119 : vector<16xf32>
      %add3A_2121 = arith.addf %add3A_2111, %mul3A_2120 : vector<16xf32>
      %broadcast_in_dim3A_2122 = arith.constant 9 : i32
      %broadcast_in_dim3A_2123 = vector.broadcast %broadcast_in_dim3A_2122 : i32 to vector<16xi32>
      %gather3A_2124 = tpu.vector_load_idx %arg13[%add3A_1870, %broadcast_in_dim3A_2123] : memref<512x16xf32, #tpu.memory_space<vmem>>[vector<16xi32>, vector<16xi32>], vector<16xf32>,
      %gather3A_2125 = tpu.vector_load_idx %arg15[%add3A_1870, %broadcast_in_dim3A_2123] : memref<512x16xf32, #tpu.memory_space<vmem>>[vector<16xi32>, vector<16xi32>], vector<16xf32>,
      %slice3A_2126 = vector.extract_strided_slice %get3A_1859 {offsets = [9], sizes = [1], strides = [1]} : vector<16xf32> to vector<1xf32>
      %squeeze3A_2127 = vector.extract %slice3A_2126[0] : f32 from vector<1xf32>
      %mul3A_2128 = arith.mulf %gather3A_2124, %gather3A_2125 : vector<16xf32>
      %mul3A_2129 = vector.broadcast %squeeze3A_2127 : f32 to vector<16xf32>
      %mul3A_2130 = arith.mulf %mul3A_2128, %mul3A_2129 : vector<16xf32>
      %add3A_2131 = arith.addf %add3A_2121, %mul3A_2130 : vector<16xf32>
      %broadcast_in_dim3A_2132 = arith.constant 10 : i32
      %broadcast_in_dim3A_2133 = vector.broadcast %broadcast_in_dim3A_2132 : i32 to vector<16xi32>
      %gather3A_2134 = tpu.vector_load_idx %arg13[%add3A_1870, %broadcast_in_dim3A_2133] : memref<512x16xf32, #tpu.memory_space<vmem>>[vector<16xi32>, vector<16xi32>], vector<16xf32>,
      %gather3A_2135 = tpu.vector_load_idx %arg15[%add3A_1870, %broadcast_in_dim3A_2133] : memref<512x16xf32, #tpu.memory_space<vmem>>[vector<16xi32>, vector<16xi32>], vector<16xf32>,
      %slice3A_2136 = vector.extract_strided_slice %get3A_1859 {offsets = [10], sizes = [1], strides = [1]} : vector<16xf32> to vector<1xf32>
      %squeeze3A_2137 = vector.extract %slice3A_2136[0] : f32 from vector<1xf32>
      %mul3A_2138 = arith.mulf %gather3A_2134, %gather3A_2135 : vector<16xf32>
      %mul3A_2139 = vector.broadcast %squeeze3A_2137 : f32 to vector<16xf32>
      %mul3A_2140 = arith.mulf %mul3A_2138, %mul3A_2139 : vector<16xf32>
      %add3A_2141 = arith.addf %add3A_2131, %mul3A_2140 : vector<16xf32>
      %broadcast_in_dim3A_2142 = arith.constant 11 : i32
      %broadcast_in_dim3A_2143 = vector.broadcast %broadcast_in_dim3A_2142 : i32 to vector<16xi32>
      %gather3A_2144 = tpu.vector_load_idx %arg13[%add3A_1870, %broadcast_in_dim3A_2143] : memref<512x16xf32, #tpu.memory_space<vmem>>[vector<16xi32>, vector<16xi32>], vector<16xf32>,
      %gather3A_2145 = tpu.vector_load_idx %arg15[%add3A_1870, %broadcast_in_dim3A_2143] : memref<512x16xf32, #tpu.memory_space<vmem>>[vector<16xi32>, vector<16xi32>], vector<16xf32>,
      %slice3A_2146 = vector.extract_strided_slice %get3A_1859 {offsets = [11], sizes = [1], strides = [1]} : vector<16xf32> to vector<1xf32>
      %squeeze3A_2147 = vector.extract %slice3A_2146[0] : f32 from vector<1xf32>
      %mul3A_2148 = arith.mulf %gather3A_2144, %gather3A_2145 : vector<16xf32>
      %mul3A_2149 = vector.broadcast %squeeze3A_2147 : f32 to vector<16xf32>
      %mul3A_2150 = arith.mulf %mul3A_2148, %mul3A_2149 : vector<16xf32>
      %add3A_2151 = arith.addf %add3A_2141, %mul3A_2150 : vector<16xf32>
      %broadcast_in_dim3A_2152 = arith.constant 12 : i32
      %broadcast_in_dim3A_2153 = vector.broadcast %broadcast_in_dim3A_2152 : i32 to vector<16xi32>
      %gather3A_2154 = tpu.vector_load_idx %arg13[%add3A_1870, %broadcast_in_dim3A_2153] : memref<512x16xf32, #tpu.memory_space<vmem>>[vector<16xi32>, vector<16xi32>], vector<16xf32>,
      %gather3A_2155 = tpu.vector_load_idx %arg15[%add3A_1870, %broadcast_in_dim3A_2153] : memref<512x16xf32, #tpu.memory_space<vmem>>[vector<16xi32>, vector<16xi32>], vector<16xf32>,
      %slice3A_2156 = vector.extract_strided_slice %get3A_1859 {offsets = [12], sizes = [1], strides = [1]} : vector<16xf32> to vector<1xf32>
      %squeeze3A_2157 = vector.extract %slice3A_2156[0] : f32 from vector<1xf32>
      %mul3A_2158 = arith.mulf %gather3A_2154, %gather3A_2155 : vector<16xf32>
      %mul3A_2159 = vector.broadcast %squeeze3A_2157 : f32 to vector<16xf32>
      %mul3A_2160 = arith.mulf %mul3A_2158, %mul3A_2159 : vector<16xf32>
      %add3A_2161 = arith.addf %add3A_2151, %mul3A_2160 : vector<16xf32>
      %broadcast_in_dim3A_2162 = arith.constant 13 : i32
      %broadcast_in_dim3A_2163 = vector.broadcast %broadcast_in_dim3A_2162 : i32 to vector<16xi32>
      %gather3A_2164 = tpu.vector_load_idx %arg13[%add3A_1870, %broadcast_in_dim3A_2163] : memref<512x16xf32, #tpu.memory_space<vmem>>[vector<16xi32>, vector<16xi32>], vector<16xf32>,
      %gather3A_2165 = tpu.vector_load_idx %arg15[%add3A_1870, %broadcast_in_dim3A_2163] : memref<512x16xf32, #tpu.memory_space<vmem>>[vector<16xi32>, vector<16xi32>], vector<16xf32>,
      %slice3A_2166 = vector.extract_strided_slice %get3A_1859 {offsets = [13], sizes = [1], strides = [1]} : vector<16xf32> to vector<1xf32>
      %squeeze3A_2167 = vector.extract %slice3A_2166[0] : f32 from vector<1xf32>
      %mul3A_2168 = arith.mulf %gather3A_2164, %gather3A_2165 : vector<16xf32>
      %mul3A_2169 = vector.broadcast %squeeze3A_2167 : f32 to vector<16xf32>
      %mul3A_2170 = arith.mulf %mul3A_2168, %mul3A_2169 : vector<16xf32>
      %add3A_2171 = arith.addf %add3A_2161, %mul3A_2170 : vector<16xf32>
      %broadcast_in_dim3A_2172 = arith.constant 14 : i32
      %broadcast_in_dim3A_2173 = vector.broadcast %broadcast_in_dim3A_2172 : i32 to vector<16xi32>
      %gather3A_2174 = tpu.vector_load_idx %arg13[%add3A_1870, %broadcast_in_dim3A_2173] : memref<512x16xf32, #tpu.memory_space<vmem>>[vector<16xi32>, vector<16xi32>], vector<16xf32>,
      %gather3A_2175 = tpu.vector_load_idx %arg15[%add3A_1870, %broadcast_in_dim3A_2173] : memref<512x16xf32, #tpu.memory_space<vmem>>[vector<16xi32>, vector<16xi32>], vector<16xf32>,
      %slice3A_2176 = vector.extract_strided_slice %get3A_1859 {offsets = [14], sizes = [1], strides = [1]} : vector<16xf32> to vector<1xf32>
      %squeeze3A_2177 = vector.extract %slice3A_2176[0] : f32 from vector<1xf32>
      %mul3A_2178 = arith.mulf %gather3A_2174, %gather3A_2175 : vector<16xf32>
      %mul3A_2179 = vector.broadcast %squeeze3A_2177 : f32 to vector<16xf32>
      %mul3A_2180 = arith.mulf %mul3A_2178, %mul3A_2179 : vector<16xf32>
      %add3A_2181 = arith.addf %add3A_2171, %mul3A_2180 : vector<16xf32>
      %broadcast_in_dim3A_2182 = arith.constant 15 : i32
      %broadcast_in_dim3A_2183 = vector.broadcast %broadcast_in_dim3A_2182 : i32 to vector<16xi32>
      %gather3A_2184 = tpu.vector_load_idx %arg13[%add3A_1870, %broadcast_in_dim3A_2183] : memref<512x16xf32, #tpu.memory_space<vmem>>[vector<16xi32>, vector<16xi32>], vector<16xf32>,
      %gather3A_2185 = tpu.vector_load_idx %arg15[%add3A_1870, %broadcast_in_dim3A_2183] : memref<512x16xf32, #tpu.memory_space<vmem>>[vector<16xi32>, vector<16xi32>], vector<16xf32>,
      %slice3A_2186 = vector.extract_strided_slice %get3A_1859 {offsets = [15], sizes = [1], strides = [1]} : vector<16xf32> to vector<1xf32>
      %squeeze3A_2187 = vector.extract %slice3A_2186[0] : f32 from vector<1xf32>
      %mul3A_2188 = arith.mulf %gather3A_2184, %gather3A_2185 : vector<16xf32>
      %mul3A_2189 = vector.broadcast %squeeze3A_2187 : f32 to vector<16xf32>
      %mul3A_2190 = arith.mulf %mul3A_2188, %mul3A_2189 : vector<16xf32>
      %add3A_2191 = arith.addf %add3A_2181, %mul3A_2190 : vector<16xf32>
      %add3A_2192 = vector.broadcast %squeeze3A : f32 to vector<16xf32>
      %add3A_2193 = arith.addf %add3A_2191, %add3A_2192 : vector<16xf32>
      %neg3A = arith.constant 0.000000e+00 : f32
      %neg3A_2194 = vector.broadcast %neg3A : f32 to vector<16xf32>
      %neg3A_2195 = arith.subf %neg3A_2194, %add3A_2193 : vector<16xf32>
      %exp3A = math.exp %neg3A_2195 : vector<16xf32>
      %add3A_2196 = arith.constant 1.000000e+00 : f32
      %add3A_2197 = vector.broadcast %add3A_2196 : f32 to vector<16xf32>
      %add3A_2198 = arith.addf %add3A_2197, %exp3A : vector<16xf32>
      %div3A = arith.constant 1.000000e+00 : f32
      %div3A_2199 = vector.broadcast %div3A : f32 to vector<16xf32>
      %div3A_2200 = arith.divf %div3A_2199, %add3A_2198 : vector<16xf32>
      %mul3A_2201 = arith.constant 16 : i32
      %mul3A_2202 = arith.muli %scan3A_1866, %mul3A_2201 : i32
      %swap3A_2203 = arith.index_cast %mul3A_2202 : i32 to index
      %swap3A_2204 = tpu.vector_load %arg17[%swap3A_2203] {strides = array<i32>} : memref<512xf32, #tpu.memory_space<vmem>>, vector<16xf32>,
      tpu.vector_store %arg17[%swap3A_2203], %div3A_2200 {strides = array<i32>} : memref<512xf32, #tpu.memory_space<vmem>>, vector<16xf32>,
    }
    %scan3A_1865 = arith.constant 32 : i32
    "tpu.region"() ({
      %run_scoped3A = tpu.sem_alloc : memref<!tpu.dma_semaphore, #tpu.memory_space<semaphore_mem>>
      %dma_start3A_1866 = tpu.memref_slice %arg6[%mul3A_2] : memref<16384xf32, #tpu.memory_space<hbm>> -> memref<512xf32, #tpu.memory_space<hbm>>
      %dma_start3A_1867 = tpu.memref_slice %arg6[%mul3A_2] : memref<16384xf32, #tpu.memory_space<hbm>> -> memref<512xf32, #tpu.memory_space<hbm>>
      tpu.enqueue_dma source(%arg17 : memref<512xf32, #tpu.memory_space<vmem>>) target(%dma_start3A_1867 : memref<512xf32, #tpu.memory_space<hbm>>) target_semaphore(%run_scoped3A : memref<!tpu.dma_semaphore, #tpu.memory_space<semaphore_mem>>)
      %dma_wait3A_1868 = tpu.memref_slice %arg6[%mul3A_2] : memref<16384xf32, #tpu.memory_space<hbm>> -> memref<512xf32, #tpu.memory_space<hbm>>
      %dma_wait3A_1869 = tpu.memref_slice %arg6[%mul3A_2] : memref<16384xf32, #tpu.memory_space<hbm>> -> memref<512xf32, #tpu.memory_space<hbm>>
      tpu.wait_dma2 semaphore(%run_scoped3A : memref<!tpu.dma_semaphore, #tpu.memory_space<semaphore_mem>>) src(%arg17 : memref<512xf32, #tpu.memory_space<vmem>>) dst(%dma_wait3A_1869 : memref<512xf32, #tpu.memory_space<hbm>>)
      tpu.yield
    }) : () -> ()
    return
  }
}

</mosaic_0001>

<sc_bundles>
// kernel: kernel.3.cloned.1.call-start
scs
__scs_entry_jumppad:
0x0: {  	(pc) =	sbr.rel $0x88, $3  }
0x1: {  	(tag) =	ssettag $0x0;
	lr =	simm.s32 $0x1  }
0x2: {  	[smem:$0x3F9C] =	sst lr;
	_ =	strace $0xD0000000  }
0x3: {  	_ = 	snop  }
0x4: {  	_ = 	snop  }
0x5: {  	_ = 	snop  }
0x6: {  	_ = 	snop  }
0x7: {  	_ = 	snop  }
__scs_overlays_trampoline_lowered:
0x8: {  	[smem:$0x3FAB] =	sst s0  }
0x9: {  	[smem:$0x3FAC] =	sst s1  }
0xa: {  	[smem:$0x3FAD] =	sst s2  }
0xb: {  	[smem:$0x3FAE] =	sst s3  }
0xc: {  	[smem:$0x3FAF] =	sst s4  }
0xd: {  	[smem:$0x3FB0] =	sst s5  }
0xe: {  	[smem:$0x3FB1] =	sst s6  }
0xf: {  	[smem:$0x3FB2] =	sst s7  }
0x10: {  	[smem:$0x3FB3] =	sst s8  }
0x11: {  	[smem:$0x3FB4] =	sst s9;
	s0 =	simm.s32 @!p0 $0x0  }
0x12: {  	s1 =	sld [smem:$0x3F9A];
	s0 =	simm.s32 @p0 $0x1  }
0x13: {  	[smem:$0x3FB5] =	sst s0;
	s0 =	simm.s32 @!p1 $0x0  }
0x14: {  	s2 =	sld [smem:$0x3F99];
	s0 =	simm.s32 @p1 $0x1  }
0x15: {  	[smem:$0x3FB6] =	sst s0;
	s0 =	simm.s32 @!p2 $0x0  }
0x16: {  	s3 =	sld [smem:$0x3FDB];
	s0 =	simm.s32 @p2 $0x1  }
0x17: {  	s4 =	simm.s32 $0x1BF5;
	[smem:$0x3FB8] =	sst s0  }
0x18: {  	s0 =	sld [smem:$0x3F9B];
	_ =	swait.ge [sflag:s4], $0x0  }
0x19: {  	s7 =	sld [smem:$0x3F9C]  }
0x1a: {  	s8 =	sadd.s32 $0xFFFFE003, lr  }
0x1b: {  	s9 =	sadd.s32 $0xFFFFFEF7, lr;
	s5 =	simm.s32 $0xFFFFFFFF;
	p2 =	slt.u32 s8, $0xFFFFF086  }
0x1c: {  	p1 =	slt.u32 s9, $0xF7A;
	s5 =	simm.s32 @!p2 $0x0  }
0x1d: {  	s5 =	simm.s32 @p1 $0x1;
	p0 =	seq.s32 s7, s2  }
0x1e: {  	s7 =	smul.u32 @!p0 $0xF7A, s2;
	p2 =	seq.s32 @!p0 s5, $0x0  }
0x1f: {  	s9 =	smul.u32 $0xF7A, s1;
	s8 =	simm.s32 @!p0 $0x1BF5;
	p2 =	por !p2, p0  }
0x20: {  	[sflag:s8] =	ssyncset.s32 @!p0 $0xFFFFF086;
	s6 =	sadd.s32 @!p0 s3, s7;
	s7 =	simm.s32 @!p0 $0x108  }
0x21: {  	s3 =	sadd.s32 s3, s9;
	s6 =	sadd.s32 @!p0 $0x88, s6;
	s7 =	simm.s32 @p2 $0x1082  }
0x22: {  	[simem:s7], [sflag:s8] =	dma.local @!p0 [hbm:s6], $0xF7A  }
0x23: {  	s9 =	sor.u32 $0xD0000000, s2;
	s6 =	simm.s32 $0x108;
	_ =	swait.ge @!p0 [sflag:s8], $0x0  }
0x24: {  	s3 =	sadd.s32 $0x88, s3;
	s6 =	simm.s32 @!p1 $0x1082;
	[sflag:s4] =	ssyncset.s32 $0xFFFFF086  }
0x25: {  	[simem:s6], [sflag:s4] =	dma.local [hbm:s3], $0xF7A  }
0x26: {  	[smem:$0x3F9C] =	sst s1;
	(tag) =	ssettag s2;
	_ =	strace s9  }
0x27: {  	s1 =	sld [smem:$0x3FAC]  }
0x28: {  	s2 =	sld [smem:$0x3FAD]  }
0x29: {  	s4 =	sld [smem:$0x3FAF]  }
0x2a: {  	p0 =	seq.s32 s5, $0x0;
	s5 =	sld [smem:$0x3FB0]  }
0x2b: {  	s6 =	sld [smem:$0x3FB1]  }
0x2c: {  	s7 =	sld [smem:$0x3FB2]  }
0x2d: {  	s3 =	simm.s32 $0x108;
	s8 =	sld [smem:$0x3FB3]  }
0x2e: {  	s3 =	simm.s32 @!p0 $0x1082;
	s9 =	sld [smem:$0x3FB4]  }
0x2f: {  	lr =	sadd.s32 s0, s3;
	s0 =	sld [smem:$0x3FAB]  }
0x30: {  	s3 =	sld [smem:$0x3FAE]  }
0x31: {  	[smem:$0x3FB7] =	sst s10  }
0x32: {  	s10 =	sld [smem:$0x3FB5];
	_ =	sdelay $0x3  }
0x33: {  	p0 =	seq.s32 s10, $0x1;
	s10 =	sld [smem:$0x3FB7];
	_ =	sdelay $0x3  }
0x34: {  	[smem:$0x3FB7] =	sst s10  }
0x35: {  	s10 =	sld [smem:$0x3FB6];
	_ =	sdelay $0x3  }
0x36: {  	p1 =	seq.s32 s10, $0x1;
	s10 =	sld [smem:$0x3FB7];
	_ =	sdelay $0x3  }
0x37: {  	[smem:$0x3FB7] =	sst s10  }
0x38: {  	s10 =	sld [smem:$0x3FB8]  }
0x39: {  	_ = 	snop;
	(pc) =	sbr.ind lr, $3  }
0x3a: {  	_ = 	snop  }
0x3b: {  	_ = 	snop  }
0x3c: {  	p2 =	seq.s32 s10, $0x1;
	s10 =	sld [smem:$0x3FB7]  }
0x3d: {  	_ =	shalt  }
0x3e: {  	_ =	shalt  }
0x3f: {  	_ =	shalt  }
0x40: {  	_ =	shalt  }
0x41: {  	_ =	shalt  }
0x42: {  	_ =	shalt  }
0x43: {  	_ =	shalt  }
0x44: {  	_ =	shalt  }
0x45: {  	_ =	shalt  }
0x46: {  	_ =	shalt  }
0x47: {  	_ =	shalt  }
0x48: {  	_ =	shalt  }
0x49: {  	_ =	shalt  }
0x4a: {  	_ =	shalt  }
0x4b: {  	_ =	shalt  }
0x4c: {  	_ =	shalt  }
0x4d: {  	_ =	shalt  }
0x4e: {  	_ =	shalt  }
0x4f: {  	_ =	shalt  }
0x50: {  	_ =	shalt  }
0x51: {  	_ =	shalt  }
0x52: {  	_ =	shalt  }
0x53: {  	_ =	shalt  }
0x54: {  	_ =	shalt  }
0x55: {  	_ =	shalt  }
0x56: {  	_ =	shalt  }
0x57: {  	_ =	shalt  }
0x58: {  	_ =	shalt  }
0x59: {  	_ =	shalt  }
0x5a: {  	_ =	shalt  }
0x5b: {  	_ =	shalt  }
0x5c: {  	_ =	shalt  }
0x5d: {  	_ =	shalt  }
0x5e: {  	_ =	shalt  }
0x5f: {  	_ =	shalt  }
0x60: {  	_ =	shalt  }
0x61: {  	_ =	shalt  }
0x62: {  	_ =	shalt  }
0x63: {  	_ =	shalt  }
0x64: {  	_ =	shalt  }
0x65: {  	_ =	shalt  }
0x66: {  	_ =	shalt  }
0x67: {  	_ =	shalt  }
0x68: {  	_ =	shalt  }
0x69: {  	_ =	shalt  }
0x6a: {  	_ =	shalt  }
0x6b: {  	_ =	shalt  }
0x6c: {  	_ =	shalt  }
0x6d: {  	_ =	shalt  }
0x6e: {  	_ =	shalt  }
0x6f: {  	_ =	shalt  }
0x70: {  	_ =	shalt  }
0x71: {  	_ =	shalt  }
0x72: {  	_ =	shalt  }
0x73: {  	_ =	shalt  }
0x74: {  	_ =	shalt  }
0x75: {  	_ =	shalt  }
0x76: {  	_ =	shalt  }
0x77: {  	_ =	shalt  }
0x78: {  	_ =	shalt  }
0x79: {  	_ =	shalt  }
0x7a: {  	_ =	shalt  }
0x7b: {  	_ =	shalt  }
0x7c: {  	_ =	shalt  }
0x7d: {  	_ =	shalt  }
0x7e: {  	_ =	shalt  }
0x7f: {  	_ =	shalt  }
0x80: {  	_ =	shalt  }
0x81: {  	_ =	shalt  }
0x82: {  	_ =	shalt  }
0x83: {  	_ =	shalt  }
0x84: {  	_ =	shalt  }
0x85: {  	_ =	shalt  }
0x86: {  	_ =	shalt  }
0x87: {  	_ =	shalt  }
.Lfunc_end0:
.L_simem_size_0:
called_computation_lowered:
.L_overlay_start_0:
0x88: {  	s2 =	sld [smem:$0x3FD9]  }
0x89: {  	s3 =	sld [smem:$0x3FFE];
	_ =	sdelay $0x1  }
0x8a: {  	s1 =	srdreg.scid  }
0x8b: {  	s0 =	sand.u32 $0x1, s1  }
0x8c: {  	s17 =	sshll.u32 s0, $0xA;
	s2 =	sadd.s32 s3, s2  }
0x8d: {  	s2 =	sadd.s32 s2, s17  }
0x8e: {  	[smem:$0x3FC3] =	sst s2  }
0x8f: {  	_ = 	snop  }
0x90: {  	s2 =	sld [smem:$0x3FD0];
	(tm) =	ssettm $0x1  }
0x91: {  	s18 =	sld [smem:$0x3FFB];
	_ =	sdelay $0x3  }
0x92: {  	_ =	strace s18  }
0x93: {  	s3 =	sld [smem:$0x3FFC];
	_ =	sdelay $0x3  }
0x94: {  	_ =	strace s3  }
0x95: {  	s3 =	sld [smem:$0x3FFD];
	_ =	sdelay $0x3  }
0x96: {  	_ =	strace s3  }
0x97: {  	_ =	strace $0x8FFFFFFF  }
0x98: {  	s19 =	sld [smem:$0x3FDB];
	_ =	sdelay $0x1  }
0x99: {  	s4 =	simm.s32 $_scs_section_size  }
0x9a: {  	s5 =	simm.s32 $_size__tile_overlayer_lowered;
	s6 =	simm.s32 $_tile_overlayer_lowered  }
0x9b: {  	s22 =	simm.s32 $0x1BFF;
	s21 =	sshll.u32 s6, $0x1;
	s3 =	sadd.s32 s4, s19  }
0x9c: {  	s7 =	simm.s32 $0x0;
	s20 =	sshll.u32 s5, $0x1;
	s5 =	sadd.s32 s21, s3  }
0x9d: {  	[timem:s7], [sflag:s22] =	dma.local [hbm:s5], s20  }
0x9e: {  	_ =	swait.ge [sflag:s22], s20  }
0x9f: {  	s4 =	ssub.s32 $0x0, s20;
	[sflag:s22] =	ssyncset.done $0x0  }
0xa0: {  	[sflag:s22] =	ssyncadd.s32 s4;
	_ =	sdelay $0x1  }
0xa1: {  	s23 =	simm.s32 $0x1B8B  }
0xa2: {  	_ =	swait.ge [sflag:s23], $0x1  }
0xa3: {  	[sflag:s23] =	ssyncset.done $0x0  }
0xa4: {  	s25 =	simm.s32 $0x1B8E;
	s24 =	sld [smem:$0x3FFE];
	[sflag:s23] =	ssyncadd.s32 $0xFFFFFFFF  }
0xa5: {  	s26 =	simm.s32 $execute0_lowered;
	[smem:$0x3FD2] =	sst s25  }
0xa6: {  	s5 =	sshll.u32 s26, $0x1;
	_ =	strace $0x80000046;
	[dreg:$0x1] =	wrdreg $0xFFFFFFFF  }
0xa7: {  	s28 =	simm.s32 $_size_execute0_lowered;
	s3 =	sadd.s32 s3, s5;
	[dreg:$0x0] =	wrdreg $0x0  }
0xa8: {  	s5 =	sshll.u32 s28, $0x1;
	[dreg:$0x2] =	wrdreg s3  }
0xa9: {  	[dreg:$0x3] =	wrdreg s5  }
0xaa: {  	[dreg:$0x4] =	wrdreg $0xC0  }
0xab: {  	_ =	task [dreg:s7], $0x5FFFF  }
0xac: {  	[dreg:$0x1] =	wrdreg $0xFFFFFFFF  }
0xad: {  	[dreg:$0x0] =	wrdreg $0x60  }
0xae: {  	[dreg:$0x2] =	wrdreg s24  }
0xaf: {  	[dreg:$0x3] =	wrdreg s2  }
0xb0: {  	[dreg:$0x4] =	wrdreg $0x9  }
0xb1: {  	_ =	task.clear_ibuf [dreg:s7], $0x5FFFF;
	_ =	strace $0x90000046  }
0xb2: {  	s29 =	simm.s32 $0x9;
	_ =	strace $0x80000048  }
0xb3: {  	_ =	swait.ge [sflag:s29], $0x1  }
0xb4: {  	[sflag:s29] =	ssyncadd.s32 $0xFFFFFFFF  }
0xb5: {  	_ =	strace $0x90000048  }
0xb6: {  	_ =	sfence  }
0xb7: {  	s30 =	sld [smem:$0x0];
	_ =	sdelay $0x2  }
0xb8: {  	s31 =	sshll.u32 s1, $0xD;
	s1 =	sshrl.u32 s1, $0x2  }
0xb9: {  	s3 =	sand.u32 $0x4000, s31;
	s1 =	sadd.s32 s1, s30  }
0xba: {  	s0 =	sor.u32 s3, s0;
	s1 =	sshll.u32 s1, $0x11  }
0xbb: {  	s0 =	sor.u32 s1, s0  }
0xbc: {  	s0 =	sadd.s32 $0x8F2B, s0  }
0xbd: {  	[sflag:s0] =	ssyncadd.remote.s32 $0x1  }
0xbe: {  	_ =	sfence.sel $0xFFFF  }
0xbf: {  	[dreg:$0x0] =	wrdreg $0xFFFFFFFF;
	(pc) =	sbr.abs _section_cstart, $3  }
0xc0: {  	[dreg:$0x1] =	wrdreg $0xFFFFFFFF  }
0xc1: {  	_ =	task.clear_ibuf [dreg:s7], $0x2FFFF;
	_ =	strace $0x9FFFFFFF  }
0xc2: {  	(tm) =	ssettm $0x7FFFFFFF  }
0xc3: {  	_ =	shalt  }
tec
execute0_lowered:
.L_overlay_start_1:
0x0: {  	(tag) =	ssettag $0x1  }
0x1: {  	v0 =	vlaneseq.u32  }
0x2: {  	v1 =	vmul.u32 $0x2, v0;
	_ =	sdelay $0x1  }
0x3: {  	v0 =	vor.u32 $0x1, v1  }
0x4: {  	[tilespmem:$0x1FC40] =	vst v0;
	v0 =	vor.u32 $0x20, v1  }
0x5: {  	[tilespmem:$0x1FC50] =	vst v0;
	v0 =	vor.u32 $0x21, v1  }
0x6: {  	[tilespmem:$0x1FC60] =	vst v0;
	v0 =	vor.u32 $0x40, v1  }
0x7: {  	[tilespmem:$0x1FC70] =	vst v0;
	v0 =	vor.u32 $0x41, v1  }
0x8: {  	[tilespmem:$0x1FC80] =	vst v0;
	v0 =	vor.u32 $0x60, v1  }
0x9: {  	[tilespmem:$0x1FC90] =	vst v0;
	v0 =	vor.u32 $0x61, v1  }
0xa: {  	[tilespmem:$0x1FCA0] =	vst v0;
	v0 =	vor.u32 $0x80, v1  }
0xb: {  	[tilespmem:$0x1FCB0] =	vst v0;
	v0 =	vor.u32 $0x81, v1  }
0xc: {  	[tilespmem:$0x1FCC0] =	vst v0;
	v0 =	vor.u32 $0xA0, v1  }
0xd: {  	s2 =	stileid.u32;
	[tilespmem:$0x1FCD0] =	vst v0;
	v0 =	vor.u32 $0xA1, v1  }
0xe: {  	s0 =	rddreg [dreg:$0x0];
	s3 =	sshll.u32 s2, $0x1;
	s2 =	simm.s32 $0x0;
	[tilespmem:$0x1FCE0] =	vst v0;
	v0 =	vor.u32 $0xC0, v1  }
0xf: {  	[smem:$0x7FF] =	sst s2;
	[tilespmem:$0x1FCF0] =	vst v0;
	v0 =	vor.u32 $0xC1, v1  }
0x10: {  	s7 =	rddreg [dreg:$0x1];
	_ =	strace $0x80000047;
	[tilespmem:$0x1FD00] =	vst v0;
	v0 =	vor.u32 $0xE0, v1  }
0x11: {  	[tilespmem:$0x1FD10] =	vst v0;
	v0 =	vor.u32 $0xE1, v1  }
0x12: {  	[tilespmem:$0x1FD20] =	vst v0;
	v0 =	vor.u32 $0x100, v1  }
0x13: {  	[tilespmem:$0x1FD30] =	vst v0;
	v0 =	vor.u32 $0x101, v1  }
0x14: {  	[tilespmem:$0x1FD40] =	vst v0;
	v0 =	vor.u32 $0x120, v1  }
0x15: {  	[tilespmem:$0x1FD50] =	vst v0;
	v0 =	vor.u32 $0x121, v1  }
0x16: {  	[tilespmem:$0x1FD60] =	vst v0;
	v0 =	vor.u32 $0x140, v1  }
0x17: {  	[tilespmem:$0x1FD70] =	vst v0;
	v0 =	vor.u32 $0x141, v1  }
0x18: {  	[tilespmem:$0x1FD80] =	vst v0;
	v0 =	vor.u32 $0x160, v1  }
0x19: {  	[tilespmem:$0x1FD90] =	vst v0;
	v0 =	vor.u32 $0x161, v1  }
0x1a: {  	[tilespmem:$0x1FDA0] =	vst v0;
	v0 =	vor.u32 $0x180, v1  }
0x1b: {  	[tilespmem:$0x1FDB0] =	vst v0;
	v0 =	vor.u32 $0x181, v1  }
0x1c: {  	[tilespmem:$0x1FDC0] =	vst v0;
	v0 =	vor.u32 $0x1A0, v1  }
0x1d: {  	[tilespmem:$0x1FDD0] =	vst v0;
	v0 =	vor.u32 $0x1A1, v1  }
0x1e: {  	[tilespmem:$0x1FDE0] =	vst v0;
	v0 =	vor.u32 $0x1C0, v1  }
0x1f: {  	[tilespmem:$0x1FDF0] =	vst v0;
	v0 =	vor.u32 $0x1C1, v1  }
0x20: {  	[tilespmem:$0x1FE00] =	vst v0;
	v0 =	vor.u32 $0x1E0, v1  }
0x21: {  	[tilespmem:$0x1FE10] =	vst v0;
	v0 =	vor.u32 $0x1E1, v1  }
0x22: {  	[tilespmem:$0x1FE20] =	vst v0;
	v0 =	vor.u32 $0x200, v1  }
0x23: {  	[tilespmem:$0x1FE30] =	vst v0;
	v0 =	vor.u32 $0x201, v1  }
0x24: {  	[tilespmem:$0x1FE40] =	vst v0;
	v0 =	vor.u32 $0x220, v1  }
0x25: {  	[tilespmem:$0x1FE50] =	vst v0;
	v0 =	vor.u32 $0x221, v1  }
0x26: {  	[tilespmem:$0x1FE60] =	vst v0;
	v0 =	vor.u32 $0x240, v1  }
0x27: {  	[tilespmem:$0x1FE70] =	vst v0;
	v0 =	vor.u32 $0x241, v1  }
0x28: {  	[tilespmem:$0x1FE80] =	vst v0;
	v0 =	vor.u32 $0x260, v1  }
0x29: {  	[tilespmem:$0x1FE90] =	vst v0;
	v0 =	vor.u32 $0x261, v1  }
0x2a: {  	[tilespmem:$0x1FEA0] =	vst v0;
	v0 =	vor.u32 $0x280, v1  }
0x2b: {  	[tilespmem:$0x1FEB0] =	vst v0;
	v0 =	vor.u32 $0x281, v1  }
0x2c: {  	[tilespmem:$0x1FEC0] =	vst v0;
	v0 =	vor.u32 $0x2A0, v1  }
0x2d: {  	[tilespmem:$0x1FED0] =	vst v0;
	v0 =	vor.u32 $0x2A1, v1  }
0x2e: {  	[tilespmem:$0x1FEE0] =	vst v0;
	v0 =	vor.u32 $0x2C0, v1  }
0x2f: {  	[tilespmem:$0x1FEF0] =	vst v0;
	v0 =	vor.u32 $0x2C1, v1  }
0x30: {  	[tilespmem:$0x1FF00] =	vst v0;
	v0 =	vor.u32 $0x2E0, v1  }
0x31: {  	[tilespmem:$0x1FF10] =	vst v0;
	v0 =	vor.u32 $0x2E1, v1  }
0x32: {  	[tilespmem:$0x1FF20] =	vst v0;
	v0 =	vor.u32 $0x300, v1  }
0x33: {  	s1 =	srdreg.scid;
	[tilespmem:$0x1FF30] =	vst v0;
	v0 =	vor.u32 $0x301, v1  }
0x34: {  	s11 =	simm.s32 $0x80;
	s13 =	simm.s32 $0xC00;
	s15 =	simm.s32 $0x2C00;
	[tilespmem:$0x1FF40] =	vst v0;
	v0 =	vor.u32 $0x320, v1  }
0x35: {  	s17 =	simm.s32 $0x4C00;
	s19 =	simm.s32 $0x6C00;
	s10 =	simm.s32 $0x5C00;
	[tilespmem:$0x1FF50] =	vst v0;
	v0 =	vor.u32 $0x321, v1  }
0x36: {  	s12 =	simm.s32 $0xB00;
	s14 =	simm.s32 $0x7C00;
	s16 =	simm.s32 $0x580;
	[tilespmem:$0x1FF60] =	vst v0;
	v0 =	vor.u32 $0x340, v1  }
0x37: {  	s18 =	simm.s32 $0x2400;
	s20 =	simm.s32 $0x780;
	s21 =	simm.s32 $0x4400;
	[tilespmem:$0x1FF70] =	vst v0;
	v0 =	vor.u32 $0x341, v1  }
0x38: {  	s22 =	simm.s32 $0x980;
	s23 =	simm.s32 $0x6400;
	s24 =	simm.s32 $0xB80;
	[tilespmem:$0x1FF80] =	vst v0;
	v0 =	vor.u32 $0x360, v1  }
0x39: {  	s25 =	simm.s32 $0x8400;
	s26 =	simm.s32 $0x1;
	s28 =	simm.s32 $0x8C28;
	[tilespmem:$0x1FF90] =	vst v0;
	v0 =	vor.u32 $0x361, v1  }
0x3a: {  	s29 =	simm.s32 $0x0;
	s1 =	sand.u32 $0x1, s1;
	s4 =	sadd.s32 $0x1313600, s0;
	[tilespmem:$0x1FFA0] =	vst v0;
	v0 =	vor.u32 $0x380, v1  }
0x3b: {  	s5 =	sadd.s32 $0xF42C00, s0;
	s6 =	sor.u32 s1, s3;
	s1 =	ssub.s32 $0x2, s1;
	[tilespmem:$0x1FFB0] =	vst v0;
	v0 =	vor.u32 $0x381, v1  }
0x3c: {  	s3 =	sshll.u32 s6, $0x7;
	s31 =	sshrl.u32 s1, $0x1;
	s9 =	sshll.u32 s6, $0x6;
	[tilespmem:$0x1FFC0] =	vst v0;
	v0 =	vor.u32 $0x3A0, v1  }
0x3d: {  	s8 =	sadd.s32 s3, s0;
	s3 =	sadd.s32 $0x1800, s0;
	s0 =	ssub.s32 s1, s31;
	[tilespmem:$0x1FFD0] =	vst v0;
	v0 =	vor.u32 $0x3A1, v1  }
0x3e: {  	s7 =	sadd.s32 s7, s9;
	s9 =	simm.s32 $0x2;
	s1 =	simm.s32 $0x3C00;
	[tilespmem:$0x1FFE0] =	vst v0;
	v0 =	vor.u32 $0x3C0, v1  }
0x3f: {  	v62 =	vor.u32 $0x3C1, v1;
	v63 =	vor.u32 $0x3E0, v1;
	s6 =	sadd.s32 $0x800, s8;
	s8 =	smax.u32 s0, $0x1;
	s0 =	simm.s32 $0x900;
	[tilespmem:$0x1FFF0] =	vst v0;
	v0 =	vor.u32 $0x3E1, v1  }
.LBB2_1:
0x40: {  	[tilespmem:s2], [sflag:$0x2] =	stream.linear.gather [hbm4b:s6+s2], $0x400, $0x38;
	[tilespmem:$0x8E28] =	vst v63  }
0x41: {  	_ =	swait.ge [sflag:s9], $0x400  }
0x42: {  	[sflag:s9] =	ssyncset.done $0x0  }
0x43: {  	s30 =	simm.s32 $0x8C00;
	[sflag:s9] =	ssyncadd.s32 $0xFFFFFC00  }
0x44: {  	[tilespmem:s30], [sflag:$0x2] =	stream.linear.gather [hbm4b:s3+s2], $0x28, $0x38;
	[tilespmem:$0x8E28] =	vst v63  }
0x45: {  	_ =	swait.ge [sflag:s9], $0x28  }
0x46: {  	v3 =	vld [tilespmem:$0x1FC40];
	_ =	sdelay $0x3  }
0x47: {  	[sflag:s9] =	ssyncset.done $0x0  }
0x48: {  	[sflag:s9] =	ssyncadd.s32 $0xFFFFFFD8  }
0x49: {  	v2 =	vld.idx.msk [tilespmem:v1+s2+$0x0], $0xffff;
	_ =	sdelay $0x1  }
0x4a: {  	v3 =	vld.idx.msk [tilespmem:v3+s2+$0x0], $0xffff;
	_ =	sdelay $0x2  }
0x4b: {  	v2 =	vshll.u32 v2, $0x1  }
0x4c: {  	[tilespmem:$0x400] =	vst v2;
	v2 =	vor.u32 $0x1, v2  }
0x4d: {  	[tilespmem:$0x600] =	vst v2;
	v2 =	vshll.u32 v3, $0x1  }
0x4e: {  	[tilespmem:$0x800] =	vst v2;
	v2 =	vor.u32 $0x1, v2  }
0x4f: {  	[tilespmem:$0xA00] =	vst v2;
	v2 =	vld [tilespmem:$0x1FC50];
	_ =	sdelay $0x1  }
0x50: {  	v3 =	vld [tilespmem:$0x1FC60];
	_ =	sdelay $0x5  }
0x51: {  	v2 =	vld.idx.msk [tilespmem:v2+s2+$0x0], $0xffff;
	_ =	sdelay $0x1  }
0x52: {  	v3 =	vld.idx.msk [tilespmem:v3+s2+$0x0], $0xffff;
	_ =	sdelay $0x2  }
0x53: {  	v2 =	vshll.u32 v2, $0x1  }
0x54: {  	[tilespmem:$0x410] =	vst v2;
	v2 =	vor.u32 $0x1, v2  }
0x55: {  	[tilespmem:$0x610] =	vst v2;
	v2 =	vshll.u32 v3, $0x1  }
0x56: {  	[tilespmem:$0x810] =	vst v2;
	v2 =	vor.u32 $0x1, v2  }
0x57: {  	[tilespmem:$0xA10] =	vst v2;
	v2 =	vld [tilespmem:$0x1FC70];
	_ =	sdelay $0x1  }
0x58: {  	v3 =	vld [tilespmem:$0x1FC80];
	_ =	sdelay $0x5  }
0x59: {  	v2 =	vld.idx.msk [tilespmem:v2+s2+$0x0], $0xffff;
	_ =	sdelay $0x1  }
0x5a: {  	v3 =	vld.idx.msk [tilespmem:v3+s2+$0x0], $0xffff;
	_ =	sdelay $0x2  }
0x5b: {  	v2 =	vshll.u32 v2, $0x1  }
0x5c: {  	[tilespmem:$0x420] =	vst v2;
	v2 =	vor.u32 $0x1, v2  }
0x5d: {  	[tilespmem:$0x620] =	vst v2;
	v2 =	vshll.u32 v3, $0x1  }
0x5e: {  	[tilespmem:$0x820] =	vst v2;
	v2 =	vor.u32 $0x1, v2  }
0x5f: {  	[tilespmem:$0xA20] =	vst v2;
	v2 =	vld [tilespmem:$0x1FC90];
	_ =	sdelay $0x1  }
0x60: {  	v3 =	vld [tilespmem:$0x1FCA0];
	_ =	sdelay $0x5  }
0x61: {  	v2 =	vld.idx.msk [tilespmem:v2+s2+$0x0], $0xffff;
	_ =	sdelay $0x1  }
0x62: {  	v3 =	vld.idx.msk [tilespmem:v3+s2+$0x0], $0xffff;
	_ =	sdelay $0x2  }
0x63: {  	v2 =	vshll.u32 v2, $0x1  }
0x64: {  	[tilespmem:$0x430] =	vst v2;
	v2 =	vor.u32 $0x1, v2  }
0x65: {  	[tilespmem:$0x630] =	vst v2;
	v2 =	vshll.u32 v3, $0x1  }
0x66: {  	[tilespmem:$0x830] =	vst v2;
	v2 =	vor.u32 $0x1, v2  }
0x67: {  	[tilespmem:$0xA30] =	vst v2;
	v2 =	vld [tilespmem:$0x1FCB0];
	_ =	sdelay $0x1  }
0x68: {  	v3 =	vld [tilespmem:$0x1FCC0];
	_ =	sdelay $0x5  }
0x69: {  	v2 =	vld.idx.msk [tilespmem:v2+s2+$0x0], $0xffff;
	_ =	sdelay $0x1  }
0x6a: {  	v3 =	vld.idx.msk [tilespmem:v3+s2+$0x0], $0xffff;
	_ =	sdelay $0x2  }
0x6b: {  	v2 =	vshll.u32 v2, $0x1  }
0x6c: {  	[tilespmem:$0x440] =	vst v2;
	v2 =	vor.u32 $0x1, v2  }
0x6d: {  	[tilespmem:$0x640] =	vst v2;
	v2 =	vshll.u32 v3, $0x1  }
0x6e: {  	[tilespmem:$0x840] =	vst v2;
	v2 =	vor.u32 $0x1, v2  }
0x6f: {  	[tilespmem:$0xA40] =	vst v2;
	v2 =	vld [tilespmem:$0x1FCD0];
	_ =	sdelay $0x1  }
0x70: {  	v3 =	vld [tilespmem:$0x1FCE0];
	_ =	sdelay $0x5  }
0x71: {  	v2 =	vld.idx.msk [tilespmem:v2+s2+$0x0], $0xffff;
	_ =	sdelay $0x1  }
0x72: {  	v3 =	vld.idx.msk [tilespmem:v3+s2+$0x0], $0xffff;
	_ =	sdelay $0x2  }
0x73: {  	v2 =	vshll.u32 v2, $0x1  }
0x74: {  	[tilespmem:$0x450] =	vst v2;
	v2 =	vor.u32 $0x1, v2  }
0x75: {  	[tilespmem:$0x650] =	vst v2;
	v2 =	vshll.u32 v3, $0x1  }
0x76: {  	[tilespmem:$0x850] =	vst v2;
	v2 =	vor.u32 $0x1, v2  }
0x77: {  	[tilespmem:$0xA50] =	vst v2;
	v2 =	vld [tilespmem:$0x1FCF0];
	_ =	sdelay $0x1  }
0x78: {  	v3 =	vld [tilespmem:$0x1FD00];
	_ =	sdelay $0x5  }
0x79: {  	v2 =	vld.idx.msk [tilespmem:v2+s2+$0x0], $0xffff;
	_ =	sdelay $0x1  }
0x7a: {  	v3 =	vld.idx.msk [tilespmem:v3+s2+$0x0], $0xffff;
	_ =	sdelay $0x2  }
0x7b: {  	v2 =	vshll.u32 v2, $0x1  }
0x7c: {  	[tilespmem:$0x460] =	vst v2;
	v2 =	vor.u32 $0x1, v2  }
0x7d: {  	[tilespmem:$0x660] =	vst v2;
	v2 =	vshll.u32 v3, $0x1  }
0x7e: {  	[tilespmem:$0x860] =	vst v2;
	v2 =	vor.u32 $0x1, v2  }
0x7f: {  	[tilespmem:$0xA60] =	vst v2;
	v2 =	vld [tilespmem:$0x1FD10];
	_ =	sdelay $0x1  }
0x80: {  	v3 =	vld [tilespmem:$0x1FD20];
	_ =	sdelay $0x5  }
0x81: {  	v2 =	vld.idx.msk [tilespmem:v2+s2+$0x0], $0xffff;
	_ =	sdelay $0x1  }
0x82: {  	v3 =	vld.idx.msk [tilespmem:v3+s2+$0x0], $0xffff;
	_ =	sdelay $0x2  }
0x83: {  	v2 =	vshll.u32 v2, $0x1  }
0x84: {  	[tilespmem:$0x470] =	vst v2;
	v2 =	vor.u32 $0x1, v2  }
0x85: {  	[tilespmem:$0x670] =	vst v2;
	v2 =	vshll.u32 v3, $0x1  }
0x86: {  	[tilespmem:$0x870] =	vst v2;
	v2 =	vor.u32 $0x1, v2  }
0x87: {  	[tilespmem:$0xA70] =	vst v2;
	v2 =	vld [tilespmem:$0x1FD30];
	_ =	sdelay $0x1  }
0x88: {  	v3 =	vld [tilespmem:$0x1FD40];
	_ =	sdelay $0x5  }
0x89: {  	v2 =	vld.idx.msk [tilespmem:v2+s2+$0x0], $0xffff;
	_ =	sdelay $0x1  }
0x8a: {  	v3 =	vld.idx.msk [tilespmem:v3+s2+$0x0], $0xffff;
	_ =	sdelay $0x2  }
0x8b: {  	v2 =	vshll.u32 v2, $0x1  }
0x8c: {  	[tilespmem:$0x480] =	vst v2;
	v2 =	vor.u32 $0x1, v2  }
0x8d: {  	[tilespmem:$0x680] =	vst v2;
	v2 =	vshll.u32 v3, $0x1  }
0x8e: {  	[tilespmem:$0x880] =	vst v2;
	v2 =	vor.u32 $0x1, v2  }
0x8f: {  	[tilespmem:$0xA80] =	vst v2;
	v2 =	vld [tilespmem:$0x1FD50];
	_ =	sdelay $0x1  }
0x90: {  	v3 =	vld [tilespmem:$0x1FD60];
	_ =	sdelay $0x5  }
0x91: {  	v2 =	vld.idx.msk [tilespmem:v2+s2+$0x0], $0xffff;
	_ =	sdelay $0x1  }
0x92: {  	v3 =	vld.idx.msk [tilespmem:v3+s2+$0x0], $0xffff;
	_ =	sdelay $0x2  }
0x93: {  	v2 =	vshll.u32 v2, $0x1  }
0x94: {  	[tilespmem:$0x490] =	vst v2;
	v2 =	vor.u32 $0x1, v2  }
0x95: {  	[tilespmem:$0x690] =	vst v2;
	v2 =	vshll.u32 v3, $0x1  }
0x96: {  	[tilespmem:$0x890] =	vst v2;
	v2 =	vor.u32 $0x1, v2  }
0x97: {  	[tilespmem:$0xA90] =	vst v2;
	v2 =	vld [tilespmem:$0x1FD70];
	_ =	sdelay $0x1  }
0x98: {  	v3 =	vld [tilespmem:$0x1FD80];
	_ =	sdelay $0x5  }
0x99: {  	v2 =	vld.idx.msk [tilespmem:v2+s2+$0x0], $0xffff;
	_ =	sdelay $0x1  }
0x9a: {  	v3 =	vld.idx.msk [tilespmem:v3+s2+$0x0], $0xffff;
	_ =	sdelay $0x2  }
0x9b: {  	v2 =	vshll.u32 v2, $0x1  }
0x9c: {  	[tilespmem:$0x4A0] =	vst v2;
	v2 =	vor.u32 $0x1, v2  }
0x9d: {  	[tilespmem:$0x6A0] =	vst v2;
	v2 =	vshll.u32 v3, $0x1  }
0x9e: {  	[tilespmem:$0x8A0] =	vst v2;
	v2 =	vor.u32 $0x1, v2  }
0x9f: {  	[tilespmem:$0xAA0] =	vst v2;
	v2 =	vld [tilespmem:$0x1FD90];
	_ =	sdelay $0x1  }
0xa0: {  	v3 =	vld [tilespmem:$0x1FDA0];
	_ =	sdelay $0x5  }
0xa1: {  	v2 =	vld.idx.msk [tilespmem:v2+s2+$0x0], $0xffff;
	_ =	sdelay $0x1  }
0xa2: {  	v3 =	vld.idx.msk [tilespmem:v3+s2+$0x0], $0xffff;
	_ =	sdelay $0x2  }
0xa3: {  	v2 =	vshll.u32 v2, $0x1  }
0xa4: {  	[tilespmem:$0x4B0] =	vst v2;
	v2 =	vor.u32 $0x1, v2  }
0xa5: {  	[tilespmem:$0x6B0] =	vst v2;
	v2 =	vshll.u32 v3, $0x1  }
0xa6: {  	[tilespmem:$0x8B0] =	vst v2;
	v2 =	vor.u32 $0x1, v2  }
0xa7: {  	[tilespmem:$0xAB0] =	vst v2;
	v2 =	vld [tilespmem:$0x1FDB0];
	_ =	sdelay $0x1  }
0xa8: {  	v3 =	vld [tilespmem:$0x1FDC0];
	_ =	sdelay $0x5  }
0xa9: {  	v2 =	vld.idx.msk [tilespmem:v2+s2+$0x0], $0xffff;
	_ =	sdelay $0x1  }
0xaa: {  	v3 =	vld.idx.msk [tilespmem:v3+s2+$0x0], $0xffff;
	_ =	sdelay $0x2  }
0xab: {  	v2 =	vshll.u32 v2, $0x1  }
0xac: {  	[tilespmem:$0x4C0] =	vst v2;
	v2 =	vor.u32 $0x1, v2  }
0xad: {  	[tilespmem:$0x6C0] =	vst v2;
	v2 =	vshll.u32 v3, $0x1  }
0xae: {  	[tilespmem:$0x8C0] =	vst v2;
	v2 =	vor.u32 $0x1, v2  }
0xaf: {  	[tilespmem:$0xAC0] =	vst v2;
	v2 =	vld [tilespmem:$0x1FDD0];
	_ =	sdelay $0x1  }
0xb0: {  	v3 =	vld [tilespmem:$0x1FDE0];
	_ =	sdelay $0x5  }
0xb1: {  	v2 =	vld.idx.msk [tilespmem:v2+s2+$0x0], $0xffff;
	_ =	sdelay $0x1  }
0xb2: {  	v3 =	vld.idx.msk [tilespmem:v3+s2+$0x0], $0xffff;
	_ =	sdelay $0x2  }
0xb3: {  	v2 =	vshll.u32 v2, $0x1  }
0xb4: {  	[tilespmem:$0x4D0] =	vst v2;
	v2 =	vor.u32 $0x1, v2  }
0xb5: {  	[tilespmem:$0x6D0] =	vst v2;
	v2 =	vshll.u32 v3, $0x1  }
0xb6: {  	[tilespmem:$0x8D0] =	vst v2;
	v2 =	vor.u32 $0x1, v2  }
0xb7: {  	[tilespmem:$0xAD0] =	vst v2;
	v2 =	vld [tilespmem:$0x1FDF0];
	_ =	sdelay $0x1  }
0xb8: {  	v3 =	vld [tilespmem:$0x1FE00];
	_ =	sdelay $0x5  }
0xb9: {  	v2 =	vld.idx.msk [tilespmem:v2+s2+$0x0], $0xffff;
	_ =	sdelay $0x1  }
0xba: {  	v3 =	vld.idx.msk [tilespmem:v3+s2+$0x0], $0xffff;
	_ =	sdelay $0x2  }
0xbb: {  	v2 =	vshll.u32 v2, $0x1  }
0xbc: {  	[tilespmem:$0x4E0] =	vst v2;
	v2 =	vor.u32 $0x1, v2  }
0xbd: {  	[tilespmem:$0x6E0] =	vst v2;
	v2 =	vshll.u32 v3, $0x1  }
0xbe: {  	[tilespmem:$0x8E0] =	vst v2;
	v2 =	vor.u32 $0x1, v2  }
0xbf: {  	[tilespmem:$0xAE0] =	vst v2;
	v2 =	vld [tilespmem:$0x1FE10];
	_ =	sdelay $0x1  }
0xc0: {  	v3 =	vld [tilespmem:$0x1FE20];
	_ =	sdelay $0x5  }
0xc1: {  	v2 =	vld.idx.msk [tilespmem:v2+s2+$0x0], $0xffff;
	_ =	sdelay $0x1  }
0xc2: {  	v3 =	vld.idx.msk [tilespmem:v3+s2+$0x0], $0xffff;
	_ =	sdelay $0x2  }
0xc3: {  	v2 =	vshll.u32 v2, $0x1  }
0xc4: {  	[tilespmem:$0x4F0] =	vst v2;
	v2 =	vor.u32 $0x1, v2  }
0xc5: {  	[tilespmem:$0x6F0] =	vst v2;
	v2 =	vshll.u32 v3, $0x1  }
0xc6: {  	[tilespmem:$0x8F0] =	vst v2;
	v2 =	vor.u32 $0x1, v2  }
0xc7: {  	[tilespmem:$0xAF0] =	vst v2;
	v2 =	vld [tilespmem:$0x1FE30];
	_ =	sdelay $0x1  }
0xc8: {  	v3 =	vld [tilespmem:$0x1FE40];
	_ =	sdelay $0x5  }
0xc9: {  	v2 =	vld.idx.msk [tilespmem:v2+s2+$0x0], $0xffff;
	_ =	sdelay $0x1  }
0xca: {  	v3 =	vld.idx.msk [tilespmem:v3+s2+$0x0], $0xffff;
	_ =	sdelay $0x2  }
0xcb: {  	v2 =	vshll.u32 v2, $0x1  }
0xcc: {  	[tilespmem:$0x500] =	vst v2;
	v2 =	vor.u32 $0x1, v2  }
0xcd: {  	[tilespmem:$0x700] =	vst v2;
	v2 =	vshll.u32 v3, $0x1  }
0xce: {  	[tilespmem:$0x900] =	vst v2;
	v2 =	vor.u32 $0x1, v2  }
0xcf: {  	[tilespmem:$0xB00] =	vst v2;
	v2 =	vld [tilespmem:$0x1FE50];
	_ =	sdelay $0x1  }
0xd0: {  	v3 =	vld [tilespmem:$0x1FE60];
	_ =	sdelay $0x5  }
0xd1: {  	v2 =	vld.idx.msk [tilespmem:v2+s2+$0x0], $0xffff;
	_ =	sdelay $0x1  }
0xd2: {  	v3 =	vld.idx.msk [tilespmem:v3+s2+$0x0], $0xffff;
	_ =	sdelay $0x2  }
0xd3: {  	v2 =	vshll.u32 v2, $0x1  }
0xd4: {  	[tilespmem:$0x510] =	vst v2;
	v2 =	vor.u32 $0x1, v2  }
0xd5: {  	[tilespmem:$0x710] =	vst v2;
	v2 =	vshll.u32 v3, $0x1  }
0xd6: {  	[tilespmem:$0x910] =	vst v2;
	v2 =	vor.u32 $0x1, v2  }
0xd7: {  	[tilespmem:$0xB10] =	vst v2;
	v2 =	vld [tilespmem:$0x1FE70];
	_ =	sdelay $0x1  }
0xd8: {  	v3 =	vld [tilespmem:$0x1FE80];
	_ =	sdelay $0x5  }
0xd9: {  	v2 =	vld.idx.msk [tilespmem:v2+s2+$0x0], $0xffff;
	_ =	sdelay $0x1  }
0xda: {  	v3 =	vld.idx.msk [tilespmem:v3+s2+$0x0], $0xffff;
	_ =	sdelay $0x2  }
0xdb: {  	v2 =	vshll.u32 v2, $0x1  }
0xdc: {  	[tilespmem:$0x520] =	vst v2;
	v2 =	vor.u32 $0x1, v2  }
0xdd: {  	[tilespmem:$0x720] =	vst v2;
	v2 =	vshll.u32 v3, $0x1  }
0xde: {  	[tilespmem:$0x920] =	vst v2;
	v2 =	vor.u32 $0x1, v2  }
0xdf: {  	[tilespmem:$0xB20] =	vst v2;
	v2 =	vld [tilespmem:$0x1FE90];
	_ =	sdelay $0x1  }
0xe0: {  	v3 =	vld [tilespmem:$0x1FEA0];
	_ =	sdelay $0x5  }
0xe1: {  	v2 =	vld.idx.msk [tilespmem:v2+s2+$0x0], $0xffff;
	_ =	sdelay $0x1  }
0xe2: {  	v3 =	vld.idx.msk [tilespmem:v3+s2+$0x0], $0xffff;
	_ =	sdelay $0x2  }
0xe3: {  	v2 =	vshll.u32 v2, $0x1  }
0xe4: {  	[tilespmem:$0x530] =	vst v2;
	v2 =	vor.u32 $0x1, v2  }
0xe5: {  	[tilespmem:$0x730] =	vst v2;
	v2 =	vshll.u32 v3, $0x1  }
0xe6: {  	[tilespmem:$0x930] =	vst v2;
	v2 =	vor.u32 $0x1, v2  }
0xe7: {  	[tilespmem:$0xB30] =	vst v2;
	v2 =	vld [tilespmem:$0x1FEB0];
	_ =	sdelay $0x1  }
0xe8: {  	v3 =	vld [tilespmem:$0x1FEC0];
	_ =	sdelay $0x5  }
0xe9: {  	v2 =	vld.idx.msk [tilespmem:v2+s2+$0x0], $0xffff;
	_ =	sdelay $0x1  }
0xea: {  	v3 =	vld.idx.msk [tilespmem:v3+s2+$0x0], $0xffff;
	_ =	sdelay $0x2  }
0xeb: {  	v2 =	vshll.u32 v2, $0x1  }
0xec: {  	[tilespmem:$0x540] =	vst v2;
	v2 =	vor.u32 $0x1, v2  }
0xed: {  	[tilespmem:$0x740] =	vst v2;
	v2 =	vshll.u32 v3, $0x1  }
0xee: {  	[tilespmem:$0x940] =	vst v2;
	v2 =	vor.u32 $0x1, v2  }
0xef: {  	[tilespmem:$0xB40] =	vst v2;
	v2 =	vld [tilespmem:$0x1FED0];
	_ =	sdelay $0x1  }
0xf0: {  	v3 =	vld [tilespmem:$0x1FEE0];
	_ =	sdelay $0x5  }
0xf1: {  	v2 =	vld.idx.msk [tilespmem:v2+s2+$0x0], $0xffff;
	_ =	sdelay $0x1  }
0xf2: {  	v3 =	vld.idx.msk [tilespmem:v3+s2+$0x0], $0xffff;
	_ =	sdelay $0x2  }
0xf3: {  	v2 =	vshll.u32 v2, $0x1  }
0xf4: {  	[tilespmem:$0x550] =	vst v2;
	v2 =	vor.u32 $0x1, v2  }
0xf5: {  	[tilespmem:$0x750] =	vst v2;
	v2 =	vshll.u32 v3, $0x1  }
0xf6: {  	[tilespmem:$0x950] =	vst v2;
	v2 =	vor.u32 $0x1, v2  }
0xf7: {  	[tilespmem:$0xB50] =	vst v2;
	v2 =	vld [tilespmem:$0x1FEF0];
	_ =	sdelay $0x1  }
0xf8: {  	v3 =	vld [tilespmem:$0x1FF00];
	_ =	sdelay $0x5  }
0xf9: {  	v2 =	vld.idx.msk [tilespmem:v2+s2+$0x0], $0xffff;
	_ =	sdelay $0x1  }
0xfa: {  	v3 =	vld.idx.msk [tilespmem:v3+s2+$0x0], $0xffff;
	_ =	sdelay $0x2  }
0xfb: {  	v2 =	vshll.u32 v2, $0x1  }
0xfc: {  	[tilespmem:$0x560] =	vst v2;
	v2 =	vor.u32 $0x1, v2  }
0xfd: {  	[tilespmem:$0x760] =	vst v2;
	v2 =	vshll.u32 v3, $0x1  }
0xfe: {  	[tilespmem:$0x960] =	vst v2;
	v2 =	vor.u32 $0x1, v2  }
0xff: {  	[tilespmem:$0xB60] =	vst v2;
	v2 =	vld [tilespmem:$0x1FF10];
	_ =	sdelay $0x1  }
0x100: {  	v3 =	vld [tilespmem:$0x1FF20];
	_ =	sdelay $0x5  }
0x101: {  	v2 =	vld.idx.msk [tilespmem:v2+s2+$0x0], $0xffff;
	_ =	sdelay $0x1  }
0x102: {  	v3 =	vld.idx.msk [tilespmem:v3+s2+$0x0], $0xffff;
	_ =	sdelay $0x2  }
0x103: {  	v2 =	vshll.u32 v2, $0x1  }
0x104: {  	[tilespmem:$0x570] =	vst v2;
	v2 =	vor.u32 $0x1, v2  }
0x105: {  	[tilespmem:$0x770] =	vst v2;
	v2 =	vshll.u32 v3, $0x1  }
0x106: {  	[tilespmem:$0x970] =	vst v2;
	v2 =	vor.u32 $0x1, v2  }
0x107: {  	[tilespmem:$0xB70] =	vst v2;
	v2 =	vld [tilespmem:$0x1FF30];
	_ =	sdelay $0x1  }
0x108: {  	v3 =	vld [tilespmem:$0x1FF40];
	_ =	sdelay $0x5  }
0x109: {  	v2 =	vld.idx.msk [tilespmem:v2+s2+$0x0], $0xffff;
	_ =	sdelay $0x1  }
0x10a: {  	v3 =	vld.idx.msk [tilespmem:v3+s2+$0x0], $0xffff;
	_ =	sdelay $0x2  }
0x10b: {  	v2 =	vshll.u32 v2, $0x1  }
0x10c: {  	[tilespmem:$0x580] =	vst v2;
	v2 =	vor.u32 $0x1, v2  }
0x10d: {  	[tilespmem:$0x780] =	vst v2;
	v2 =	vshll.u32 v3, $0x1  }
0x10e: {  	[tilespmem:$0x980] =	vst v2;
	v2 =	vor.u32 $0x1, v2  }
0x10f: {  	[tilespmem:$0xB80] =	vst v2;
	v2 =	vld [tilespmem:$0x1FF50];
	_ =	sdelay $0x1  }
0x110: {  	v3 =	vld [tilespmem:$0x1FF60];
	_ =	sdelay $0x5  }
0x111: {  	v2 =	vld.idx.msk [tilespmem:v2+s2+$0x0], $0xffff;
	_ =	sdelay $0x1  }
0x112: {  	v3 =	vld.idx.msk [tilespmem:v3+s2+$0x0], $0xffff;
	_ =	sdelay $0x2  }
0x113: {  	v2 =	vshll.u32 v2, $0x1  }
0x114: {  	[tilespmem:$0x590] =	vst v2;
	v2 =	vor.u32 $0x1, v2  }
0x115: {  	[tilespmem:$0x790] =	vst v2;
	v2 =	vshll.u32 v3, $0x1  }
0x116: {  	[tilespmem:$0x990] =	vst v2;
	v2 =	vor.u32 $0x1, v2  }
0x117: {  	[tilespmem:$0xB90] =	vst v2;
	v2 =	vld [tilespmem:$0x1FF70];
	_ =	sdelay $0x1  }
0x118: {  	v3 =	vld [tilespmem:$0x1FF80];
	_ =	sdelay $0x5  }
0x119: {  	v2 =	vld.idx.msk [tilespmem:v2+s2+$0x0], $0xffff;
	_ =	sdelay $0x1  }
0x11a: {  	v3 =	vld.idx.msk [tilespmem:v3+s2+$0x0], $0xffff;
	_ =	sdelay $0x2  }
0x11b: {  	v2 =	vshll.u32 v2, $0x1  }
0x11c: {  	[tilespmem:$0x5A0] =	vst v2;
	v2 =	vor.u32 $0x1, v2  }
0x11d: {  	[tilespmem:$0x7A0] =	vst v2;
	v2 =	vshll.u32 v3, $0x1  }
0x11e: {  	[tilespmem:$0x9A0] =	vst v2;
	v2 =	vor.u32 $0x1, v2  }
0x11f: {  	[tilespmem:$0xBA0] =	vst v2;
	v2 =	vld [tilespmem:$0x1FF90];
	_ =	sdelay $0x1  }
0x120: {  	v3 =	vld [tilespmem:$0x1FFA0];
	_ =	sdelay $0x5  }
0x121: {  	v2 =	vld.idx.msk [tilespmem:v2+s2+$0x0], $0xffff;
	_ =	sdelay $0x1  }
0x122: {  	v3 =	vld.idx.msk [tilespmem:v3+s2+$0x0], $0xffff;
	_ =	sdelay $0x2  }
0x123: {  	v2 =	vshll.u32 v2, $0x1  }
0x124: {  	[tilespmem:$0x5B0] =	vst v2;
	v2 =	vor.u32 $0x1, v2  }
0x125: {  	[tilespmem:$0x7B0] =	vst v2;
	v2 =	vshll.u32 v3, $0x1  }
0x126: {  	[tilespmem:$0x9B0] =	vst v2;
	v2 =	vor.u32 $0x1, v2  }
0x127: {  	[tilespmem:$0xBB0] =	vst v2;
	v2 =	vld [tilespmem:$0x1FFB0];
	_ =	sdelay $0x1  }
0x128: {  	v3 =	vld [tilespmem:$0x1FFC0];
	_ =	sdelay $0x5  }
0x129: {  	v2 =	vld.idx.msk [tilespmem:v2+s2+$0x0], $0xffff;
	_ =	sdelay $0x1  }
0x12a: {  	v3 =	vld.idx.msk [tilespmem:v3+s2+$0x0], $0xffff;
	_ =	sdelay $0x2  }
0x12b: {  	v2 =	vshll.u32 v2, $0x1  }
0x12c: {  	[tilespmem:$0x5C0] =	vst v2;
	v2 =	vor.u32 $0x1, v2  }
0x12d: {  	[tilespmem:$0x7C0] =	vst v2;
	v2 =	vshll.u32 v3, $0x1  }
0x12e: {  	[tilespmem:$0x9C0] =	vst v2;
	v2 =	vor.u32 $0x1, v2  }
0x12f: {  	[tilespmem:$0xBC0] =	vst v2;
	v2 =	vld [tilespmem:$0x1FFD0];
	_ =	sdelay $0x1  }
0x130: {  	v3 =	vld [tilespmem:$0x1FFE0];
	_ =	sdelay $0x5  }
0x131: {  	v2 =	vld.idx.msk [tilespmem:v2+s2+$0x0], $0xffff;
	_ =	sdelay $0x1  }
0x132: {  	v3 =	vld.idx.msk [tilespmem:v3+s2+$0x0], $0xffff;
	_ =	sdelay $0x2  }
0x133: {  	v2 =	vshll.u32 v2, $0x1  }
0x134: {  	[tilespmem:$0x5D0] =	vst v2;
	v2 =	vor.u32 $0x1, v2  }
0x135: {  	[tilespmem:$0x7D0] =	vst v2;
	v2 =	vshll.u32 v3, $0x1  }
0x136: {  	[tilespmem:$0x9D0] =	vst v2;
	v2 =	vor.u32 $0x1, v2  }
0x137: {  	[tilespmem:$0xBD0] =	vst v2;
	v2 =	vld [tilespmem:$0x1FFF0];
	_ =	sdelay $0x7  }
0x138: {  	v2 =	vld.idx.msk [tilespmem:v2+s2+$0x0], $0xffff;
	_ =	sdelay $0x1  }
0x139: {  	v3 =	vld.idx.msk [tilespmem:v62+s2+$0x0], $0xffff;
	_ =	sdelay $0x2  }
0x13a: {  	v2 =	vshll.u32 v2, $0x1  }
0x13b: {  	[tilespmem:$0x5E0] =	vst v2;
	v2 =	vor.u32 $0x1, v2  }
0x13c: {  	[tilespmem:$0x7E0] =	vst v2;
	v2 =	vshll.u32 v3, $0x1  }
0x13d: {  	[tilespmem:$0x9E0] =	vst v2;
	v2 =	vor.u32 $0x1, v2  }
0x13e: {  	[tilespmem:$0xBE0] =	vst v2  }
0x13f: {  	v2 =	vld.idx.msk [tilespmem:v63+s2+$0x0], $0xffff;
	_ =	sdelay $0x1  }
0x140: {  	v3 =	vld.idx.msk [tilespmem:v0+s2+$0x0], $0xffff;
	_ =	sdelay $0x2  }
0x141: {  	v2 =	vshll.u32 v2, $0x1  }
0x142: {  	[tilespmem:$0x5F0] =	vst v2;
	v2 =	vor.u32 $0x1, v2  }
0x143: {  	[tilespmem:$0x7F0] =	vst v2;
	v2 =	vshll.u32 v3, $0x1  }
0x144: {  	[tilespmem:$0x9F0] =	vst v2;
	v2 =	vor.u32 $0x1, v2  }
0x145: {  	s30 =	simm.s32 $0x400;
	[tilespmem:$0xBF0] =	vst v2  }
0x146: {  	[tilespmem:s13], [sflag:$0x1] =	stream.indirect.gather [hbm4b:s4+s11], $0x10, s30, s11, $0xb8;
	[tilespmem:$0x8E28] =	vst v63  }
0x147: {  	s30 =	simm.s32 $0x600  }
0x148: {  	[tilespmem:s15], [sflag:$0x1] =	stream.indirect.gather [hbm4b:s4+s11], $0x10, s30, s11, $0xb8;
	[tilespmem:$0x8E28] =	vst v63  }
0x149: {  	s30 =	simm.s32 $0x800  }
0x14a: {  	[tilespmem:s17], [sflag:$0x1] =	stream.indirect.gather [hbm4b:s5+s11], $0x10, s30, s11, $0xb8;
	[tilespmem:$0x8E28] =	vst v63  }
0x14b: {  	s30 =	simm.s32 $0xA00  }
0x14c: {  	[tilespmem:s19], [sflag:$0x1] =	stream.indirect.gather [hbm4b:s5+s11], $0x10, s30, s11, $0xb8;
	[tilespmem:$0x8E28] =	vst v63  }
0x14d: {  	s31 =	simm.s32 $0x1400;
	s30 =	simm.s32 $0x480  }
0x14e: {  	[tilespmem:s31], [sflag:$0x1] =	stream.indirect.gather [hbm4b:s4+s11], $0x10, s30, s11, $0xb8;
	[tilespmem:$0x8E28] =	vst v63  }
0x14f: {  	s30 =	simm.s32 $0x680;
	s31 =	simm.s32 $0x3400  }
0x150: {  	[tilespmem:s31], [sflag:$0x1] =	stream.indirect.gather [hbm4b:s4+s11], $0x10, s30, s11, $0xb8;
	[tilespmem:$0x8E28] =	vst v63  }
0x151: {  	s30 =	simm.s32 $0x880;
	s31 =	simm.s32 $0x5400  }
0x152: {  	[tilespmem:s31], [sflag:$0x1] =	stream.indirect.gather [hbm4b:s5+s11], $0x10, s30, s11, $0xb8;
	[tilespmem:$0x8E28] =	vst v63  }
0x153: {  	s30 =	simm.s32 $0xA80;
	s31 =	simm.s32 $0x7400  }
0x154: {  	[tilespmem:s31], [sflag:$0x1] =	stream.indirect.gather [hbm4b:s5+s11], $0x10, s30, s11, $0xb8;
	[tilespmem:$0x8E28] =	vst v63  }
0x155: {  	s30 =	simm.s32 $0x500;
	s31 =	simm.s32 $0x1C00  }
0x156: {  	[tilespmem:s31], [sflag:$0x1] =	stream.indirect.gather [hbm4b:s4+s11], $0x10, s30, s11, $0xb8;
	[tilespmem:$0x8E28] =	vst v63  }
0x157: {  	s30 =	simm.s32 $0x700  }
0x158: {  	[tilespmem:s1], [sflag:$0x1] =	stream.indirect.gather [hbm4b:s4+s11], $0x10, s30, s11, $0xb8;
	[tilespmem:$0x8E28] =	vst v63  }
0x159: {  	_ = 	snop  }
0x15a: {  	[tilespmem:s10], [sflag:$0x1] =	stream.indirect.gather [hbm4b:s5+s11], $0x10, s0, s11, $0xb8;
	[tilespmem:$0x8E28] =	vst v63  }
0x15b: {  	_ = 	snop  }
0x15c: {  	[tilespmem:s14], [sflag:$0x1] =	stream.indirect.gather [hbm4b:s5+s11], $0x10, s12, s11, $0xb8;
	[tilespmem:$0x8E28] =	vst v63  }
0x15d: {  	_ = 	snop  }
0x15e: {  	[tilespmem:s18], [sflag:$0x1] =	stream.indirect.gather [hbm4b:s4+s11], $0x10, s16, s11, $0xb8;
	[tilespmem:$0x8E28] =	vst v63  }
0x15f: {  	_ = 	snop  }
0x160: {  	[tilespmem:s21], [sflag:$0x1] =	stream.indirect.gather [hbm4b:s4+s11], $0x10, s20, s11, $0xb8;
	[tilespmem:$0x8E28] =	vst v63  }
0x161: {  	_ = 	snop  }
0x162: {  	[tilespmem:s23], [sflag:$0x1] =	stream.indirect.gather [hbm4b:s5+s11], $0x10, s22, s11, $0xb8;
	[tilespmem:$0x8E28] =	vst v63  }
0x163: {  	_ = 	snop  }
0x164: {  	[tilespmem:s25], [sflag:$0x1] =	stream.indirect.gather [hbm4b:s5+s11], $0x10, s24, s11, $0xb8;
	[tilespmem:$0x8E28] =	vst v63  }
0x165: {  	_ =	swait.ge [sflag:s26], $0x800  }
0x166: {  	[sflag:s26] =	ssyncset.done $0x0  }
0x167: {  	[sflag:s26] =	ssyncadd.s32 $0xFFFFF800  }
0x168: {  	_ =	swait.ge [sflag:s26], $0x800  }
0x169: {  	[sflag:s26] =	ssyncset.done $0x0  }
0x16a: {  	[sflag:s26] =	ssyncadd.s32 $0xFFFFF800  }
0x16b: {  	_ =	swait.ge [sflag:s26], $0x800  }
0x16c: {  	[sflag:s26] =	ssyncset.done $0x0  }
0x16d: {  	[sflag:s26] =	ssyncadd.s32 $0xFFFFF800  }
0x16e: {  	_ =	swait.ge [sflag:s26], $0x800  }
0x16f: {  	[sflag:s26] =	ssyncset.done $0x0  }
0x170: {  	[sflag:s26] =	ssyncadd.s32 $0xFFFFF800  }
0x171: {  	_ =	swait.ge [sflag:s26], $0x800  }
0x172: {  	[sflag:s26] =	ssyncset.done $0x0  }
0x173: {  	[sflag:s26] =	ssyncadd.s32 $0xFFFFF800  }
0x174: {  	_ =	swait.ge [sflag:s26], $0x800  }
0x175: {  	[sflag:s26] =	ssyncset.done $0x0  }
0x176: {  	[sflag:s26] =	ssyncadd.s32 $0xFFFFF800  }
0x177: {  	_ =	swait.ge [sflag:s26], $0x800  }
0x178: {  	[sflag:s26] =	ssyncset.done $0x0  }
0x179: {  	[sflag:s26] =	ssyncadd.s32 $0xFFFFF800  }
0x17a: {  	_ =	swait.ge [sflag:s26], $0x800  }
0x17b: {  	[sflag:s26] =	ssyncset.done $0x0  }
0x17c: {  	[sflag:s26] =	ssyncadd.s32 $0xFFFFF800  }
0x17d: {  	_ =	swait.ge [sflag:s26], $0x800  }
0x17e: {  	[sflag:s26] =	ssyncset.done $0x0  }
0x17f: {  	[sflag:s26] =	ssyncadd.s32 $0xFFFFF800  }
0x180: {  	_ =	swait.ge [sflag:s26], $0x800  }
0x181: {  	[sflag:s26] =	ssyncset.done $0x0  }
0x182: {  	[sflag:s26] =	ssyncadd.s32 $0xFFFFF800  }
0x183: {  	_ =	swait.ge [sflag:s26], $0x800  }
0x184: {  	[sflag:s26] =	ssyncset.done $0x0  }
0x185: {  	[sflag:s26] =	ssyncadd.s32 $0xFFFFF800  }
0x186: {  	_ =	swait.ge [sflag:s26], $0x800  }
0x187: {  	[sflag:s26] =	ssyncset.done $0x0  }
0x188: {  	[sflag:s26] =	ssyncadd.s32 $0xFFFFF800  }
0x189: {  	_ =	swait.ge [sflag:s26], $0x800  }
0x18a: {  	[sflag:s26] =	ssyncset.done $0x0  }
0x18b: {  	[sflag:s26] =	ssyncadd.s32 $0xFFFFF800  }
0x18c: {  	_ =	swait.ge [sflag:s26], $0x800  }
0x18d: {  	[sflag:s26] =	ssyncset.done $0x0  }
0x18e: {  	[sflag:s26] =	ssyncadd.s32 $0xFFFFF800  }
0x18f: {  	v3 =	vlaneseq.u32;
	_ =	swait.ge [sflag:s26], $0x800  }
0x190: {  	v8 =	vmul.u32 $0x10, v3;
	v2 =	vmov s2;
	[sflag:s26] =	ssyncset.done $0x0  }
0x191: {  	v2 =	vshll.u32 v2, $0x4;
	[sflag:s26] =	ssyncadd.s32 $0xFFFFF800  }
0x192: {  	v18 =	vor.u32 v8, v2;
	_ =	swait.ge [sflag:s26], $0x800  }
0x193: {  	[sflag:s26] =	ssyncset.done $0x0  }
0x194: {  	v19 =	vor.u32 $0x1, v18;
	[sflag:s26] =	ssyncadd.s32 $0xFFFFF800  }
0x195: {  	v20 =	vld [tilespmem:$0x8C00]  }
0x196: {  	v21 =	vor.u32 $0x2, v18;
	v34 =	vld [tilespmem:$0x8C10]  }
0x197: {  	v2 =	vld.idx.msk [tilespmem:v18+s17+$0x0], $0xffff  }
0x198: {  	v22 =	vor.u32 $0x3, v18;
	v3 =	vld.idx.msk [tilespmem:v18+s13+$0x0], $0xffff  }
0x199: {  	v4 =	vld.idx.msk [tilespmem:v19+s13+$0x0], $0xffff  }
0x19a: {  	v23 =	vor.u32 $0x4, v18;
	v5 =	vld.idx.msk [tilespmem:v19+s17+$0x0], $0xffff  }
0x19b: {  	v7 =	vld.idx.msk [tilespmem:v21+s13+$0x0], $0xffff  }
0x19c: {  	v24 =	vor.u32 $0x5, v18;
	v9 =	vld.idx.msk [tilespmem:v21+s17+$0x0], $0xffff  }
0x19d: {  	v25 =	vor.u32 $0x6, v18;
	v10 =	vld.idx.msk [tilespmem:v22+s13+$0x0], $0xffff  }
0x19e: {  	v11 =	vld.idx.msk [tilespmem:v22+s17+$0x0], $0xffff;
	v6 =	vbroadcast v20, $0x0;
	v3 =	vmul.f32 v2, v3  }
0x19f: {  	v12 =	vld.idx.msk [tilespmem:v23+s13+$0x0], $0xffff;
	v2 =	vbroadcast v20, $0x1  }
0x1a0: {  	v26 =	vor.u32 $0x7, v18;
	v14 =	vld.idx.msk [tilespmem:v23+s17+$0x0], $0xffff;
	v4 =	vmul.f32 v5, v4;
	v13 =	vmul.f32 v3, v6  }
0x1a1: {  	v27 =	vor.u32 $0x8, v18;
	v15 =	vld.idx.msk [tilespmem:v24+s13+$0x0], $0xffff;
	v7 =	vmul.f32 v9, v7  }
0x1a2: {  	v16 =	vld.idx.msk [tilespmem:v25+s13+$0x0], $0xffff;
	v3 =	vbroadcast v20, $0x2;
	v5 =	vadd.f32 $0.0e+00, v13;
	v13 =	vmul.f32 v4, v2  }
0x1a3: {  	v28 =	vor.u32 $0x9, v18;
	v9 =	vld.idx.msk [tilespmem:v24+s17+$0x0], $0xffff;
	v10 =	vmul.f32 v11, v10  }
0x1a4: {  	v11 =	vld.idx.msk [tilespmem:v25+s17+$0x0], $0xffff;
	v4 =	vbroadcast v20, $0x3;
	v7 =	vmul.f32 v7, v3;
	v13 =	vadd.f32 v13, v5  }
0x1a5: {  	v29 =	vor.u32 $0xA, v18;
	v17 =	vld.idx.msk [tilespmem:v26+s13+$0x0], $0xffff;
	v12 =	vmul.f32 v14, v12  }
0x1a6: {  	v14 =	vld.idx.msk [tilespmem:v26+s17+$0x0], $0xffff;
	v5 =	vbroadcast v20, $0x4;
	v10 =	vmul.f32 v10, v4;
	v13 =	vadd.f32 v7, v13  }
0x1a7: {  	v31 =	vor.u32 $0xB, v18;
	v30 =	vld.idx.msk [tilespmem:v27+s13+$0x0], $0xffff;
	v7 =	vbroadcast v20, $0x5  }
0x1a8: {  	v32 =	vld.idx.msk [tilespmem:v28+s13+$0x0], $0xffff;
	v12 =	vmul.f32 v12, v5;
	v10 =	vadd.f32 v10, v13;
	v13 =	vmul.f32 v9, v15  }
0x1a9: {  	v33 =	vor.u32 $0xC, v18;
	v11 =	vmul.f32 v11, v16;
	v15 =	vld.idx.msk [tilespmem:v27+s17+$0x0], $0xffff  }
0x1aa: {  	v16 =	vld.idx.msk [tilespmem:v28+s17+$0x0], $0xffff;
	v9 =	vbroadcast v20, $0x6;
	v12 =	vadd.f32 v12, v10;
	v13 =	vmul.f32 v13, v7  }
0x1ab: {  	v36 =	vor.u32 $0xD, v18;
	v35 =	vld.idx.msk [tilespmem:v29+s13+$0x0], $0xffff;
	v14 =	vmul.f32 v14, v17  }
0x1ac: {  	v17 =	vld.idx.msk [tilespmem:v29+s17+$0x0], $0xffff;
	v10 =	vbroadcast v20, $0x7;
	v12 =	vadd.f32 v13, v12;
	v13 =	vmul.f32 v11, v9  }
0x1ad: {  	v38 =	vor.u32 $0xE, v18;
	v37 =	vld.idx.msk [tilespmem:v31+s13+$0x0], $0xffff;
	v11 =	vbroadcast v20, $0x8  }
0x1ae: {  	v39 =	vld.idx.msk [tilespmem:v33+s13+$0x0], $0xffff;
	v14 =	vmul.f32 v14, v10;
	v15 =	vmul.f32 v15, v30;
	v13 =	vadd.f32 v13, v12  }
0x1af: {  	v40 =	vor.u32 $0xF, v18;
	v16 =	vmul.f32 v16, v32;
	v30 =	vld.idx.msk [tilespmem:v31+s17+$0x0], $0xffff  }
0x1b0: {  	v50 =	vld.idx.msk [tilespmem:v33+s17+$0x0], $0xffff;
	v12 =	vbroadcast v20, $0x9;
	v15 =	vmul.f32 v15, v11;
	v14 =	vadd.f32 v14, v13  }
0x1b1: {  	v41 =	vld.idx.msk [tilespmem:v36+s13+$0x0], $0xffff;
	v17 =	vmul.f32 v17, v35  }
0x1b2: {  	v51 =	vld.idx.msk [tilespmem:v36+s17+$0x0], $0xffff;
	v13 =	vbroadcast v20, $0xA;
	v16 =	vmul.f32 v16, v12;
	v15 =	vadd.f32 v15, v14  }
0x1b3: {  	v42 =	vld.idx.msk [tilespmem:v38+s13+$0x0], $0xffff;
	v14 =	vbroadcast v20, $0xB  }
0x1b4: {  	v52 =	vld.idx.msk [tilespmem:v38+s17+$0x0], $0xffff;
	v17 =	vmul.f32 v17, v13;
	v30 =	vmul.f32 v30, v37;
	v16 =	vadd.f32 v16, v15  }
0x1b5: {  	v43 =	vld.idx.msk [tilespmem:v40+s13+$0x0], $0xffff;
	v32 =	vmul.f32 v50, v39  }
0x1b6: {  	v53 =	vld.idx.msk [tilespmem:v40+s17+$0x0], $0xffff;
	v15 =	vbroadcast v20, $0xC;
	v30 =	vmul.f32 v30, v14;
	v17 =	vadd.f32 v17, v16  }
0x1b7: {  	v44 =	vld.idx.msk [tilespmem:v18+s15+$0x0], $0xffff;
	v35 =	vmul.f32 v51, v41  }
0x1b8: {  	v54 =	vld.idx.msk [tilespmem:v18+s19+$0x0], $0xffff;
	v16 =	vbroadcast v20, $0xD;
	v32 =	vmul.f32 v32, v15;
	v30 =	vadd.f32 v30, v17  }
0x1b9: {  	v45 =	vld.idx.msk [tilespmem:v19+s15+$0x0], $0xffff;
	v56 =	vmul.f32 v52, v42  }
0x1ba: {  	v57 =	vld.idx.msk [tilespmem:v19+s19+$0x0], $0xffff;
	v17 =	vbroadcast v20, $0xE;
	v55 =	vmul.f32 v35, v16;
	v30 =	vadd.f32 v32, v30  }
0x1bb: {  	v58 =	vld.idx.msk [tilespmem:v21+s15+$0x0], $0xffff;
	v18 =	vbroadcast v20, $0xF  }
0x1bc: {  	v60 =	vld.idx.msk [tilespmem:v21+s19+$0x0], $0xffff;
	v59 =	vmul.f32 v53, v43;
	v20 =	vadd.f32 v55, v30;
	v30 =	vmul.f32 v56, v17  }
0x1bd: {  	v61 =	vld.idx.msk [tilespmem:v22+s15+$0x0], $0xffff;
	v19 =	vbroadcast v34, $0x0  }
0x1be: {  	v49 =	vld.idx.msk [tilespmem:v22+s19+$0x0], $0xffff;
	v48 =	vmul.f32 v54, v44;
	v21 =	vadd.f32 v30, v20;
	v30 =	vmul.f32 v59, v18  }
0x1bf: {  	v52 =	vld.idx.msk [tilespmem:v23+s19+$0x0], $0xffff;
	v51 =	vmul.f32 v57, v45  }
0x1c0: {  	v50 =	vld.idx.msk [tilespmem:v23+s15+$0x0], $0xffff;
	v20 =	vbroadcast v34, $0x1;
	v22 =	vadd.f32 v30, v21;
	v30 =	vmul.f32 v48, v19  }
0x1c1: {  	v53 =	vld.idx.msk [tilespmem:v24+s15+$0x0], $0xffff;
	v54 =	vmul.f32 v60, v58  }
0x1c2: {  	v55 =	vld.idx.msk [tilespmem:v24+s19+$0x0], $0xffff;
	v21 =	vbroadcast v34, $0x2;
	v23 =	vadd.f32 v30, v22;
	v30 =	vmul.f32 v51, v20  }
0x1c3: {  	v58 =	vld.idx.msk [tilespmem:v25+s19+$0x0], $0xffff;
	v57 =	vmul.f32 v49, v61  }
0x1c4: {  	v56 =	vld.idx.msk [tilespmem:v25+s15+$0x0], $0xffff;
	v22 =	vbroadcast v34, $0x3;
	v24 =	vadd.f32 v30, v23;
	v30 =	vmul.f32 v54, v21  }
0x1c5: {  	v61 =	vld.idx.msk [tilespmem:v26+s19+$0x0], $0xffff;
	v60 =	vmul.f32 v52, v50  }
0x1c6: {  	v59 =	vld.idx.msk [tilespmem:v26+s15+$0x0], $0xffff;
	v23 =	vbroadcast v34, $0x4;
	v25 =	vadd.f32 v30, v24;
	v30 =	vmul.f32 v57, v22  }
0x1c7: {  	v50 =	vld.idx.msk [tilespmem:v27+s19+$0x0], $0xffff;
	v49 =	vmul.f32 v55, v53  }
0x1c8: {  	v48 =	vld.idx.msk [tilespmem:v27+s15+$0x0], $0xffff;
	v24 =	vbroadcast v34, $0x5;
	v26 =	vadd.f32 v30, v25;
	v30 =	vmul.f32 v60, v23  }
0x1c9: {  	v52 =	vmul.f32 v58, v56;
	v53 =	vld.idx.msk [tilespmem:v28+s19+$0x0], $0xffff  }
0x1ca: {  	v51 =	vld.idx.msk [tilespmem:v28+s15+$0x0], $0xffff;
	v25 =	vbroadcast v34, $0x6;
	v27 =	vadd.f32 v30, v26;
	v30 =	vmul.f32 v49, v24  }
0x1cb: {  	v56 =	vld.idx.msk [tilespmem:v29+s19+$0x0], $0xffff;
	v55 =	vmul.f32 v61, v59  }
0x1cc: {  	v54 =	vld.idx.msk [tilespmem:v29+s15+$0x0], $0xffff;
	v26 =	vbroadcast v34, $0x7;
	v28 =	vadd.f32 v30, v27;
	v30 =	vmul.f32 v52, v25  }
0x1cd: {  	v58 =	vmul.f32 v50, v48;
	v57 =	vld.idx.msk [tilespmem:v31+s15+$0x0], $0xffff  }
0x1ce: {  	v31 =	vld.idx.msk [tilespmem:v31+s19+$0x0], $0xffff;
	v27 =	vbroadcast v34, $0x8;
	v29 =	vadd.f32 v30, v28;
	v30 =	vmul.f32 v55, v26  }
0x1cf: {  	v59 =	vld.idx.msk [tilespmem:v33+s15+$0x0], $0xffff;
	v39 =	vmul.f32 v53, v51  }
0x1d0: {  	v33 =	vld.idx.msk [tilespmem:v33+s19+$0x0], $0xffff;
	v28 =	vbroadcast v34, $0x9;
	v32 =	vmul.f32 v58, v27;
	v30 =	vadd.f32 v30, v29  }
0x1d1: {  	v61 =	vld.idx.msk [tilespmem:v38+s15+$0x0], $0xffff;
	v37 =	vmul.f32 v56, v54  }
0x1d2: {  	v60 =	vld.idx.msk [tilespmem:v36+s15+$0x0], $0xffff;
	v29 =	vbroadcast v34, $0xA;
	v39 =	vmul.f32 v39, v28;
	v32 =	vadd.f32 v32, v30  }
0x1d3: {  	v36 =	vld.idx.msk [tilespmem:v36+s19+$0x0], $0xffff;
	v44 =	vmul.f32 v31, v57  }
0x1d4: {  	v38 =	vld.idx.msk [tilespmem:v38+s19+$0x0], $0xffff;
	v30 =	vbroadcast v34, $0xB;
	v37 =	vmul.f32 v37, v29;
	v32 =	vadd.f32 v39, v32  }
0x1d5: {  	v46 =	vld.idx.msk [tilespmem:v40+s19+$0x0], $0xffff;
	v33 =	vmul.f32 v33, v59;
	v31 =	vbroadcast v34, $0xC  }
0x1d6: {  	v45 =	vld.idx.msk [tilespmem:v40+s15+$0x0], $0xffff;
	v39 =	vmul.f32 v44, v30;
	v37 =	vadd.f32 v37, v32  }
0x1d7: {  	v47 =	vmul.f32 v33, v31  }
0x1d8: {  	v36 =	vmul.f32 v36, v60;
	v32 =	vbroadcast v34, $0xD;
	v37 =	vadd.f32 v39, v37  }
0x1d9: {  	v38 =	vmul.f32 v38, v61  }
0x1da: {  	v33 =	vbroadcast v34, $0xE;
	v36 =	vmul.f32 v36, v32;
	v37 =	vadd.f32 v47, v37  }
0x1db: {  	v35 =	vmul.f32 v46, v45;
	v48 =	vld [tilespmem:$0x8C18]  }
0x1dc: {  	v49 =	vmul.f32 v38, v33;
	v34 =	vbroadcast v34, $0xF;
	v36 =	vadd.f32 v36, v37;
	_ =	sdelay $0x1  }
0x1dd: {  	v50 =	vmul.f32 v35, v34;
	v36 =	vadd.f32 v49, v36;
	_ =	sdelay $0x1  }
0x1de: {  	v35 =	vbroadcast v48, $0x8;
	v36 =	vadd.f32 v50, v36;
	_ =	sdelay $0x1  }
0x1df: {  	v36 =	vadd.f32 v36, v35;
	_ =	sdelay $0x1  }
0x1e0: {  	v36 =	vsub.f32 $0.0e+00, v36;
	_ =	sdelay $0x1  }
0x1e1: {  	v36 =	vmul.f32 $1.442695020e+00, v36;
	_ =	sdelay $0x1  }
0x1e2: {  	(erf) = vpow2.f32 v36;
	_ =	sdelay $0x8  }
0x1e3: {  	v36 =	vpop (erf)  }
0x1e4: {  	v36 =	vadd.f32 $1.000000000e+00, v36;
	_ =	sdelay $0x1  }
0x1e5: {  	(erf) = vrcp.f32 v36;
	_ =	sdelay $0x2  }
0x1e6: {  	s30 =	simm.s32 $0x10  }
0x1e7: {  	v51 =	vmov s30  }
0x1e8: {  	v36 =	vshll.u32 v51, $0x4  }
0x1e9: {  	v36 =	vor.u32 v8, v36;
	_ =	sdelay $0x1  }
0x1ea: {  	v37 =	vor.u32 $0x1, v36  }
0x1eb: {  	v52 =	vpop (erf)  }
0x1ec: {  	v39 =	vor.u32 $0x2, v36;
	[tilespmem:s28+$0x0] =	vst v52  }
0x1ed: {  	v38 =	vld.idx.msk [tilespmem:v36+s17+$0x0], $0xffff  }
0x1ee: {  	v41 =	vor.u32 $0x3, v36;
	v53 =	vld.idx.msk [tilespmem:v36+s13+$0x0], $0xffff  }
0x1ef: {  	v54 =	vld.idx.msk [tilespmem:v37+s13+$0x0], $0xffff  }
0x1f0: {  	v44 =	vor.u32 $0x4, v36;
	v55 =	vld.idx.msk [tilespmem:v37+s17+$0x0], $0xffff  }
0x1f1: {  	v56 =	vld.idx.msk [tilespmem:v39+s13+$0x0], $0xffff  }
0x1f2: {  	v47 =	vor.u32 $0x5, v36;
	v46 =	vld.idx.msk [tilespmem:v39+s17+$0x0], $0xffff  }
0x1f3: {  	v48 =	vld.idx.msk [tilespmem:v41+s13+$0x0], $0xffff;
	v38 =	vmul.f32 v38, v53  }
0x1f4: {  	v49 =	vor.u32 $0x6, v36;
	v57 =	vld.idx.msk [tilespmem:v41+s17+$0x0], $0xffff  }
0x1f5: {  	v50 =	vld.idx.msk [tilespmem:v44+s13+$0x0], $0xffff;
	v42 =	vmul.f32 v55, v54;
	v38 =	vmul.f32 v38, v6  }
0x1f6: {  	v51 =	vor.u32 $0x7, v36;
	v58 =	vld.idx.msk [tilespmem:v44+s17+$0x0], $0xffff  }
0x1f7: {  	v52 =	vld.idx.msk [tilespmem:v47+s13+$0x0], $0xffff;
	v45 =	vmul.f32 v46, v56;
	v42 =	vmul.f32 v42, v2;
	v38 =	vadd.f32 $0.0e+00, v38  }
0x1f8: {  	v46 =	vor.u32 $0x8, v36;
	v53 =	vld.idx.msk [tilespmem:v47+s17+$0x0], $0xffff  }
0x1f9: {  	v54 =	vld.idx.msk [tilespmem:v49+s13+$0x0], $0xffff;
	v40 =	vmul.f32 v57, v48;
	v59 =	vmul.f32 v45, v3;
	v38 =	vadd.f32 v42, v38  }
0x1fa: {  	v48 =	vld.idx.msk [tilespmem:v49+s17+$0x0], $0xffff;
	v45 =	vor.u32 $0x9, v36  }
0x1fb: {  	v55 =	vld.idx.msk [tilespmem:v51+s13+$0x0], $0xffff;
	v60 =	vmul.f32 v58, v50;
	v40 =	vmul.f32 v40, v4;
	v38 =	vadd.f32 v59, v38  }
0x1fc: {  	v43 =	vor.u32 $0xA, v36;
	v50 =	vld.idx.msk [tilespmem:v51+s17+$0x0], $0xffff  }
0x1fd: {  	v61 =	vmul.f32 v60, v5;
	v56 =	vld.idx.msk [tilespmem:v46+s13+$0x0], $0xffff;
	v60 =	vmul.f32 v53, v52;
	v38 =	vadd.f32 v40, v38  }
0x1fe: {  	v52 =	vor.u32 $0xB, v36;
	v53 =	vld.idx.msk [tilespmem:v46+s17+$0x0], $0xffff  }
0x1ff: {  	v57 =	vld.idx.msk [tilespmem:v45+s13+$0x0], $0xffff;
	v38 =	vadd.f32 v61, v38;
	v61 =	vmul.f32 v60, v7;
	v60 =	vmul.f32 v48, v54  }
0x200: {  	v48 =	vor.u32 $0xC, v36;
	v54 =	vld.idx.msk [tilespmem:v45+s17+$0x0], $0xffff  }
0x201: {  	v58 =	vld.idx.msk [tilespmem:v43+s13+$0x0], $0xffff;
	v38 =	vadd.f32 v61, v38;
	v61 =	vmul.f32 v60, v9;
	v60 =	vmul.f32 v50, v55  }
0x202: {  	v50 =	vor.u32 $0xD, v36;
	v55 =	vld.idx.msk [tilespmem:v43+s17+$0x0], $0xffff  }
0x203: {  	v59 =	vld.idx.msk [tilespmem:v52+s13+$0x0], $0xffff;
	v42 =	vmul.f32 v53, v56;
	v38 =	vadd.f32 v61, v38;
	v40 =	vmul.f32 v60, v10  }
0x204: {  	v53 =	vor.u32 $0xE, v36;
	v56 =	vld.idx.msk [tilespmem:v52+s17+$0x0], $0xffff  }
0x205: {  	v60 =	vld.idx.msk [tilespmem:v48+s13+$0x0], $0xffff;
	v38 =	vadd.f32 v40, v38;
	v40 =	vmul.f32 v42, v11;
	v42 =	vmul.f32 v54, v57  }
0x206: {  	v61 =	vld.idx.msk [tilespmem:v48+s17+$0x0], $0xffff;
	v54 =	vor.u32 $0xF, v36  }
0x207: {  	v55 =	vmul.f32 v55, v58;
	v58 =	vld.idx.msk [tilespmem:v50+s17+$0x0], $0xffff;
	v38 =	vadd.f32 v40, v38;
	v42 =	vmul.f32 v42, v12  }
0x208: {  	v40 =	vld.idx.msk [tilespmem:v50+s13+$0x0], $0xffff  }
0x209: {  	v56 =	vmul.f32 v56, v59;
	v59 =	vld.idx.msk [tilespmem:v53+s17+$0x0], $0xffff;
	v55 =	vmul.f32 v55, v13;
	v38 =	vadd.f32 v42, v38  }
0x20a: {  	v42 =	vld.idx.msk [tilespmem:v53+s13+$0x0], $0xffff  }
0x20b: {  	v56 =	vmul.f32 v56, v14;
	v57 =	vmul.f32 v61, v60;
	v60 =	vld.idx.msk [tilespmem:v54+s17+$0x0], $0xffff;
	v38 =	vadd.f32 v55, v38  }
0x20c: {  	v55 =	vld.idx.msk [tilespmem:v54+s13+$0x0], $0xffff  }
0x20d: {  	v57 =	vmul.f32 v57, v15;
	v40 =	vmul.f32 v58, v40;
	v38 =	vadd.f32 v56, v38;
	v56 =	vld.idx.msk [tilespmem:v36+s15+$0x0], $0xffff  }
0x20e: {  	v36 =	vld.idx.msk [tilespmem:v36+s19+$0x0], $0xffff  }
0x20f: {  	v42 =	vmul.f32 v59, v42;
	v40 =	vmul.f32 v40, v16;
	v38 =	vadd.f32 v57, v38;
	v57 =	vld.idx.msk [tilespmem:v37+s15+$0x0], $0xffff  }
0x210: {  	v37 =	vld.idx.msk [tilespmem:v37+s19+$0x0], $0xffff  }
0x211: {  	v61 =	vld.idx.msk [tilespmem:v39+s15+$0x0], $0xffff;
	v60 =	vmul.f32 v60, v55;
	v42 =	vmul.f32 v42, v17;
	v38 =	vadd.f32 v40, v38  }
0x212: {  	v39 =	vld.idx.msk [tilespmem:v39+s19+$0x0], $0xffff  }
0x213: {  	v36 =	vmul.f32 v36, v56;
	v56 =	vld.idx.msk [tilespmem:v41+s15+$0x0], $0xffff;
	v40 =	vmul.f32 v60, v18;
	v38 =	vadd.f32 v42, v38  }
0x214: {  	v41 =	vld.idx.msk [tilespmem:v41+s19+$0x0], $0xffff  }
0x215: {  	v37 =	vmul.f32 v37, v57;
	v57 =	vld.idx.msk [tilespmem:v44+s15+$0x0], $0xffff;
	v36 =	vmul.f32 v36, v19;
	v38 =	vadd.f32 v40, v38  }
0x216: {  	v44 =	vld.idx.msk [tilespmem:v44+s19+$0x0], $0xffff  }
0x217: {  	v58 =	vmul.f32 v39, v61;
	v59 =	vld.idx.msk [tilespmem:v47+s15+$0x0], $0xffff;
	v37 =	vmul.f32 v37, v20;
	v36 =	vadd.f32 v36, v38  }
0x218: {  	v47 =	vld.idx.msk [tilespmem:v47+s19+$0x0], $0xffff  }
0x219: {  	v61 =	vld.idx.msk [tilespmem:v49+s15+$0x0], $0xffff;
	v60 =	vmul.f32 v41, v56;
	v38 =	vmul.f32 v58, v21;
	v36 =	vadd.f32 v37, v36  }
0x21a: {  	v49 =	vld.idx.msk [tilespmem:v49+s19+$0x0], $0xffff  }
0x21b: {  	v56 =	vld.idx.msk [tilespmem:v51+s15+$0x0], $0xffff;
	v55 =	vmul.f32 v44, v57;
	v37 =	vmul.f32 v60, v22;
	v36 =	vadd.f32 v38, v36  }
0x21c: {  	v57 =	vld.idx.msk [tilespmem:v51+s19+$0x0], $0xffff  }
0x21d: {  	v58 =	vmul.f32 v47, v59;
	v59 =	vld.idx.msk [tilespmem:v46+s15+$0x0], $0xffff;
	v38 =	vmul.f32 v55, v23;
	v36 =	vadd.f32 v37, v36  }
0x21e: {  	v46 =	vld.idx.msk [tilespmem:v46+s19+$0x0], $0xffff  }
0x21f: {  	v60 =	vmul.f32 v49, v61;
	v61 =	vld.idx.msk [tilespmem:v45+s15+$0x0], $0xffff;
	v37 =	vmul.f32 v58, v24;
	v36 =	vadd.f32 v38, v36  }
0x220: {  	v49 =	vld.idx.msk [tilespmem:v45+s19+$0x0], $0xffff  }
0x221: {  	v55 =	vld.idx.msk [tilespmem:v43+s15+$0x0], $0xffff;
	v51 =	vmul.f32 v57, v56;
	v38 =	vmul.f32 v60, v25;
	v36 =	vadd.f32 v37, v36  }
0x222: {  	v43 =	vld.idx.msk [tilespmem:v43+s19+$0x0], $0xffff  }
0x223: {  	v58 =	vld.idx.msk [tilespmem:v52+s19+$0x0], $0xffff;
	v56 =	vmul.f32 v46, v59;
	v37 =	vmul.f32 v51, v26;
	v36 =	vadd.f32 v38, v36  }
0x224: {  	v57 =	vld.idx.msk [tilespmem:v52+s15+$0x0], $0xffff  }
0x225: {  	v59 =	vmul.f32 v49, v61;
	v61 =	vld.idx.msk [tilespmem:v48+s19+$0x0], $0xffff;
	v38 =	vmul.f32 v56, v27;
	v36 =	vadd.f32 v37, v36  }
0x226: {  	v60 =	vld.idx.msk [tilespmem:v48+s15+$0x0], $0xffff  }
0x227: {  	v49 =	vld.idx.msk [tilespmem:v50+s15+$0x0], $0xffff;
	v48 =	vmul.f32 v43, v55;
	v37 =	vmul.f32 v59, v28;
	v36 =	vadd.f32 v38, v36  }
0x228: {  	v50 =	vld.idx.msk [tilespmem:v50+s19+$0x0], $0xffff  }
0x229: {  	v52 =	vld.idx.msk [tilespmem:v53+s15+$0x0], $0xffff;
	v51 =	vmul.f32 v58, v57;
	v38 =	vmul.f32 v48, v29;
	v36 =	vadd.f32 v37, v36  }
0x22a: {  	v53 =	vld.idx.msk [tilespmem:v53+s19+$0x0], $0xffff  }
0x22b: {  	v56 =	vld.idx.msk [tilespmem:v54+s15+$0x0], $0xffff;
	v55 =	vmul.f32 v61, v60;
	v37 =	vmul.f32 v51, v30;
	v36 =	vadd.f32 v38, v36  }
0x22c: {  	v57 =	vld.idx.msk [tilespmem:v54+s19+$0x0], $0xffff  }
0x22d: {  	v58 =	vmul.f32 v50, v49;
	v38 =	vmul.f32 v55, v31;
	v36 =	vadd.f32 v37, v36;
	_ =	sdelay $0x1  }
0x22e: {  	v59 =	vmul.f32 v53, v52;
	v37 =	vmul.f32 v58, v32;
	v36 =	vadd.f32 v38, v36;
	_ =	sdelay $0x1  }
0x22f: {  	v60 =	vmul.f32 v57, v56;
	v38 =	vmul.f32 v59, v33;
	v36 =	vadd.f32 v37, v36;
	_ =	sdelay $0x1  }
0x230: {  	v37 =	vmul.f32 v60, v34;
	v36 =	vadd.f32 v38, v36;
	_ =	sdelay $0x1  }
0x231: {  	v36 =	vadd.f32 v37, v36;
	_ =	sdelay $0x1  }
0x232: {  	v36 =	vadd.f32 v36, v35;
	_ =	sdelay $0x1  }
0x233: {  	v36 =	vsub.f32 $0.0e+00, v36;
	_ =	sdelay $0x1  }
0x234: {  	v36 =	vmul.f32 $1.442695020e+00, v36;
	_ =	sdelay $0x1  }
0x235: {  	(erf) = vpow2.f32 v36;
	_ =	sdelay $0x8  }
0x236: {  	v36 =	vpop (erf)  }
0x237: {  	v36 =	vadd.f32 $1.000000000e+00, v36;
	_ =	sdelay $0x1  }
0x238: {  	(erf) = vrcp.f32 v36;
	_ =	sdelay $0x2  }
0x239: {  	s30 =	simm.s32 $0x20  }
0x23a: {  	v61 =	vmov s30  }
0x23b: {  	s31 =	simm.s32 $0x30;
	s30 =	simm.s32 $0x8C28;
	v36 =	vshll.u32 v61, $0x4  }
.LBB2_2:
0x23c: {  	p0 =	sne.s32 s31, $0x1F0;
	v51 =	vor.u32 v8, v36;
	_ =	sdelay $0x1  }
0x23d: {  	v50 =	vor.u32 $0x1, v51  }
0x23e: {  	s30 =	sadd.s32 $0x10, s30;
	v36 =	vpop (erf)  }
0x23f: {  	v49 =	vor.u32 $0x2, v51;
	[tilespmem:s30+$0x0] =	vst v36  }
0x240: {  	v36 =	vld.idx.msk [tilespmem:v51+s17+$0x0], $0xffff  }
0x241: {  	v48 =	vor.u32 $0x3, v51;
	v37 =	vld.idx.msk [tilespmem:v51+s13+$0x0], $0xffff  }
0x242: {  	v38 =	vld.idx.msk [tilespmem:v50+s13+$0x0], $0xffff  }
0x243: {  	v46 =	vor.u32 $0x4, v51;
	v39 =	vld.idx.msk [tilespmem:v50+s17+$0x0], $0xffff  }
0x244: {  	v42 =	vld.idx.msk [tilespmem:v49+s13+$0x0], $0xffff  }
0x245: {  	v43 =	vor.u32 $0x5, v51;
	v44 =	vld.idx.msk [tilespmem:v49+s17+$0x0], $0xffff  }
0x246: {  	v45 =	vld.idx.msk [tilespmem:v48+s13+$0x0], $0xffff  }
0x247: {  	v40 =	vor.u32 $0x6, v51;
	v36 =	vmul.f32 v36, v37;
	v47 =	vld.idx.msk [tilespmem:v48+s17+$0x0], $0xffff  }
0x248: {  	v52 =	vld.idx.msk [tilespmem:v46+s13+$0x0], $0xffff  }
0x249: {  	v41 =	vor.u32 $0x7, v51;
	v37 =	vmul.f32 v36, v6;
	v38 =	vmul.f32 v39, v38;
	v39 =	vld.idx.msk [tilespmem:v46+s17+$0x0], $0xffff  }
0x24a: {  	v36 =	vor.u32 $0x8, v51;
	v53 =	vld.idx.msk [tilespmem:v43+s13+$0x0], $0xffff  }
0x24b: {  	v54 =	vadd.f32 $0.0e+00, v37;
	v38 =	vmul.f32 v38, v2;
	v42 =	vmul.f32 v44, v42;
	v44 =	vld.idx.msk [tilespmem:v43+s17+$0x0], $0xffff  }
0x24c: {  	v37 =	vor.u32 $0x9, v51;
	v55 =	vld.idx.msk [tilespmem:v40+s13+$0x0], $0xffff  }
0x24d: {  	v54 =	vadd.f32 v38, v54;
	v42 =	vmul.f32 v42, v3;
	v45 =	vmul.f32 v47, v45;
	v47 =	vld.idx.msk [tilespmem:v40+s17+$0x0], $0xffff  }
0x24e: {  	v38 =	vor.u32 $0xA, v51;
	v56 =	vld.idx.msk [tilespmem:v41+s13+$0x0], $0xffff  }
0x24f: {  	v42 =	vadd.f32 v42, v54;
	v45 =	vmul.f32 v45, v4;
	v52 =	vmul.f32 v39, v52;
	v54 =	vld.idx.msk [tilespmem:v41+s17+$0x0], $0xffff  }
0x250: {  	v39 =	vor.u32 $0xB, v51;
	v57 =	vld.idx.msk [tilespmem:v36+s13+$0x0], $0xffff  }
0x251: {  	v45 =	vadd.f32 v45, v42;
	v52 =	vmul.f32 v52, v5;
	v44 =	vmul.f32 v44, v53;
	v53 =	vld.idx.msk [tilespmem:v36+s17+$0x0], $0xffff  }
0x252: {  	v42 =	vor.u32 $0xC, v51;
	v58 =	vld.idx.msk [tilespmem:v37+s13+$0x0], $0xffff  }
0x253: {  	v45 =	vadd.f32 v52, v45;
	v52 =	vmul.f32 v44, v7;
	v47 =	vmul.f32 v47, v55;
	v55 =	vld.idx.msk [tilespmem:v37+s17+$0x0], $0xffff  }
0x254: {  	v44 =	vor.u32 $0xD, v51;
	v59 =	vld.idx.msk [tilespmem:v38+s13+$0x0], $0xffff  }
0x255: {  	v52 =	vadd.f32 v52, v45;
	v47 =	vmul.f32 v47, v9;
	v54 =	vmul.f32 v54, v56;
	v56 =	vld.idx.msk [tilespmem:v38+s17+$0x0], $0xffff  }
0x256: {  	v45 =	vor.u32 $0xE, v51;
	v60 =	vld.idx.msk [tilespmem:v39+s13+$0x0], $0xffff  }
0x257: {  	v52 =	vadd.f32 v47, v52;
	v54 =	vmul.f32 v54, v10;
	v53 =	vmul.f32 v53, v57;
	v57 =	vld.idx.msk [tilespmem:v39+s17+$0x0], $0xffff  }
0x258: {  	v47 =	vor.u32 $0xF, v51;
	v61 =	vld.idx.msk [tilespmem:v42+s13+$0x0], $0xffff  }
0x259: {  	v52 =	vadd.f32 v54, v52;
	v53 =	vmul.f32 v53, v11;
	v54 =	vmul.f32 v55, v58;
	v55 =	vld.idx.msk [tilespmem:v42+s17+$0x0], $0xffff  }
0x25a: {  	v58 =	vld.idx.msk [tilespmem:v44+s13+$0x0], $0xffff  }
0x25b: {  	v52 =	vadd.f32 v53, v52;
	v53 =	vmul.f32 v54, v12;
	v54 =	vmul.f32 v56, v59;
	v56 =	vld.idx.msk [tilespmem:v44+s17+$0x0], $0xffff  }
0x25c: {  	v59 =	vld.idx.msk [tilespmem:v45+s13+$0x0], $0xffff  }
0x25d: {  	v52 =	vadd.f32 v53, v52;
	v53 =	vmul.f32 v54, v13;
	v54 =	vmul.f32 v57, v60;
	v57 =	vld.idx.msk [tilespmem:v45+s17+$0x0], $0xffff  }
0x25e: {  	v60 =	vld.idx.msk [tilespmem:v47+s13+$0x0], $0xffff  }
0x25f: {  	v52 =	vadd.f32 v53, v52;
	v53 =	vmul.f32 v54, v14;
	v54 =	vmul.f32 v55, v61;
	v55 =	vld.idx.msk [tilespmem:v47+s17+$0x0], $0xffff  }
0x260: {  	v61 =	vld.idx.msk [tilespmem:v51+s15+$0x0], $0xffff  }
0x261: {  	v52 =	vadd.f32 v53, v52;
	v53 =	vmul.f32 v54, v15;
	v54 =	vmul.f32 v56, v58;
	v51 =	vld.idx.msk [tilespmem:v51+s19+$0x0], $0xffff  }
0x262: {  	v56 =	vld.idx.msk [tilespmem:v50+s15+$0x0], $0xffff  }
0x263: {  	v52 =	vadd.f32 v53, v52;
	v53 =	vmul.f32 v54, v16;
	v54 =	vmul.f32 v57, v59;
	v50 =	vld.idx.msk [tilespmem:v50+s19+$0x0], $0xffff  }
0x264: {  	v57 =	vld.idx.msk [tilespmem:v49+s15+$0x0], $0xffff  }
0x265: {  	v52 =	vadd.f32 v53, v52;
	v53 =	vmul.f32 v54, v17;
	v54 =	vmul.f32 v55, v60;
	v49 =	vld.idx.msk [tilespmem:v49+s19+$0x0], $0xffff  }
0x266: {  	v55 =	vld.idx.msk [tilespmem:v48+s15+$0x0], $0xffff  }
0x267: {  	v52 =	vadd.f32 v53, v52;
	v53 =	vmul.f32 v54, v18;
	v51 =	vmul.f32 v51, v61;
	v48 =	vld.idx.msk [tilespmem:v48+s19+$0x0], $0xffff  }
0x268: {  	v54 =	vld.idx.msk [tilespmem:v46+s15+$0x0], $0xffff  }
0x269: {  	v52 =	vadd.f32 v53, v52;
	v51 =	vmul.f32 v51, v19;
	v50 =	vmul.f32 v50, v56;
	v46 =	vld.idx.msk [tilespmem:v46+s19+$0x0], $0xffff  }
0x26a: {  	v53 =	vld.idx.msk [tilespmem:v43+s15+$0x0], $0xffff  }
0x26b: {  	v51 =	vadd.f32 v51, v52;
	v50 =	vmul.f32 v50, v20;
	v49 =	vmul.f32 v49, v57;
	v43 =	vld.idx.msk [tilespmem:v43+s19+$0x0], $0xffff  }
0x26c: {  	v52 =	vld.idx.msk [tilespmem:v40+s15+$0x0], $0xffff  }
0x26d: {  	v50 =	vadd.f32 v50, v51;
	v49 =	vmul.f32 v49, v21;
	v48 =	vmul.f32 v48, v55;
	v40 =	vld.idx.msk [tilespmem:v40+s19+$0x0], $0xffff  }
0x26e: {  	v51 =	vld.idx.msk [tilespmem:v41+s15+$0x0], $0xffff  }
0x26f: {  	v49 =	vadd.f32 v49, v50;
	v48 =	vmul.f32 v48, v22;
	v46 =	vmul.f32 v46, v54;
	v41 =	vld.idx.msk [tilespmem:v41+s19+$0x0], $0xffff  }
0x270: {  	v50 =	vld.idx.msk [tilespmem:v36+s15+$0x0], $0xffff  }
0x271: {  	v48 =	vadd.f32 v48, v49;
	v46 =	vmul.f32 v46, v23;
	v43 =	vmul.f32 v43, v53;
	v36 =	vld.idx.msk [tilespmem:v36+s19+$0x0], $0xffff  }
0x272: {  	v49 =	vld.idx.msk [tilespmem:v37+s15+$0x0], $0xffff  }
0x273: {  	v46 =	vadd.f32 v46, v48;
	v43 =	vmul.f32 v43, v24;
	v40 =	vmul.f32 v40, v52;
	v37 =	vld.idx.msk [tilespmem:v37+s19+$0x0], $0xffff  }
0x274: {  	v48 =	vld.idx.msk [tilespmem:v38+s15+$0x0], $0xffff  }
0x275: {  	v43 =	vadd.f32 v43, v46;
	v40 =	vmul.f32 v40, v25;
	v41 =	vmul.f32 v41, v51;
	v38 =	vld.idx.msk [tilespmem:v38+s19+$0x0], $0xffff  }
0x276: {  	v46 =	vld.idx.msk [tilespmem:v39+s15+$0x0], $0xffff  }
0x277: {  	v40 =	vadd.f32 v40, v43;
	v41 =	vmul.f32 v41, v26;
	v36 =	vmul.f32 v36, v50;
	v39 =	vld.idx.msk [tilespmem:v39+s19+$0x0], $0xffff  }
0x278: {  	v43 =	vld.idx.msk [tilespmem:v42+s15+$0x0], $0xffff  }
0x279: {  	v40 =	vadd.f32 v41, v40;
	v36 =	vmul.f32 v36, v27;
	v37 =	vmul.f32 v37, v49;
	v41 =	vld.idx.msk [tilespmem:v42+s19+$0x0], $0xffff  }
0x27a: {  	v42 =	vld.idx.msk [tilespmem:v44+s15+$0x0], $0xffff  }
0x27b: {  	v36 =	vadd.f32 v36, v40;
	v37 =	vmul.f32 v37, v28;
	v38 =	vmul.f32 v38, v48;
	v40 =	vld.idx.msk [tilespmem:v44+s19+$0x0], $0xffff  }
0x27c: {  	v44 =	vld.idx.msk [tilespmem:v45+s15+$0x0], $0xffff  }
0x27d: {  	v36 =	vadd.f32 v37, v36;
	v37 =	vmul.f32 v38, v29;
	v38 =	vmul.f32 v39, v46;
	v39 =	vld.idx.msk [tilespmem:v45+s19+$0x0], $0xffff  }
0x27e: {  	v45 =	vld.idx.msk [tilespmem:v47+s15+$0x0], $0xffff  }
0x27f: {  	v36 =	vadd.f32 v37, v36;
	v37 =	vmul.f32 v38, v30;
	v38 =	vmul.f32 v41, v43;
	v41 =	vld.idx.msk [tilespmem:v47+s19+$0x0], $0xffff;
	_ =	sdelay $0x1  }
0x280: {  	v36 =	vadd.f32 v37, v36;
	v37 =	vmul.f32 v38, v31;
	v38 =	vmul.f32 v40, v42;
	_ =	sdelay $0x1  }
0x281: {  	v36 =	vadd.f32 v37, v36;
	v37 =	vmul.f32 v38, v32;
	v38 =	vmul.f32 v39, v44;
	_ =	sdelay $0x1  }
0x282: {  	v36 =	vadd.f32 v37, v36;
	v37 =	vmul.f32 v38, v33;
	v38 =	vmul.f32 v41, v45;
	_ =	sdelay $0x1  }
0x283: {  	v36 =	vadd.f32 v37, v36;
	v37 =	vmul.f32 v38, v34;
	_ =	sdelay $0x1  }
0x284: {  	v36 =	vadd.f32 v37, v36;
	_ =	sdelay $0x1  }
0x285: {  	v36 =	vadd.f32 v36, v35;
	_ =	sdelay $0x1  }
0x286: {  	v36 =	vsub.f32 $0.0e+00, v36;
	_ =	sdelay $0x1  }
0x287: {  	v36 =	vmul.f32 $1.442695020e+00, v36;
	_ =	sdelay $0x1  }
0x288: {  	(erf) = vpow2.f32 v36;
	_ =	sdelay $0x8  }
0x289: {  	v36 =	vpop (erf)  }
0x28a: {  	v36 =	vadd.f32 $1.000000000e+00, v36;
	_ =	sdelay $0x1  }
0x28b: {  	(erf) = vrcp.f32 v36  }
.Ltmp0:
0x28c: {  	(pc) =	sbr.rel @p0 .LBB2_2-.Ltmp0, $3  }
0x28d: {  	_ =	sdelay $0x1  }
0x28e: {  	v36 =	vmov s31  }
0x28f: {  	s31 =	sadd.s32 $0x10, s31;
	v36 =	vshll.u32 v36, $0x4  }
0x290: {  	v8 =	vor.u32 v8, v36;
	_ =	sdelay $0x1  }
0x291: {  	v36 =	vor.u32 $0x1, v8  }
0x292: {  	s30 =	sadd.s32 $0x10, s30;
	v37 =	vpop (erf)  }
0x293: {  	v38 =	vor.u32 $0x2, v8;
	[tilespmem:s30+$0x0] =	vst v37  }
0x294: {  	v37 =	vld.idx.msk [tilespmem:v8+s17+$0x0], $0xffff  }
0x295: {  	v40 =	vor.u32 $0x3, v8;
	v39 =	vld.idx.msk [tilespmem:v8+s13+$0x0], $0xffff  }
0x296: {  	v41 =	vld.idx.msk [tilespmem:v36+s13+$0x0], $0xffff  }
0x297: {  	v43 =	vor.u32 $0x4, v8;
	v42 =	vld.idx.msk [tilespmem:v36+s17+$0x0], $0xffff  }
0x298: {  	v44 =	vld.idx.msk [tilespmem:v38+s13+$0x0], $0xffff  }
0x299: {  	v46 =	vor.u32 $0x5, v8;
	v45 =	vld.idx.msk [tilespmem:v38+s17+$0x0], $0xffff  }
0x29a: {  	v47 =	vld.idx.msk [tilespmem:v40+s13+$0x0], $0xffff;
	v37 =	vmul.f32 v37, v39  }
0x29b: {  	v48 =	vor.u32 $0x6, v8;
	v56 =	vld.idx.msk [tilespmem:v40+s17+$0x0], $0xffff  }
0x29c: {  	v49 =	vld.idx.msk [tilespmem:v43+s13+$0x0], $0xffff;
	v57 =	vmul.f32 v42, v41;
	v6 =	vmul.f32 v37, v6  }
0x29d: {  	v58 =	vld.idx.msk [tilespmem:v43+s17+$0x0], $0xffff;
	v42 =	vor.u32 $0x7, v8  }
0x29e: {  	v50 =	vld.idx.msk [tilespmem:v46+s13+$0x0], $0xffff;
	v59 =	vmul.f32 v45, v44;
	v2 =	vmul.f32 v57, v2;
	v6 =	vadd.f32 $0.0e+00, v6  }
0x29f: {  	v60 =	vld.idx.msk [tilespmem:v46+s17+$0x0], $0xffff;
	v44 =	vor.u32 $0x8, v8  }
0x2a0: {  	v51 =	vld.idx.msk [tilespmem:v48+s13+$0x0], $0xffff;
	v61 =	vmul.f32 v56, v47;
	v3 =	vmul.f32 v59, v3;
	v2 =	vadd.f32 v2, v6  }
0x2a1: {  	v52 =	vld.idx.msk [tilespmem:v48+s17+$0x0], $0xffff;
	v37 =	vor.u32 $0x9, v8  }
0x2a2: {  	v53 =	vmul.f32 v58, v49;
	v47 =	vld.idx.msk [tilespmem:v42+s13+$0x0], $0xffff;
	v2 =	vadd.f32 v3, v2;
	v3 =	vmul.f32 v61, v4  }
0x2a3: {  	v6 =	vor.u32 $0xA, v8;
	v54 =	vld.idx.msk [tilespmem:v42+s17+$0x0], $0xffff  }
0x2a4: {  	v56 =	vmul.f32 v60, v50;
	v55 =	vld.idx.msk [tilespmem:v44+s13+$0x0], $0xffff;
	v2 =	vadd.f32 v3, v2;
	v3 =	vmul.f32 v53, v5  }
0x2a5: {  	v57 =	vld.idx.msk [tilespmem:v44+s17+$0x0], $0xffff;
	v5 =	vor.u32 $0xB, v8  }
0x2a6: {  	v59 =	vmul.f32 v52, v51;
	v58 =	vld.idx.msk [tilespmem:v37+s13+$0x0], $0xffff;
	v2 =	vadd.f32 v3, v2;
	v3 =	vmul.f32 v56, v7  }
0x2a7: {  	v60 =	vld.idx.msk [tilespmem:v37+s17+$0x0], $0xffff;
	v7 =	vor.u32 $0xC, v8  }
0x2a8: {  	v61 =	vld.idx.msk [tilespmem:v6+s13+$0x0], $0xffff;
	v52 =	vmul.f32 v54, v47;
	v2 =	vadd.f32 v3, v2;
	v3 =	vmul.f32 v59, v9  }
0x2a9: {  	v53 =	vld.idx.msk [tilespmem:v6+s17+$0x0], $0xffff;
	v9 =	vor.u32 $0xD, v8  }
0x2aa: {  	v55 =	vmul.f32 v57, v55;
	v54 =	vld.idx.msk [tilespmem:v5+s13+$0x0], $0xffff;
	v2 =	vadd.f32 v3, v2;
	v3 =	vmul.f32 v52, v10  }
0x2ab: {  	v56 =	vld.idx.msk [tilespmem:v5+s17+$0x0], $0xffff;
	v10 =	vor.u32 $0xE, v8  }
0x2ac: {  	v58 =	vmul.f32 v60, v58;
	v57 =	vld.idx.msk [tilespmem:v7+s13+$0x0], $0xffff;
	v2 =	vadd.f32 v3, v2;
	v3 =	vmul.f32 v55, v11  }
0x2ad: {  	v59 =	vld.idx.msk [tilespmem:v7+s17+$0x0], $0xffff;
	v11 =	vor.u32 $0xF, v8  }
0x2ae: {  	v61 =	vmul.f32 v53, v61;
	v60 =	vld.idx.msk [tilespmem:v9+s13+$0x0], $0xffff;
	v2 =	vadd.f32 v3, v2;
	v3 =	vmul.f32 v58, v12  }
0x2af: {  	v51 =	vld.idx.msk [tilespmem:v9+s17+$0x0], $0xffff  }
0x2b0: {  	v53 =	vmul.f32 v56, v54;
	v52 =	vld.idx.msk [tilespmem:v10+s13+$0x0], $0xffff;
	v2 =	vadd.f32 v3, v2;
	v3 =	vmul.f32 v61, v13  }
0x2b1: {  	v54 =	vld.idx.msk [tilespmem:v10+s17+$0x0], $0xffff  }
0x2b2: {  	v56 =	vmul.f32 v59, v57;
	v55 =	vld.idx.msk [tilespmem:v11+s13+$0x0], $0xffff;
	v2 =	vadd.f32 v3, v2;
	v3 =	vmul.f32 v53, v14  }
0x2b3: {  	v57 =	vld.idx.msk [tilespmem:v11+s17+$0x0], $0xffff  }
0x2b4: {  	v58 =	vld.idx.msk [tilespmem:v8+s15+$0x0], $0xffff;
	v59 =	vmul.f32 v51, v60;
	v2 =	vadd.f32 v3, v2;
	v3 =	vmul.f32 v56, v15  }
0x2b5: {  	v8 =	vld.idx.msk [tilespmem:v8+s19+$0x0], $0xffff  }
0x2b6: {  	v41 =	vld.idx.msk [tilespmem:v36+s19+$0x0], $0xffff;
	v61 =	vmul.f32 v54, v52;
	v2 =	vadd.f32 v3, v2;
	v3 =	vmul.f32 v59, v16  }
0x2b7: {  	v60 =	vld.idx.msk [tilespmem:v36+s15+$0x0], $0xffff  }
0x2b8: {  	v50 =	vld.idx.msk [tilespmem:v38+s19+$0x0], $0xffff;
	v49 =	vmul.f32 v57, v55;
	v2 =	vadd.f32 v3, v2;
	v3 =	vmul.f32 v61, v17  }
0x2b9: {  	v47 =	vld.idx.msk [tilespmem:v38+s15+$0x0], $0xffff  }
0x2ba: {  	v51 =	vld.idx.msk [tilespmem:v40+s15+$0x0], $0xffff;
	v52 =	vmul.f32 v8, v58;
	v2 =	vadd.f32 v3, v2;
	v3 =	vmul.f32 v49, v18  }
0x2bb: {  	v53 =	vld.idx.msk [tilespmem:v40+s19+$0x0], $0xffff  }
0x2bc: {  	v54 =	vld.idx.msk [tilespmem:v43+s15+$0x0], $0xffff;
	v55 =	vmul.f32 v41, v60;
	v2 =	vadd.f32 v3, v2;
	v3 =	vmul.f32 v52, v19  }
0x2bd: {  	v56 =	vld.idx.msk [tilespmem:v43+s19+$0x0], $0xffff  }
0x2be: {  	v58 =	vmul.f32 v50, v47;
	v57 =	vld.idx.msk [tilespmem:v46+s15+$0x0], $0xffff;
	v2 =	vadd.f32 v3, v2;
	v3 =	vmul.f32 v55, v20  }
0x2bf: {  	v59 =	vld.idx.msk [tilespmem:v46+s19+$0x0], $0xffff  }
0x2c0: {  	v60 =	vld.idx.msk [tilespmem:v48+s15+$0x0], $0xffff;
	v61 =	vmul.f32 v53, v51;
	v2 =	vadd.f32 v3, v2;
	v3 =	vmul.f32 v58, v21  }
0x2c1: {  	v20 =	vld.idx.msk [tilespmem:v48+s19+$0x0], $0xffff  }
0x2c2: {  	v36 =	vld.idx.msk [tilespmem:v42+s19+$0x0], $0xffff;
	v2 =	vadd.f32 v3, v2;
	v3 =	vmul.f32 v61, v22;
	v22 =	vmul.f32 v56, v54  }
0x2c3: {  	v21 =	vld.idx.msk [tilespmem:v42+s15+$0x0], $0xffff  }
0x2c4: {  	v38 =	vld.idx.msk [tilespmem:v44+s15+$0x0], $0xffff;
	v39 =	vmul.f32 v59, v57;
	v2 =	vadd.f32 v3, v2;
	v3 =	vmul.f32 v22, v23  }
0x2c5: {  	v40 =	vld.idx.msk [tilespmem:v44+s19+$0x0], $0xffff  }
0x2c6: {  	v43 =	vld.idx.msk [tilespmem:v37+s19+$0x0], $0xffff;
	v42 =	vmul.f32 v20, v60;
	v2 =	vadd.f32 v3, v2;
	v3 =	vmul.f32 v39, v24  }
0x2c7: {  	v41 =	vld.idx.msk [tilespmem:v37+s15+$0x0], $0xffff  }
0x2c8: {  	v44 =	vld.idx.msk [tilespmem:v6+s15+$0x0], $0xffff;
	v45 =	vmul.f32 v36, v21;
	v2 =	vadd.f32 v3, v2;
	v3 =	vmul.f32 v42, v25  }
0x2c9: {  	v6 =	vld.idx.msk [tilespmem:v6+s19+$0x0], $0xffff  }
0x2ca: {  	v46 =	vld.idx.msk [tilespmem:v5+s15+$0x0], $0xffff;
	v47 =	vmul.f32 v40, v38;
	v2 =	vadd.f32 v3, v2;
	v3 =	vmul.f32 v45, v26  }
0x2cb: {  	v5 =	vld.idx.msk [tilespmem:v5+s19+$0x0], $0xffff  }
0x2cc: {  	v49 =	vmul.f32 v43, v41;
	v48 =	vld.idx.msk [tilespmem:v7+s15+$0x0], $0xffff;
	v2 =	vadd.f32 v3, v2;
	v3 =	vmul.f32 v47, v27  }
0x2cd: {  	v7 =	vld.idx.msk [tilespmem:v7+s19+$0x0], $0xffff  }
0x2ce: {  	v50 =	vld.idx.msk [tilespmem:v9+s15+$0x0], $0xffff;
	v51 =	vmul.f32 v6, v44;
	v2 =	vadd.f32 v3, v2;
	v3 =	vmul.f32 v49, v28  }
0x2cf: {  	v52 =	vld.idx.msk [tilespmem:v9+s19+$0x0], $0xffff  }
0x2d0: {  	v53 =	vld.idx.msk [tilespmem:v10+s15+$0x0], $0xffff;
	v54 =	vmul.f32 v5, v46;
	v2 =	vadd.f32 v3, v2;
	v3 =	vmul.f32 v51, v29  }
0x2d1: {  	v55 =	vld.idx.msk [tilespmem:v10+s19+$0x0], $0xffff  }
0x2d2: {  	v58 =	vld.idx.msk [tilespmem:v11+s19+$0x0], $0xffff;
	v57 =	vmul.f32 v7, v48;
	v2 =	vadd.f32 v3, v2;
	v3 =	vmul.f32 v54, v30  }
0x2d3: {  	v56 =	vld.idx.msk [tilespmem:v11+s15+$0x0], $0xffff  }
0x2d4: {  	v59 =	vmul.f32 v52, v50;
	v2 =	vadd.f32 v3, v2;
	v3 =	vmul.f32 v57, v31;
	_ =	sdelay $0x1  }
0x2d5: {  	v60 =	vmul.f32 v55, v53;
	v2 =	vadd.f32 v3, v2;
	v3 =	vmul.f32 v59, v32;
	_ =	sdelay $0x1  }
0x2d6: {  	v61 =	vmul.f32 v58, v56;
	v2 =	vadd.f32 v3, v2;
	v3 =	vmul.f32 v60, v33;
	_ =	sdelay $0x1  }
0x2d7: {  	v2 =	vadd.f32 v3, v2;
	v3 =	vmul.f32 v61, v34;
	_ =	sdelay $0x1  }
0x2d8: {  	v2 =	vadd.f32 v3, v2;
	_ =	sdelay $0x1  }
0x2d9: {  	v2 =	vadd.f32 v2, v35;
	_ =	sdelay $0x1  }
0x2da: {  	v2 =	vsub.f32 $0.0e+00, v2;
	_ =	sdelay $0x1  }
0x2db: {  	v2 =	vmul.f32 $1.442695020e+00, v2;
	_ =	sdelay $0x1  }
0x2dc: {  	(erf) = vpow2.f32 v2;
	_ =	sdelay $0x8  }
0x2dd: {  	v2 =	vpop (erf)  }
0x2de: {  	v2 =	vadd.f32 $1.000000000e+00, v2;
	_ =	sdelay $0x1  }
0x2df: {  	(erf) = vrcp.f32 v2;
	_ =	sdelay $0x7  }
0x2e0: {  	s29 =	sadd.s32 $0x1, s29  }
0x2e1: {  	p0 =	sne.s32 s29, s8;
	s30 =	sadd.s32 $0x10, s30;
	v2 =	vpop (erf)  }
.Ltmp1:
0x2e2: {  	[tilespmem:s30+$0x0] =	vst v2;
	(pc) =	sbr.rel @p0 .LBB2_1-.Ltmp1, $4  }
0x2e3: {  	[hbm4b:s7+s2] =	stream.linear.scatter [tilespmem:s28], [sflag:$0x2], $0x200, $0x38;
	[tilespmem:$0x8E28] =	vst v63  }
0x2e4: {  	_ =	swait.ge [sflag:s9], $0x200  }
0x2e5: {  	[sflag:s9] =	ssyncset.done $0x0  }
0x2e6: {  	[sflag:s9] =	ssyncadd.s32 $0xFFFFFE00  }
0x2e7: {  	_ =	sfence.sel $0x180000  }
0x2e8: {  	[bflag:$0x0] =	sbarrier.arrive $0xFFFF  }
0x2e9: {  	_ =	strace $0x90000047  }
0x2ea: {  	s0 =	stileid.u32;
	[bflag:$0x2] =	sbarrier.arrive $0xFFFF  }
0x2eb: {  	p0 =	sne.s32 s0, $0x0;
	s0 =	rddreg [dreg:$0x2]  }
0x2ec: {  	s0 =	sadd.s32 @!p0 $0x100000, s0  }
0x2ed: {  	[sflag:s0] =	ssyncadd.tile.s32 @!p0 $0x1;
	_ =	shalt  }
.Lfunc_end2:
_tile_overlayer_lowered:
.L_overlay_start_2:
0x2ee: {  	(tag) =	ssettag $0x2  }
0x2ef: {  	s0 =	rddreg [dreg:$0x0];
	s2 =	stileid.u32  }
0x2f0: {  	s1 =	rddreg [dreg:$0x1];
	p0 =	sne.s32 s2, $0x0  }
0x2f1: {  	s3 =	rddreg [dreg:$0x2];
	[bflag:$0x3] =	sbarrier.arrive $0xFFFF;
	s2 =	simm.s32 @!p0 $0x1C02  }
0x2f2: {  	[timem:s3], [sflag:s2] =	dma.local @!p0 [hbm:s0], s1  }
0x2f3: {  	s0 =	simm.s32 @!p0 $0x2  }
0x2f4: {  	_ =	swait.ge @!p0 [sflag:s0], s1  }
0x2f5: {  	s1 =	ssub.s32 @!p0 $0x0, s1;
	[sflag:s0] =	ssyncset.done @!p0 $0x0  }
0x2f6: {  	[sflag:s0] =	ssyncadd.s32 @!p0 s1  }
0x2f7: {  	[bflag:$0x3] =	sbarrier.arrive $0xFFFF  }
0x2f8: {  	_ =	shalt  }

</sc_bundles>
